<compile_context>
chip_gen: v7x
topology: tpu7x:2x2x1
jax: 0.10.2.dev20260603
libtpu: 0.0.44.dev20260713+nightly
codegen_flags: <defaults>
</compile_context>

<pallas_src>
import functools

import jax
import jax.numpy as jnp
from jax import lax
from jax.experimental import pallas as pl
from jax.experimental.pallas import tpu as pltpu
from jax.experimental.pallas import tpu_sc as plsc

N = 10000
D = 128
ED = 4
L = 3
NC = 2
NS = 16
NW = NC * NS
K = 64
KS = 128
NPAD = 10112
RPT = NPAD // NS
H = NPAD // 2
NACC = 5120
APT = NPAD // NS
ZPT = NACC // NS

_HI = jax.lax.Precision.HIGHEST


def _mm(a, b):
    return jax.lax.dot_general(a, b, (((1,), (0,)), ((), ())),
                               preferred_element_type=jnp.float32,
                               precision=_HI)



def _sc_segsum_gather(table, idx2, z128):
    nbt = idx2.shape[0] - 1
    nbc = nbt // NS
    mesh = plsc.VectorSubcoreMesh(core_axis_name="c", subcore_axis_name="s")

    @functools.partial(
        pl.kernel,
        out_type=jax.ShapeDtypeStruct((NC, NACC, D), jnp.float32),
        mesh=mesh,
        scratch_types=[
            pltpu.VMEM((2, K), jnp.int32),
            pltpu.VMEM((2, K), jnp.int32),
            pltpu.VMEM((K,), jnp.int32),
            pltpu.VMEM((K, D), jnp.float32),
            pltpu.VMEM_SHARED((NPAD, D), jnp.float32),
            pltpu.VMEM_SHARED((NACC, D), jnp.float32),
            pltpu.SemaphoreType.DMA,
            pltpu.SemaphoreType.DMA,
            pltpu.SemaphoreType.DMA,
        ],
    )
    def k(table_h, idx_h, z_h, out_h, ixa, ixb, ixd, rows, tbl, acc,
          sema, semb, semg):
        c = lax.axis_index("c")
        s = lax.axis_index("s")
        b0 = s * nbc
        la = lambda j: pltpu.make_async_copy(idx_h.at[b0 + j], ixa, sema)
        lb = lambda j: pltpu.make_async_copy(idx_h.at[b0 + j], ixb, semb)
        la(0).start()
        pltpu.sync_copy(table_h.at[pl.ds(s * APT, APT)],
                        tbl.at[pl.ds(s * APT, APT)])
        pltpu.sync_copy(z_h.at[pl.ds(0, ZPT)], acc.at[pl.ds(s * ZPT, ZPT)])
        la(0).wait()
        plsc.subcore_barrier()
        cH = c * H
        vi = lax.iota(jnp.int32, 16)

        def process(ix):
            for g in range(K // 16):
                lv = ix[1, pl.ds(g * 16, 16)] - cH
                m = (lv >= 0) & (lv < H)
                tr = H + ((vi + g * 16) & 63)
                ixd[pl.ds(g * 16, 16)] = jnp.where(m, lv, tr)
            pltpu.async_copy(tbl.at[ix.at[0]], rows, semg).wait()
            pltpu.sync_copy(rows, acc.at[ixd], add=True)

        @pl.loop(0, nbc, step=2)
        def _(j):
            lb(j + 1).start()
            process(ixa)
            lb(j + 1).wait()
            la(j + 2).start()
            process(ixb)
            la(j + 2).wait()

        plsc.subcore_barrier()
        pltpu.sync_copy(acc.at[pl.ds(s * ZPT, ZPT)],
                        out_h.at[c, pl.ds(s * ZPT, ZPT)])

    return k(table, idx2, z128)


def _sc_segsum_rows(rows_tab, idx2, nb, z128):
    mesh = plsc.VectorSubcoreMesh(core_axis_name="c", subcore_axis_name="s")

    @functools.partial(
        pl.kernel,
        out_type=jax.ShapeDtypeStruct((NC, NPAD, D), jnp.float32),
        mesh=mesh,
        scratch_types=[
            pltpu.VMEM((2, KS), jnp.int32),
            pltpu.VMEM((2, KS), jnp.int32),
            pltpu.VMEM((KS, D), jnp.float32),
            pltpu.VMEM((KS, D), jnp.float32),
            pltpu.VMEM_SHARED((NPAD, D), jnp.float32),
            pltpu.SemaphoreType.DMA,
            pltpu.SemaphoreType.DMA,
        ],
    )
    def k(rows_h, idx_h, z_h, out_h, ixa, ixb, rowsa, rowsb, acc, sema,
          semb):
        c = lax.axis_index("c")
        s = lax.axis_index("s")
        pltpu.sync_copy(z_h, acc.at[pl.ds(s * RPT, RPT)])
        w = c * NS + s
        b0 = w * nb

        def la(j):
            return pltpu.make_async_copy(
                rows_h.at[pl.ds((b0 + j) * KS, KS)], rowsa, sema)

        def lb(j):
            return pltpu.make_async_copy(
                rows_h.at[pl.ds((b0 + j) * KS, KS)], rowsb, semb)

        pltpu.sync_copy(idx_h.at[b0], ixa)
        la(0).start()
        plsc.subcore_barrier()

        @pl.loop(0, nb, step=2)
        def _(j):
            pltpu.sync_copy(idx_h.at[b0 + j + 1], ixb)
            la(j).wait()
            lb(j + 1).start()
            pltpu.sync_copy(rowsa, acc.at[ixa.at[1]], add=True)
            pltpu.sync_copy(idx_h.at[b0 + j + 2], ixa)
            lb(j + 1).wait()
            la(j + 2).start()
            pltpu.sync_copy(rowsb, acc.at[ixb.at[1]], add=True)

        la(nb).wait()
        plsc.subcore_barrier()
        pltpu.sync_copy(acc.at[pl.ds(s * RPT, RPT)],
                        out_h.at[c, pl.ds(s * RPT, RPT)])

    return k(rows_tab, idx2, z128)



_BR = 1000
_GRID = N // _BR


def _tc_wprep(Wn, bn, We, be, Wm, bm):

    def body(wn, bn_, we, be_, wm, bm_, wa, ba_o, ce):
        for l in range(L):
            wm1 = wm[l, :D, :]
            wm2 = wm[l, D:, :]
            wa[l] = _mm(wn[l], wm1)
            ba_o[l] = _mm(bn_[l][None, :], wm1)
            row0 = _mm(be_[l][None, :], wm2) + bm_[l][None, :]
            wep = _mm(we[l], wm2)
            ce[l] = jnp.concatenate(
                [row0, wep, jnp.zeros((16 - 1 - ED, D), jnp.float32)], axis=0)

    return pl.pallas_call(
        body,
        out_shape=[
            jax.ShapeDtypeStruct((L, D, D), jnp.float32),
            jax.ShapeDtypeStruct((L, 1, D), jnp.float32),
            jax.ShapeDtypeStruct((L, 16, D), jnp.float32),
        ],
    )(Wn, bn, We, be, Wm, bm)


def _tc_init(x, Wp, bp, Wa0, ba0):

    def body(x_b, wp, bp_, wa, ba_, h_o, a_o):
        h = _mm(x_b[...], wp[...]) + bp_[...]
        h_o[...] = h
        a_o[...] = _mm(h, wa[...]) + ba_[...]

    full = lambda s: pl.BlockSpec(s, lambda i: (0,) * len(s))
    row = lambda c: pl.BlockSpec((_BR, c), lambda i: (i, 0))
    return pl.pallas_call(
        body,
        grid=(_GRID,),
        in_specs=[row(D), full((D, D)), full((1, D)), full((D, D)),
                  full((1, D))],
        out_specs=[row(D), row(D)],
        out_shape=[
            jax.ShapeDtypeStruct((N, D), jnp.float32),
            jax.ShapeDtypeStruct((NPAD, D), jnp.float32),
        ],
    )(x, Wp, bp, Wa0, ba0)


def _tc_layer(h, agg_in, st0, st1, ce, g, b, wa_n, ba_n, last):

    def body(h_b, a_b, s0_b, s1_b, ce_, g_, b_, *rest):
        if last:
            (h_o,) = rest
        else:
            wa, ba_, h_o, a_o = rest
        s = s0_b[...] + s1_b[...]
        agg = a_b[...] + _mm(s, ce_[...])
        mu = jnp.mean(agg, axis=1, keepdims=True)
        xc = agg - mu
        var = jnp.mean(xc * xc, axis=1, keepdims=True)
        hln = xc * jax.lax.rsqrt(var + 1e-5) * g_[...] + b_[...]
        hn = h_b[...] + jnp.maximum(hln, 0.0)
        h_o[...] = hn
        if not last:
            a_o[...] = _mm(hn, wa[...]) + ba_[...]

    full = lambda s: pl.BlockSpec(s, lambda i: (0,) * len(s))
    row = lambda c: pl.BlockSpec((_BR, c), lambda i: (i, 0))
    in_specs = [row(D), row(D), row(16), row(16), full((16, D)),
                full((1, D)), full((1, D))]
    out_specs = [row(D)]
    out_shape = [jax.ShapeDtypeStruct((N, D), jnp.float32)]
    args = [h, agg_in, st0, st1, ce, g, b]
    if not last:
        in_specs += [full((D, D)), full((1, D))]
        out_specs += [row(D)]
        out_shape += [jax.ShapeDtypeStruct((NPAD, D), jnp.float32)]
        args += [wa_n, ba_n]
    out = pl.pallas_call(
        body, grid=(_GRID,), in_specs=in_specs,
        out_specs=out_specs, out_shape=out_shape,
    )(*args)
    return out if not last else (out[0], None)



def kernel(x, edge_index, edge_attr, Wp, bp, Wn, bn, We, be, Wm, bm, lng, lnb):
    src = edge_index[0]
    dst = edge_index[1]
    E = src.shape[0]
    per_w = -(-E // NW)
    nb = -(-per_w // K)
    nb = nb + (nb % 2)
    P = nb * K
    EP = P * NW
    nbt = EP // K
    pad = EP - E
    srcp = jnp.concatenate([src, jnp.zeros((pad,), jnp.int32)])
    dstp = jnp.concatenate([dst, jnp.full((pad,), N, jnp.int32)])
    idx2 = jnp.stack([srcp.reshape(nbt, K), dstp.reshape(nbt, K)], axis=1)
    idx2 = jnp.concatenate([idx2, jnp.zeros((1, 2, K), jnp.int32)], axis=0)
    nbs = -(-per_w // KS)
    nbs = nbs + (nbs % 2)
    EPS = nbs * KS * NW
    pads = EPS - E
    dsts = jnp.concatenate([dst, jnp.full((pads,), N, jnp.int32)])
    dsts = dsts.reshape(EPS // KS, KS)
    spg = jnp.stack([dsts, dsts], axis=1)
    spg = jnp.concatenate([spg, jnp.zeros((1, 2, KS), jnp.int32)], axis=0)
    ea128 = jnp.concatenate(
        [jnp.ones((E, 1), jnp.float32), edge_attr,
         jnp.zeros((E, D - 1 - ED), jnp.float32)], axis=1)
    ea128 = jnp.concatenate(
        [ea128, jnp.zeros((pads + KS, D), jnp.float32)], axis=0)
    z128 = jnp.zeros((RPT, D), jnp.float32)

    Wa, ba, Ce = _tc_wprep(Wn, bn, We, be, Wm, bm)
    stats = _sc_segsum_rows(ea128, spg, nbs, z128)
    h, A = _tc_init(x, Wp, bp.reshape(1, D), Wa[0], ba[0])
    st0 = stats[0, :N, :16]
    st1 = stats[1, :N, :16]
    for l in range(L):
        acc = _sc_segsum_gather(A, idx2, z128)
        agg = jnp.concatenate([acc[0, :H], acc[1, :N - H]], axis=0)
        last = l == L - 1
        h, A = _tc_layer(
            h, agg, st0, st1, Ce[l],
            lng[l].reshape(1, D), lnb[l].reshape(1, D),
            None if last else Wa[l + 1], None if last else ba[l + 1], last)
    return h

# --- scband reference (transcript-rebuilt; emitter-appended) ---
"""Pipeline reference for scband-sslencoder-25967372272023 (READ-ONLY COPY).

The authoritative reference and input builder live on the scoring server;
editing this copy changes nothing except your own understanding.
"""

import jax, jax.numpy as jnp
import numpy as np

N = 10000
E = 320000
D = 128
ED = 4
L = 3


def setup_inputs(seed: int = 0) -> dict:
    key = jax.random.key(seed)
    ks = jax.random.split(key, 16)
    inp = {}
    inp['x'] = jax.random.normal(ks[0], (N, D), dtype=jnp.float32)
    inp['edge_index'] = jax.random.randint(ks[1], (2, E), 0, N, dtype=jnp.int32)
    inp['edge_attr'] = jax.random.normal(ks[2], (E, ED), dtype=jnp.float32)
    # parameters
    inp['Wp'] = jax.random.normal(ks[3], (D, D), dtype=jnp.float32) * (1.0 / np.sqrt(D))
    inp['bp'] = jnp.zeros((D,), dtype=jnp.float32)
    inp['Wn'] = jax.random.normal(ks[4], (L, D, D), dtype=jnp.float32) * (1.0 / np.sqrt(D))
    inp['bn'] = jnp.zeros((L, D), dtype=jnp.float32)
    inp['We'] = jax.random.normal(ks[5], (L, ED, D), dtype=jnp.float32) * (1.0 / np.sqrt(ED))
    inp['be'] = jnp.zeros((L, D), dtype=jnp.float32)
    inp['Wm'] = jax.random.normal(ks[6], (L, 2 * D, D), dtype=jnp.float32) * (1.0 / np.sqrt(2 * D))
    inp['bm'] = jnp.zeros((L, D), dtype=jnp.float32)
    inp['lng'] = jnp.ones((L, D), dtype=jnp.float32)
    inp['lnb'] = jnp.zeros((L, D), dtype=jnp.float32)
    return inp


def reference(x, edge_index, edge_attr, Wp, bp, Wn, bn, We, be, Wm, bm, lng, lnb):
    src = edge_index[0]
    dst = edge_index[1]
    h = x @ Wp + bp
    n_nodes = h.shape[0]
    for l in range(L):
        hn = h @ Wn[l] + bn[l]                      # lin_node
        ew = edge_attr @ We[l] + be[l]              # lin_edge
        xj = jnp.take(hn, src, axis=0)              # gather x_j (source nodes)
        msg = jnp.concatenate([xj, ew], axis=-1) @ Wm[l] + bm[l]  # lin_msg
        agg = jax.ops.segment_sum(msg, dst, num_segments=n_nodes)  # aggr='add' at dst
        mu = jnp.mean(agg, axis=-1, keepdims=True)
        var = jnp.var(agg, axis=-1, keepdims=True)
        hln = (agg - mu) / jnp.sqrt(var + 1e-5) * lng[l] + lnb[l]
        hact = jax.nn.relu(hln)
        # dropout is identity in eval mode
        h = h + hact
    return h

if __name__ == "__main__":
    import jax
    _d = setup_inputs()
    print(jax.jit(kernel)(*tuple(_d.values())))

</pallas_src>

<mosaic_0001>
#map = affine_map<(d0, d1) -> (0, 0)>
#map1 = affine_map<(d0, d1) -> (0, 0, 0)>
module attributes {stable_mosaic.version = 14 : i64} {
  func.func @k(%arg0: i32, %arg1: i32, %arg2: memref<10112x128xf32, #tpu.memory_space<hbm>>, %arg3: memref<5057x2x64xi32, #tpu.memory_space<hbm>>, %arg4: memref<632x128xf32, #tpu.memory_space<hbm>>, %arg5: memref<2x5120x128xf32, #tpu.memory_space<hbm>>, %arg6: memref<2x64xi32, #tpu.memory_space<vmem>>, %arg7: memref<2x64xi32, #tpu.memory_space<vmem>>, %arg8: memref<64xi32, #tpu.memory_space<vmem>>, %arg9: memref<64x128xf32, #tpu.memory_space<vmem>>, %arg10: memref<10112x128xf32, #tpu.memory_space<vmem_shared>>, %arg11: memref<5120x128xf32, #tpu.memory_space<vmem_shared>>, %arg12: memref<!tpu.dma_semaphore, #tpu.memory_space<semaphore_mem>>, %arg13: memref<!tpu.dma_semaphore, #tpu.memory_space<semaphore_mem>>, %arg14: memref<!tpu.dma_semaphore, #tpu.memory_space<semaphore_mem>>) attributes {dimension_semantics = [#tpu.dimension_semantics<core_parallel>, #tpu.dimension_semantics<subcore_parallel>], iteration_bounds = array<i64: 2, 16>, scalar_prefetch = 0 : i64, scratch_operands = 9 : i64, tpu.core_type = #tpu.core_type<sc_vector_subcore>, window_params = [{transform_indices = #map}, {transform_indices = #map1}, {transform_indices = #map}, {transform_indices = #map1}]} {
    %mul3A = arith.constant 316 : i32
    %mul3A_0 = arith.muli %arg1, %mul3A : i32
    %add3A = arith.constant 0 : i32
    %add3A_1 = arith.addi %mul3A_0, %add3A : i32
    %dma_start3A = arith.constant 0 : i32
    %dma_start3A_2 = arith.constant 0 : i32
    %dma_start3A_3 = tpu.memref_slice %arg3[%add3A_1, %dma_start3A, %dma_start3A_2] : memref<5057x2x64xi32, #tpu.memory_space<hbm>> -> memref<1x2x64xi32, #tpu.memory_space<hbm>>
    %dma_start3A_4 = tpu.memref_squeeze %dma_start3A_3 : memref<1x2x64xi32, #tpu.memory_space<hbm>> -> memref<2x64xi32, #tpu.memory_space<hbm>>
    %dma_start3A_5 = arith.constant 0 : i32
    %dma_start3A_6 = arith.constant 0 : i32
    %dma_start3A_7 = tpu.memref_slice %arg3[%add3A_1, %dma_start3A_5, %dma_start3A_6] : memref<5057x2x64xi32, #tpu.memory_space<hbm>> -> memref<1x2x64xi32, #tpu.memory_space<hbm>>
    %dma_start3A_8 = tpu.memref_squeeze %dma_start3A_7 : memref<1x2x64xi32, #tpu.memory_space<hbm>> -> memref<2x64xi32, #tpu.memory_space<hbm>>
    tpu.enqueue_dma source(%dma_start3A_8 : memref<2x64xi32, #tpu.memory_space<hbm>>) target(%arg6 : memref<2x64xi32, #tpu.memory_space<vmem>>) target_semaphore(%arg12 : memref<!tpu.dma_semaphore, #tpu.memory_space<semaphore_mem>>)
    %mul3A_9 = arith.constant 632 : i32
    %mul3A_10 = arith.muli %arg1, %mul3A_9 : i32
    %mul3A_11 = arith.constant 632 : i32
    %mul3A_12 = arith.muli %arg1, %mul3A_11 : i32
    "tpu.region"() ({
      %run_scoped3A = tpu.sem_alloc : memref<!tpu.dma_semaphore, #tpu.memory_space<semaphore_mem>>
      %dma_start3A_35 = arith.constant 0 : i32
      %dma_start3A_36 = tpu.memref_slice %arg10[%mul3A_12, %dma_start3A_35] : memref<10112x128xf32, #tpu.memory_space<vmem_shared>> -> memref<632x128xf32, #tpu.memory_space<vmem_shared>>
      %dma_start3A_37 = arith.constant 0 : i32
      %dma_start3A_38 = tpu.memref_slice %arg2[%mul3A_10, %dma_start3A_37] : memref<10112x128xf32, #tpu.memory_space<hbm>> -> memref<632x128xf32, #tpu.memory_space<hbm>>
      tpu.enqueue_dma source(%dma_start3A_38 : memref<632x128xf32, #tpu.memory_space<hbm>>) target(%dma_start3A_36 : memref<632x128xf32, #tpu.memory_space<vmem_shared>>) target_semaphore(%run_scoped3A : memref<!tpu.dma_semaphore, #tpu.memory_space<semaphore_mem>>)
      %dma_wait3A_39 = arith.constant 0 : i32
      %dma_wait3A_40 = tpu.memref_slice %arg10[%mul3A_12, %dma_wait3A_39] : memref<10112x128xf32, #tpu.memory_space<vmem_shared>> -> memref<632x128xf32, #tpu.memory_space<vmem_shared>>
      %dma_wait3A_41 = arith.constant 0 : i32
      %dma_wait3A_42 = tpu.memref_slice %arg2[%mul3A_10, %dma_wait3A_41] : memref<10112x128xf32, #tpu.memory_space<hbm>> -> memref<632x128xf32, #tpu.memory_space<hbm>>
      tpu.wait_dma2 semaphore(%run_scoped3A : memref<!tpu.dma_semaphore, #tpu.memory_space<semaphore_mem>>) src(%dma_wait3A_42 : memref<632x128xf32, #tpu.memory_space<hbm>>) dst(%dma_wait3A_40 : memref<632x128xf32, #tpu.memory_space<vmem_shared>>)
      tpu.yield
    }) : () -> ()
    %mul3A_13 = arith.constant 320 : i32
    %mul3A_14 = arith.muli %arg1, %mul3A_13 : i32
    "tpu.region"() ({
      %run_scoped3A = tpu.sem_alloc : memref<!tpu.dma_semaphore, #tpu.memory_space<semaphore_mem>>
      %dma_start3A_35 = arith.constant 0 : i32
      %dma_start3A_36 = tpu.memref_slice %arg11[%mul3A_14, %dma_start3A_35] : memref<5120x128xf32, #tpu.memory_space<vmem_shared>> -> memref<320x128xf32, #tpu.memory_space<vmem_shared>>
      %dma_start3A_37 = arith.constant 0 : i32
      %dma_start3A_38 = arith.constant 0 : i32
      %dma_start3A_39 = tpu.memref_slice %arg4[%dma_start3A_37, %dma_start3A_38] : memref<632x128xf32, #tpu.memory_space<hbm>> -> memref<320x128xf32, #tpu.memory_space<hbm>>
      tpu.enqueue_dma source(%dma_start3A_39 : memref<320x128xf32, #tpu.memory_space<hbm>>) target(%dma_start3A_36 : memref<320x128xf32, #tpu.memory_space<vmem_shared>>) target_semaphore(%run_scoped3A : memref<!tpu.dma_semaphore, #tpu.memory_space<semaphore_mem>>)
      %dma_wait3A_40 = arith.constant 0 : i32
      %dma_wait3A_41 = tpu.memref_slice %arg11[%mul3A_14, %dma_wait3A_40] : memref<5120x128xf32, #tpu.memory_space<vmem_shared>> -> memref<320x128xf32, #tpu.memory_space<vmem_shared>>
      %dma_wait3A_42 = arith.constant 0 : i32
      %dma_wait3A_43 = arith.constant 0 : i32
      %dma_wait3A_44 = tpu.memref_slice %arg4[%dma_wait3A_42, %dma_wait3A_43] : memref<632x128xf32, #tpu.memory_space<hbm>> -> memref<320x128xf32, #tpu.memory_space<hbm>>
      tpu.wait_dma2 semaphore(%run_scoped3A : memref<!tpu.dma_semaphore, #tpu.memory_space<semaphore_mem>>) src(%dma_wait3A_44 : memref<320x128xf32, #tpu.memory_space<hbm>>) dst(%dma_wait3A_41 : memref<320x128xf32, #tpu.memory_space<vmem_shared>>)
      tpu.yield
    }) : () -> ()
    %add3A_15 = arith.constant 0 : i32
    %add3A_16 = arith.addi %mul3A_0, %add3A_15 : i32
    %dma_wait3A = arith.constant 0 : i32
    %dma_wait3A_17 = arith.constant 0 : i32
    %dma_wait3A_18 = tpu.memref_slice %arg3[%add3A_16, %dma_wait3A, %dma_wait3A_17] : memref<5057x2x64xi32, #tpu.memory_space<hbm>> -> memref<1x2x64xi32, #tpu.memory_space<hbm>>
    %dma_wait3A_19 = tpu.memref_squeeze %dma_wait3A_18 : memref<1x2x64xi32, #tpu.memory_space<hbm>> -> memref<2x64xi32, #tpu.memory_space<hbm>>
    %dma_wait3A_20 = arith.constant 0 : i32
    %dma_wait3A_21 = arith.constant 0 : i32
    %dma_wait3A_22 = tpu.memref_slice %arg3[%add3A_16, %dma_wait3A_20, %dma_wait3A_21] : memref<5057x2x64xi32, #tpu.memory_space<hbm>> -> memref<1x2x64xi32, #tpu.memory_space<hbm>>
    %dma_wait3A_23 = tpu.memref_squeeze %dma_wait3A_22 : memref<1x2x64xi32, #tpu.memory_space<hbm>> -> memref<2x64xi32, #tpu.memory_space<hbm>>
    tpu.wait_dma2 semaphore(%arg12 : memref<!tpu.dma_semaphore, #tpu.memory_space<semaphore_mem>>) src(%dma_wait3A_23 : memref<2x64xi32, #tpu.memory_space<hbm>>) dst(%arg6 : memref<2x64xi32, #tpu.memory_space<vmem>>)
    %barrier3A = arith.constant 0 : index
    tpu.barrier barrier_id(%barrier3A)
    %mul3A_24 = arith.constant 5056 : i32
    %mul3A_25 = arith.muli %arg0, %mul3A_24 : i32
    %iota3A = tpu.iota {dimensions = array<i32: 0>} : vector<16xi32>
    %scan3A = arith.constant 0 : i32
    %scan3A_26 = arith.constant 158 : i32
    %scan3A_27 = arith.addi %scan3A, %scan3A_26 : i32
    %scan3A_28 = arith.constant 1 : i32
    scf.for %scan3A_35 = %scan3A to %scan3A_27 step %scan3A_28  : i32 {
      %mul3A_36 = arith.constant 2 : i32
      %mul3A_37 = arith.muli %scan3A_35, %mul3A_36 : i32
      %add3A_38 = arith.constant 0 : i32
      %add3A_39 = arith.addi %add3A_38, %mul3A_37 : i32
      %add3A_40 = arith.constant 1 : i32
      %add3A_41 = arith.addi %add3A_39, %add3A_40 : i32
      %add3A_42 = arith.addi %mul3A_0, %add3A_41 : i32
      %dma_start3A_43 = arith.constant 0 : i32
      %dma_start3A_44 = arith.constant 0 : i32
      %dma_start3A_45 = tpu.memref_slice %arg3[%add3A_42, %dma_start3A_43, %dma_start3A_44] : memref<5057x2x64xi32, #tpu.memory_space<hbm>> -> memref<1x2x64xi32, #tpu.memory_space<hbm>>
      %dma_start3A_46 = tpu.memref_squeeze %dma_start3A_45 : memref<1x2x64xi32, #tpu.memory_space<hbm>> -> memref<2x64xi32, #tpu.memory_space<hbm>>
      %dma_start3A_47 = arith.constant 0 : i32
      %dma_start3A_48 = arith.constant 0 : i32
      %dma_start3A_49 = tpu.memref_slice %arg3[%add3A_42, %dma_start3A_47, %dma_start3A_48] : memref<5057x2x64xi32, #tpu.memory_space<hbm>> -> memref<1x2x64xi32, #tpu.memory_space<hbm>>
      %dma_start3A_50 = tpu.memref_squeeze %dma_start3A_49 : memref<1x2x64xi32, #tpu.memory_space<hbm>> -> memref<2x64xi32, #tpu.memory_space<hbm>>
      tpu.enqueue_dma source(%dma_start3A_50 : memref<2x64xi32, #tpu.memory_space<hbm>>) target(%arg7 : memref<2x64xi32, #tpu.memory_space<vmem>>) target_semaphore(%arg13 : memref<!tpu.dma_semaphore, #tpu.memory_space<semaphore_mem>>)
      %get3A = arith.constant 1 : i32
      %get3A_51 = arith.index_cast %get3A : i32 to index
      %get3A_52 = arith.constant 0 : index
      %get3A_53 = tpu.vector_load %arg6[%get3A_51, %get3A_52] {strides = array<i32>} : memref<2x64xi32, #tpu.memory_space<vmem>>, vector<1x16xi32>,
      %get3A_54 = vector.shape_cast %get3A_53 : vector<1x16xi32> to vector<16xi32>
      %sub3A = vector.broadcast %mul3A_25 : i32 to vector<16xi32>
      %sub3A_55 = arith.subi %get3A_54, %sub3A : vector<16xi32>
      %ge3A = arith.constant 0 : i32
      %ge3A_56 = vector.broadcast %ge3A : i32 to vector<16xi32>
      %ge3A_57 = arith.cmpi sge, %sub3A_55, %ge3A_56 : vector<16xi32>
      %lt3A = arith.constant 5056 : i32
      %lt3A_58 = vector.broadcast %lt3A : i32 to vector<16xi32>
      %lt3A_59 = arith.cmpi slt, %sub3A_55, %lt3A_58 : vector<16xi32>
      %and3A = arith.andi %ge3A_57, %lt3A_59 : vector<16xi1>
      %add3A_60 = arith.constant 0 : i32
      %add3A_61 = vector.broadcast %add3A_60 : i32 to vector<16xi32>
      %add3A_62 = arith.addi %iota3A, %add3A_61 : vector<16xi32>
      %and3A_63 = arith.constant 63 : i32
      %and3A_64 = vector.broadcast %and3A_63 : i32 to vector<16xi32>
      %and3A_65 = arith.andi %add3A_62, %and3A_64 : vector<16xi32>
      %add3A_66 = arith.constant 5056 : i32
      %add3A_67 = vector.broadcast %add3A_66 : i32 to vector<16xi32>
      %add3A_68 = arith.addi %add3A_67, %and3A_65 : vector<16xi32>
      %select_n3A = arith.select %and3A, %sub3A_55, %add3A_68 : vector<16xi1>, vector<16xi32>
      %swap3A = arith.constant 0 : index
      %swap3A_69 = tpu.vector_load %arg8[%swap3A] {strides = array<i32>} : memref<64xi32, #tpu.memory_space<vmem>>, vector<16xi32>,
      %swap3A_70 = vector.shape_cast %swap3A_69 : vector<16xi32> to vector<16xi32>
      %swap3A_71 = vector.shape_cast %select_n3A : vector<16xi32> to vector<16xi32>
      tpu.vector_store %arg8[%swap3A], %swap3A_71 {strides = array<i32>} : memref<64xi32, #tpu.memory_space<vmem>>, vector<16xi32>,
      %get3A_72 = arith.constant 1 : i32
      %get3A_73 = arith.index_cast %get3A_72 : i32 to index
      %get3A_74 = arith.constant 16 : index
      %get3A_75 = tpu.vector_load %arg6[%get3A_73, %get3A_74] {strides = array<i32>} : memref<2x64xi32, #tpu.memory_space<vmem>>, vector<1x16xi32>,
      %get3A_76 = vector.shape_cast %get3A_75 : vector<1x16xi32> to vector<16xi32>
      %sub3A_77 = vector.broadcast %mul3A_25 : i32 to vector<16xi32>
      %sub3A_78 = arith.subi %get3A_76, %sub3A_77 : vector<16xi32>
      %ge3A_79 = arith.constant 0 : i32
      %ge3A_80 = vector.broadcast %ge3A_79 : i32 to vector<16xi32>
      %ge3A_81 = arith.cmpi sge, %sub3A_78, %ge3A_80 : vector<16xi32>
      %lt3A_82 = arith.constant 5056 : i32
      %lt3A_83 = vector.broadcast %lt3A_82 : i32 to vector<16xi32>
      %lt3A_84 = arith.cmpi slt, %sub3A_78, %lt3A_83 : vector<16xi32>
      %and3A_85 = arith.andi %ge3A_81, %lt3A_84 : vector<16xi1>
      %add3A_86 = arith.constant 16 : i32
      %add3A_87 = vector.broadcast %add3A_86 : i32 to vector<16xi32>
      %add3A_88 = arith.addi %iota3A, %add3A_87 : vector<16xi32>
      %and3A_89 = arith.constant 63 : i32
      %and3A_90 = vector.broadcast %and3A_89 : i32 to vector<16xi32>
      %and3A_91 = arith.andi %add3A_88, %and3A_90 : vector<16xi32>
      %add3A_92 = arith.constant 5056 : i32
      %add3A_93 = vector.broadcast %add3A_92 : i32 to vector<16xi32>
      %add3A_94 = arith.addi %add3A_93, %and3A_91 : vector<16xi32>
      %select_n3A_95 = arith.select %and3A_85, %sub3A_78, %add3A_94 : vector<16xi1>, vector<16xi32>
      %swap3A_96 = arith.constant 16 : index
      %swap3A_97 = tpu.vector_load %arg8[%swap3A_96] {strides = array<i32>} : memref<64xi32, #tpu.memory_space<vmem>>, vector<16xi32>,
      %swap3A_98 = vector.shape_cast %swap3A_97 : vector<16xi32> to vector<16xi32>
      %swap3A_99 = vector.shape_cast %select_n3A_95 : vector<16xi32> to vector<16xi32>
      tpu.vector_store %arg8[%swap3A_96], %swap3A_99 {strides = array<i32>} : memref<64xi32, #tpu.memory_space<vmem>>, vector<16xi32>,
      %get3A_100 = arith.constant 1 : i32
      %get3A_101 = arith.index_cast %get3A_100 : i32 to index
      %get3A_102 = arith.constant 32 : index
      %get3A_103 = tpu.vector_load %arg6[%get3A_101, %get3A_102] {strides = array<i32>} : memref<2x64xi32, #tpu.memory_space<vmem>>, vector<1x16xi32>,
      %get3A_104 = vector.shape_cast %get3A_103 : vector<1x16xi32> to vector<16xi32>
      %sub3A_105 = vector.broadcast %mul3A_25 : i32 to vector<16xi32>
      %sub3A_106 = arith.subi %get3A_104, %sub3A_105 : vector<16xi32>
      %ge3A_107 = arith.constant 0 : i32
      %ge3A_108 = vector.broadcast %ge3A_107 : i32 to vector<16xi32>
      %ge3A_109 = arith.cmpi sge, %sub3A_106, %ge3A_108 : vector<16xi32>
      %lt3A_110 = arith.constant 5056 : i32
      %lt3A_111 = vector.broadcast %lt3A_110 : i32 to vector<16xi32>
      %lt3A_112 = arith.cmpi slt, %sub3A_106, %lt3A_111 : vector<16xi32>
      %and3A_113 = arith.andi %ge3A_109, %lt3A_112 : vector<16xi1>
      %add3A_114 = arith.constant 32 : i32
      %add3A_115 = vector.broadcast %add3A_114 : i32 to vector<16xi32>
      %add3A_116 = arith.addi %iota3A, %add3A_115 : vector<16xi32>
      %and3A_117 = arith.constant 63 : i32
      %and3A_118 = vector.broadcast %and3A_117 : i32 to vector<16xi32>
      %and3A_119 = arith.andi %add3A_116, %and3A_118 : vector<16xi32>
      %add3A_120 = arith.constant 5056 : i32
      %add3A_121 = vector.broadcast %add3A_120 : i32 to vector<16xi32>
      %add3A_122 = arith.addi %add3A_121, %and3A_119 : vector<16xi32>
      %select_n3A_123 = arith.select %and3A_113, %sub3A_106, %add3A_122 : vector<16xi1>, vector<16xi32>
      %swap3A_124 = arith.constant 32 : index
      %swap3A_125 = tpu.vector_load %arg8[%swap3A_124] {strides = array<i32>} : memref<64xi32, #tpu.memory_space<vmem>>, vector<16xi32>,
      %swap3A_126 = vector.shape_cast %swap3A_125 : vector<16xi32> to vector<16xi32>
      %swap3A_127 = vector.shape_cast %select_n3A_123 : vector<16xi32> to vector<16xi32>
      tpu.vector_store %arg8[%swap3A_124], %swap3A_127 {strides = array<i32>} : memref<64xi32, #tpu.memory_space<vmem>>, vector<16xi32>,
      %get3A_128 = arith.constant 1 : i32
      %get3A_129 = arith.index_cast %get3A_128 : i32 to index
      %get3A_130 = arith.constant 48 : index
      %get3A_131 = tpu.vector_load %arg6[%get3A_129, %get3A_130] {strides = array<i32>} : memref<2x64xi32, #tpu.memory_space<vmem>>, vector<1x16xi32>,
      %get3A_132 = vector.shape_cast %get3A_131 : vector<1x16xi32> to vector<16xi32>
      %sub3A_133 = vector.broadcast %mul3A_25 : i32 to vector<16xi32>
      %sub3A_134 = arith.subi %get3A_132, %sub3A_133 : vector<16xi32>
      %ge3A_135 = arith.constant 0 : i32
      %ge3A_136 = vector.broadcast %ge3A_135 : i32 to vector<16xi32>
      %ge3A_137 = arith.cmpi sge, %sub3A_134, %ge3A_136 : vector<16xi32>
      %lt3A_138 = arith.constant 5056 : i32
      %lt3A_139 = vector.broadcast %lt3A_138 : i32 to vector<16xi32>
      %lt3A_140 = arith.cmpi slt, %sub3A_134, %lt3A_139 : vector<16xi32>
      %and3A_141 = arith.andi %ge3A_137, %lt3A_140 : vector<16xi1>
      %add3A_142 = arith.constant 48 : i32
      %add3A_143 = vector.broadcast %add3A_142 : i32 to vector<16xi32>
      %add3A_144 = arith.addi %iota3A, %add3A_143 : vector<16xi32>
      %and3A_145 = arith.constant 63 : i32
      %and3A_146 = vector.broadcast %and3A_145 : i32 to vector<16xi32>
      %and3A_147 = arith.andi %add3A_144, %and3A_146 : vector<16xi32>
      %add3A_148 = arith.constant 5056 : i32
      %add3A_149 = vector.broadcast %add3A_148 : i32 to vector<16xi32>
      %add3A_150 = arith.addi %add3A_149, %and3A_147 : vector<16xi32>
      %select_n3A_151 = arith.select %and3A_141, %sub3A_134, %add3A_150 : vector<16xi1>, vector<16xi32>
      %swap3A_152 = arith.constant 48 : index
      %swap3A_153 = tpu.vector_load %arg8[%swap3A_152] {strides = array<i32>} : memref<64xi32, #tpu.memory_space<vmem>>, vector<16xi32>,
      %swap3A_154 = vector.shape_cast %swap3A_153 : vector<16xi32> to vector<16xi32>
      %swap3A_155 = vector.shape_cast %select_n3A_151 : vector<16xi32> to vector<16xi32>
      tpu.vector_store %arg8[%swap3A_152], %swap3A_155 {strides = array<i32>} : memref<64xi32, #tpu.memory_space<vmem>>, vector<16xi32>,
      %dma_start3A_156 = arith.constant 0 : i32
      %dma_start3A_157 = arith.constant 0 : i32
      %dma_start3A_158 = tpu.memref_slice %arg6[%dma_start3A_156, %dma_start3A_157] : memref<2x64xi32, #tpu.memory_space<vmem>> -> memref<1x64xi32, #tpu.memory_space<vmem>>
      %dma_start3A_159 = tpu.memref_squeeze %dma_start3A_158 : memref<1x64xi32, #tpu.memory_space<vmem>> -> memref<64xi32, #tpu.memory_space<vmem>>
      %dma_start3A_160 = arith.constant 0 : i32
      %dma_start3A_161 = arith.constant 0 : i32
      %dma_start3A_162 = tpu.memref_slice %arg10[%dma_start3A_160, %dma_start3A_161] : memref<10112x128xf32, #tpu.memory_space<vmem_shared>> -> memref<10112x128xf32, #tpu.memory_space<vmem_shared>>
      tpu.enqueue_indirect_dma source(%dma_start3A_162 : memref<10112x128xf32, #tpu.memory_space<vmem_shared>>) target(%arg9 : memref<64x128xf32, #tpu.memory_space<vmem>>) offsets(%dma_start3A_159 : memref<64xi32, #tpu.memory_space<vmem>>) semaphore(%arg14 : memref<!tpu.dma_semaphore, #tpu.memory_space<semaphore_mem>>)
      %dma_wait3A_163 = arith.constant 0 : i32
      %dma_wait3A_164 = arith.constant 0 : i32
      %dma_wait3A_165 = tpu.memref_slice %arg6[%dma_wait3A_163, %dma_wait3A_164] : memref<2x64xi32, #tpu.memory_space<vmem>> -> memref<1x64xi32, #tpu.memory_space<vmem>>
      %dma_wait3A_166 = tpu.memref_squeeze %dma_wait3A_165 : memref<1x64xi32, #tpu.memory_space<vmem>> -> memref<64xi32, #tpu.memory_space<vmem>>
      %dma_wait3A_167 = arith.constant 0 : i32
      %dma_wait3A_168 = arith.constant 0 : i32
      %dma_wait3A_169 = tpu.memref_slice %arg10[%dma_wait3A_167, %dma_wait3A_168] : memref<10112x128xf32, #tpu.memory_space<vmem_shared>> -> memref<10112x128xf32, #tpu.memory_space<vmem_shared>>
      tpu.wait_indirect_dma semaphore(%arg14 : memref<!tpu.dma_semaphore, #tpu.memory_space<semaphore_mem>>) src(%dma_wait3A_169 : memref<10112x128xf32, #tpu.memory_space<vmem_shared>>) dst(%arg9 : memref<64x128xf32, #tpu.memory_space<vmem>>)
      "tpu.region"() ({
        %run_scoped3A = tpu.sem_alloc : memref<!tpu.dma_semaphore, #tpu.memory_space<semaphore_mem>>
        %dma_start3A_329 = arith.constant 0 : i32
        %dma_start3A_330 = arith.constant 0 : i32
        %dma_start3A_331 = tpu.memref_slice %arg11[%dma_start3A_329, %dma_start3A_330] : memref<5120x128xf32, #tpu.memory_space<vmem_shared>> -> memref<5120x128xf32, #tpu.memory_space<vmem_shared>>
        tpu.enqueue_indirect_dma source(%arg9 : memref<64x128xf32, #tpu.memory_space<vmem>>) target(%dma_start3A_331 : memref<5120x128xf32, #tpu.memory_space<vmem_shared>>) offsets(%arg8 : memref<64xi32, #tpu.memory_space<vmem>>) semaphore(%run_scoped3A : memref<!tpu.dma_semaphore, #tpu.memory_space<semaphore_mem>>) {add = true}
        %dma_wait3A_332 = arith.constant 0 : i32
        %dma_wait3A_333 = arith.constant 0 : i32
        %dma_wait3A_334 = tpu.memref_slice %arg11[%dma_wait3A_332, %dma_wait3A_333] : memref<5120x128xf32, #tpu.memory_space<vmem_shared>> -> memref<5120x128xf32, #tpu.memory_space<vmem_shared>>
        tpu.wait_indirect_dma semaphore(%run_scoped3A : memref<!tpu.dma_semaphore, #tpu.memory_space<semaphore_mem>>) src(%arg9 : memref<64x128xf32, #tpu.memory_space<vmem>>) dst(%dma_wait3A_334 : memref<5120x128xf32, #tpu.memory_space<vmem_shared>>)
        tpu.yield
      }) : () -> ()
      %add3A_170 = arith.constant 1 : i32
      %add3A_171 = arith.addi %add3A_39, %add3A_170 : i32
      %add3A_172 = arith.addi %mul3A_0, %add3A_171 : i32
      %dma_wait3A_173 = arith.constant 0 : i32
      %dma_wait3A_174 = arith.constant 0 : i32
      %dma_wait3A_175 = tpu.memref_slice %arg3[%add3A_172, %dma_wait3A_173, %dma_wait3A_174] : memref<5057x2x64xi32, #tpu.memory_space<hbm>> -> memref<1x2x64xi32, #tpu.memory_space<hbm>>
      %dma_wait3A_176 = tpu.memref_squeeze %dma_wait3A_175 : memref<1x2x64xi32, #tpu.memory_space<hbm>> -> memref<2x64xi32, #tpu.memory_space<hbm>>
      %dma_wait3A_177 = arith.constant 0 : i32
      %dma_wait3A_178 = arith.constant 0 : i32
      %dma_wait3A_179 = tpu.memref_slice %arg3[%add3A_172, %dma_wait3A_177, %dma_wait3A_178] : memref<5057x2x64xi32, #tpu.memory_space<hbm>> -> memref<1x2x64xi32, #tpu.memory_space<hbm>>
      %dma_wait3A_180 = tpu.memref_squeeze %dma_wait3A_179 : memref<1x2x64xi32, #tpu.memory_space<hbm>> -> memref<2x64xi32, #tpu.memory_space<hbm>>
      tpu.wait_dma2 semaphore(%arg13 : memref<!tpu.dma_semaphore, #tpu.memory_space<semaphore_mem>>) src(%dma_wait3A_180 : memref<2x64xi32, #tpu.memory_space<hbm>>) dst(%arg7 : memref<2x64xi32, #tpu.memory_space<vmem>>)
      %add3A_181 = arith.constant 2 : i32
      %add3A_182 = arith.addi %add3A_39, %add3A_181 : i32
      %add3A_183 = arith.addi %mul3A_0, %add3A_182 : i32
      %dma_start3A_184 = arith.constant 0 : i32
      %dma_start3A_185 = arith.constant 0 : i32
      %dma_start3A_186 = tpu.memref_slice %arg3[%add3A_183, %dma_start3A_184, %dma_start3A_185] : memref<5057x2x64xi32, #tpu.memory_space<hbm>> -> memref<1x2x64xi32, #tpu.memory_space<hbm>>
      %dma_start3A_187 = tpu.memref_squeeze %dma_start3A_186 : memref<1x2x64xi32, #tpu.memory_space<hbm>> -> memref<2x64xi32, #tpu.memory_space<hbm>>
      %dma_start3A_188 = arith.constant 0 : i32
      %dma_start3A_189 = arith.constant 0 : i32
      %dma_start3A_190 = tpu.memref_slice %arg3[%add3A_183, %dma_start3A_188, %dma_start3A_189] : memref<5057x2x64xi32, #tpu.memory_space<hbm>> -> memref<1x2x64xi32, #tpu.memory_space<hbm>>
      %dma_start3A_191 = tpu.memref_squeeze %dma_start3A_190 : memref<1x2x64xi32, #tpu.memory_space<hbm>> -> memref<2x64xi32, #tpu.memory_space<hbm>>
      tpu.enqueue_dma source(%dma_start3A_191 : memref<2x64xi32, #tpu.memory_space<hbm>>) target(%arg6 : memref<2x64xi32, #tpu.memory_space<vmem>>) target_semaphore(%arg12 : memref<!tpu.dma_semaphore, #tpu.memory_space<semaphore_mem>>)
      %get3A_192 = arith.constant 1 : i32
      %get3A_193 = arith.index_cast %get3A_192 : i32 to index
      %get3A_194 = arith.constant 0 : index
      %get3A_195 = tpu.vector_load %arg7[%get3A_193, %get3A_194] {strides = array<i32>} : memref<2x64xi32, #tpu.memory_space<vmem>>, vector<1x16xi32>,
      %get3A_196 = vector.shape_cast %get3A_195 : vector<1x16xi32> to vector<16xi32>
      %sub3A_197 = vector.broadcast %mul3A_25 : i32 to vector<16xi32>
      %sub3A_198 = arith.subi %get3A_196, %sub3A_197 : vector<16xi32>
      %ge3A_199 = arith.constant 0 : i32
      %ge3A_200 = vector.broadcast %ge3A_199 : i32 to vector<16xi32>
      %ge3A_201 = arith.cmpi sge, %sub3A_198, %ge3A_200 : vector<16xi32>
      %lt3A_202 = arith.constant 5056 : i32
      %lt3A_203 = vector.broadcast %lt3A_202 : i32 to vector<16xi32>
      %lt3A_204 = arith.cmpi slt, %sub3A_198, %lt3A_203 : vector<16xi32>
      %and3A_205 = arith.andi %ge3A_201, %lt3A_204 : vector<16xi1>
      %add3A_206 = arith.constant 0 : i32
      %add3A_207 = vector.broadcast %add3A_206 : i32 to vector<16xi32>
      %add3A_208 = arith.addi %iota3A, %add3A_207 : vector<16xi32>
      %and3A_209 = arith.constant 63 : i32
      %and3A_210 = vector.broadcast %and3A_209 : i32 to vector<16xi32>
      %and3A_211 = arith.andi %add3A_208, %and3A_210 : vector<16xi32>
      %add3A_212 = arith.constant 5056 : i32
      %add3A_213 = vector.broadcast %add3A_212 : i32 to vector<16xi32>
      %add3A_214 = arith.addi %add3A_213, %and3A_211 : vector<16xi32>
      %select_n3A_215 = arith.select %and3A_205, %sub3A_198, %add3A_214 : vector<16xi1>, vector<16xi32>
      %swap3A_216 = arith.constant 0 : index
      %swap3A_217 = tpu.vector_load %arg8[%swap3A_216] {strides = array<i32>} : memref<64xi32, #tpu.memory_space<vmem>>, vector<16xi32>,
      %swap3A_218 = vector.shape_cast %swap3A_217 : vector<16xi32> to vector<16xi32>
      %swap3A_219 = vector.shape_cast %select_n3A_215 : vector<16xi32> to vector<16xi32>
      tpu.vector_store %arg8[%swap3A_216], %swap3A_219 {strides = array<i32>} : memref<64xi32, #tpu.memory_space<vmem>>, vector<16xi32>,
      %get3A_220 = arith.constant 1 : i32
      %get3A_221 = arith.index_cast %get3A_220 : i32 to index
      %get3A_222 = arith.constant 16 : index
      %get3A_223 = tpu.vector_load %arg7[%get3A_221, %get3A_222] {strides = array<i32>} : memref<2x64xi32, #tpu.memory_space<vmem>>, vector<1x16xi32>,
      %get3A_224 = vector.shape_cast %get3A_223 : vector<1x16xi32> to vector<16xi32>
      %sub3A_225 = vector.broadcast %mul3A_25 : i32 to vector<16xi32>
      %sub3A_226 = arith.subi %get3A_224, %sub3A_225 : vector<16xi32>
      %ge3A_227 = arith.constant 0 : i32
      %ge3A_228 = vector.broadcast %ge3A_227 : i32 to vector<16xi32>
      %ge3A_229 = arith.cmpi sge, %sub3A_226, %ge3A_228 : vector<16xi32>
      %lt3A_230 = arith.constant 5056 : i32
      %lt3A_231 = vector.broadcast %lt3A_230 : i32 to vector<16xi32>
      %lt3A_232 = arith.cmpi slt, %sub3A_226, %lt3A_231 : vector<16xi32>
      %and3A_233 = arith.andi %ge3A_229, %lt3A_232 : vector<16xi1>
      %add3A_234 = arith.constant 16 : i32
      %add3A_235 = vector.broadcast %add3A_234 : i32 to vector<16xi32>
      %add3A_236 = arith.addi %iota3A, %add3A_235 : vector<16xi32>
      %and3A_237 = arith.constant 63 : i32
      %and3A_238 = vector.broadcast %and3A_237 : i32 to vector<16xi32>
      %and3A_239 = arith.andi %add3A_236, %and3A_238 : vector<16xi32>
      %add3A_240 = arith.constant 5056 : i32
      %add3A_241 = vector.broadcast %add3A_240 : i32 to vector<16xi32>
      %add3A_242 = arith.addi %add3A_241, %and3A_239 : vector<16xi32>
      %select_n3A_243 = arith.select %and3A_233, %sub3A_226, %add3A_242 : vector<16xi1>, vector<16xi32>
      %swap3A_244 = arith.constant 16 : index
      %swap3A_245 = tpu.vector_load %arg8[%swap3A_244] {strides = array<i32>} : memref<64xi32, #tpu.memory_space<vmem>>, vector<16xi32>,
      %swap3A_246 = vector.shape_cast %swap3A_245 : vector<16xi32> to vector<16xi32>
      %swap3A_247 = vector.shape_cast %select_n3A_243 : vector<16xi32> to vector<16xi32>
      tpu.vector_store %arg8[%swap3A_244], %swap3A_247 {strides = array<i32>} : memref<64xi32, #tpu.memory_space<vmem>>, vector<16xi32>,
      %get3A_248 = arith.constant 1 : i32
      %get3A_249 = arith.index_cast %get3A_248 : i32 to index
      %get3A_250 = arith.constant 32 : index
      %get3A_251 = tpu.vector_load %arg7[%get3A_249, %get3A_250] {strides = array<i32>} : memref<2x64xi32, #tpu.memory_space<vmem>>, vector<1x16xi32>,
      %get3A_252 = vector.shape_cast %get3A_251 : vector<1x16xi32> to vector<16xi32>
      %sub3A_253 = vector.broadcast %mul3A_25 : i32 to vector<16xi32>
      %sub3A_254 = arith.subi %get3A_252, %sub3A_253 : vector<16xi32>
      %ge3A_255 = arith.constant 0 : i32
      %ge3A_256 = vector.broadcast %ge3A_255 : i32 to vector<16xi32>
      %ge3A_257 = arith.cmpi sge, %sub3A_254, %ge3A_256 : vector<16xi32>
      %lt3A_258 = arith.constant 5056 : i32
      %lt3A_259 = vector.broadcast %lt3A_258 : i32 to vector<16xi32>
      %lt3A_260 = arith.cmpi slt, %sub3A_254, %lt3A_259 : vector<16xi32>
      %and3A_261 = arith.andi %ge3A_257, %lt3A_260 : vector<16xi1>
      %add3A_262 = arith.constant 32 : i32
      %add3A_263 = vector.broadcast %add3A_262 : i32 to vector<16xi32>
      %add3A_264 = arith.addi %iota3A, %add3A_263 : vector<16xi32>
      %and3A_265 = arith.constant 63 : i32
      %and3A_266 = vector.broadcast %and3A_265 : i32 to vector<16xi32>
      %and3A_267 = arith.andi %add3A_264, %and3A_266 : vector<16xi32>
      %add3A_268 = arith.constant 5056 : i32
      %add3A_269 = vector.broadcast %add3A_268 : i32 to vector<16xi32>
      %add3A_270 = arith.addi %add3A_269, %and3A_267 : vector<16xi32>
      %select_n3A_271 = arith.select %and3A_261, %sub3A_254, %add3A_270 : vector<16xi1>, vector<16xi32>
      %swap3A_272 = arith.constant 32 : index
      %swap3A_273 = tpu.vector_load %arg8[%swap3A_272] {strides = array<i32>} : memref<64xi32, #tpu.memory_space<vmem>>, vector<16xi32>,
      %swap3A_274 = vector.shape_cast %swap3A_273 : vector<16xi32> to vector<16xi32>
      %swap3A_275 = vector.shape_cast %select_n3A_271 : vector<16xi32> to vector<16xi32>
      tpu.vector_store %arg8[%swap3A_272], %swap3A_275 {strides = array<i32>} : memref<64xi32, #tpu.memory_space<vmem>>, vector<16xi32>,
      %get3A_276 = arith.constant 1 : i32
      %get3A_277 = arith.index_cast %get3A_276 : i32 to index
      %get3A_278 = arith.constant 48 : index
      %get3A_279 = tpu.vector_load %arg7[%get3A_277, %get3A_278] {strides = array<i32>} : memref<2x64xi32, #tpu.memory_space<vmem>>, vector<1x16xi32>,
      %get3A_280 = vector.shape_cast %get3A_279 : vector<1x16xi32> to vector<16xi32>
      %sub3A_281 = vector.broadcast %mul3A_25 : i32 to vector<16xi32>
      %sub3A_282 = arith.subi %get3A_280, %sub3A_281 : vector<16xi32>
      %ge3A_283 = arith.constant 0 : i32
      %ge3A_284 = vector.broadcast %ge3A_283 : i32 to vector<16xi32>
      %ge3A_285 = arith.cmpi sge, %sub3A_282, %ge3A_284 : vector<16xi32>
      %lt3A_286 = arith.constant 5056 : i32
      %lt3A_287 = vector.broadcast %lt3A_286 : i32 to vector<16xi32>
      %lt3A_288 = arith.cmpi slt, %sub3A_282, %lt3A_287 : vector<16xi32>
      %and3A_289 = arith.andi %ge3A_285, %lt3A_288 : vector<16xi1>
      %add3A_290 = arith.constant 48 : i32
      %add3A_291 = vector.broadcast %add3A_290 : i32 to vector<16xi32>
      %add3A_292 = arith.addi %iota3A, %add3A_291 : vector<16xi32>
      %and3A_293 = arith.constant 63 : i32
      %and3A_294 = vector.broadcast %and3A_293 : i32 to vector<16xi32>
      %and3A_295 = arith.andi %add3A_292, %and3A_294 : vector<16xi32>
      %add3A_296 = arith.constant 5056 : i32
      %add3A_297 = vector.broadcast %add3A_296 : i32 to vector<16xi32>
      %add3A_298 = arith.addi %add3A_297, %and3A_295 : vector<16xi32>
      %select_n3A_299 = arith.select %and3A_289, %sub3A_282, %add3A_298 : vector<16xi1>, vector<16xi32>
      %swap3A_300 = arith.constant 48 : index
      %swap3A_301 = tpu.vector_load %arg8[%swap3A_300] {strides = array<i32>} : memref<64xi32, #tpu.memory_space<vmem>>, vector<16xi32>,
      %swap3A_302 = vector.shape_cast %swap3A_301 : vector<16xi32> to vector<16xi32>
      %swap3A_303 = vector.shape_cast %select_n3A_299 : vector<16xi32> to vector<16xi32>
      tpu.vector_store %arg8[%swap3A_300], %swap3A_303 {strides = array<i32>} : memref<64xi32, #tpu.memory_space<vmem>>, vector<16xi32>,
      %dma_start3A_304 = arith.constant 0 : i32
      %dma_start3A_305 = arith.constant 0 : i32
      %dma_start3A_306 = tpu.memref_slice %arg7[%dma_start3A_304, %dma_start3A_305] : memref<2x64xi32, #tpu.memory_space<vmem>> -> memref<1x64xi32, #tpu.memory_space<vmem>>
      %dma_start3A_307 = tpu.memref_squeeze %dma_start3A_306 : memref<1x64xi32, #tpu.memory_space<vmem>> -> memref<64xi32, #tpu.memory_space<vmem>>
      %dma_start3A_308 = arith.constant 0 : i32
      %dma_start3A_309 = arith.constant 0 : i32
      %dma_start3A_310 = tpu.memref_slice %arg10[%dma_start3A_308, %dma_start3A_309] : memref<10112x128xf32, #tpu.memory_space<vmem_shared>> -> memref<10112x128xf32, #tpu.memory_space<vmem_shared>>
      tpu.enqueue_indirect_dma source(%dma_start3A_310 : memref<10112x128xf32, #tpu.memory_space<vmem_shared>>) target(%arg9 : memref<64x128xf32, #tpu.memory_space<vmem>>) offsets(%dma_start3A_307 : memref<64xi32, #tpu.memory_space<vmem>>) semaphore(%arg14 : memref<!tpu.dma_semaphore, #tpu.memory_space<semaphore_mem>>)
      %dma_wait3A_311 = arith.constant 0 : i32
      %dma_wait3A_312 = arith.constant 0 : i32
      %dma_wait3A_313 = tpu.memref_slice %arg7[%dma_wait3A_311, %dma_wait3A_312] : memref<2x64xi32, #tpu.memory_space<vmem>> -> memref<1x64xi32, #tpu.memory_space<vmem>>
      %dma_wait3A_314 = tpu.memref_squeeze %dma_wait3A_313 : memref<1x64xi32, #tpu.memory_space<vmem>> -> memref<64xi32, #tpu.memory_space<vmem>>
      %dma_wait3A_315 = arith.constant 0 : i32
      %dma_wait3A_316 = arith.constant 0 : i32
      %dma_wait3A_317 = tpu.memref_slice %arg10[%dma_wait3A_315, %dma_wait3A_316] : memref<10112x128xf32, #tpu.memory_space<vmem_shared>> -> memref<10112x128xf32, #tpu.memory_space<vmem_shared>>
      tpu.wait_indirect_dma semaphore(%arg14 : memref<!tpu.dma_semaphore, #tpu.memory_space<semaphore_mem>>) src(%dma_wait3A_317 : memref<10112x128xf32, #tpu.memory_space<vmem_shared>>) dst(%arg9 : memref<64x128xf32, #tpu.memory_space<vmem>>)
      "tpu.region"() ({
        %run_scoped3A = tpu.sem_alloc : memref<!tpu.dma_semaphore, #tpu.memory_space<semaphore_mem>>
        %dma_start3A_329 = arith.constant 0 : i32
        %dma_start3A_330 = arith.constant 0 : i32
        %dma_start3A_331 = tpu.memref_slice %arg11[%dma_start3A_329, %dma_start3A_330] : memref<5120x128xf32, #tpu.memory_space<vmem_shared>> -> memref<5120x128xf32, #tpu.memory_space<vmem_shared>>
        tpu.enqueue_indirect_dma source(%arg9 : memref<64x128xf32, #tpu.memory_space<vmem>>) target(%dma_start3A_331 : memref<5120x128xf32, #tpu.memory_space<vmem_shared>>) offsets(%arg8 : memref<64xi32, #tpu.memory_space<vmem>>) semaphore(%run_scoped3A : memref<!tpu.dma_semaphore, #tpu.memory_space<semaphore_mem>>) {add = true}
        %dma_wait3A_332 = arith.constant 0 : i32
        %dma_wait3A_333 = arith.constant 0 : i32
        %dma_wait3A_334 = tpu.memref_slice %arg11[%dma_wait3A_332, %dma_wait3A_333] : memref<5120x128xf32, #tpu.memory_space<vmem_shared>> -> memref<5120x128xf32, #tpu.memory_space<vmem_shared>>
        tpu.wait_indirect_dma semaphore(%run_scoped3A : memref<!tpu.dma_semaphore, #tpu.memory_space<semaphore_mem>>) src(%arg9 : memref<64x128xf32, #tpu.memory_space<vmem>>) dst(%dma_wait3A_334 : memref<5120x128xf32, #tpu.memory_space<vmem_shared>>)
        tpu.yield
      }) : () -> ()
      %add3A_318 = arith.constant 2 : i32
      %add3A_319 = arith.addi %add3A_39, %add3A_318 : i32
      %add3A_320 = arith.addi %mul3A_0, %add3A_319 : i32
      %dma_wait3A_321 = arith.constant 0 : i32
      %dma_wait3A_322 = arith.constant 0 : i32
      %dma_wait3A_323 = tpu.memref_slice %arg3[%add3A_320, %dma_wait3A_321, %dma_wait3A_322] : memref<5057x2x64xi32, #tpu.memory_space<hbm>> -> memref<1x2x64xi32, #tpu.memory_space<hbm>>
      %dma_wait3A_324 = tpu.memref_squeeze %dma_wait3A_323 : memref<1x2x64xi32, #tpu.memory_space<hbm>> -> memref<2x64xi32, #tpu.memory_space<hbm>>
      %dma_wait3A_325 = arith.constant 0 : i32
      %dma_wait3A_326 = arith.constant 0 : i32
      %dma_wait3A_327 = tpu.memref_slice %arg3[%add3A_320, %dma_wait3A_325, %dma_wait3A_326] : memref<5057x2x64xi32, #tpu.memory_space<hbm>> -> memref<1x2x64xi32, #tpu.memory_space<hbm>>
      %dma_wait3A_328 = tpu.memref_squeeze %dma_wait3A_327 : memref<1x2x64xi32, #tpu.memory_space<hbm>> -> memref<2x64xi32, #tpu.memory_space<hbm>>
      tpu.wait_dma2 semaphore(%arg12 : memref<!tpu.dma_semaphore, #tpu.memory_space<semaphore_mem>>) src(%dma_wait3A_328 : memref<2x64xi32, #tpu.memory_space<hbm>>) dst(%arg6 : memref<2x64xi32, #tpu.memory_space<vmem>>)
    }
    %scan3A_29 = arith.constant 158 : i32
    %barrier3A_30 = arith.constant 0 : index
    tpu.barrier barrier_id(%barrier3A_30)
    %mul3A_31 = arith.constant 320 : i32
    %mul3A_32 = arith.muli %arg1, %mul3A_31 : i32
    %mul3A_33 = arith.constant 320 : i32
    %mul3A_34 = arith.muli %arg1, %mul3A_33 : i32
    "tpu.region"() ({
      %run_scoped3A = tpu.sem_alloc : memref<!tpu.dma_semaphore, #tpu.memory_space<semaphore_mem>>
      %dma_start3A_35 = arith.constant 0 : i32
      %dma_start3A_36 = tpu.memref_slice %arg5[%arg0, %mul3A_34, %dma_start3A_35] : memref<2x5120x128xf32, #tpu.memory_space<hbm>> -> memref<1x320x128xf32, #tpu.memory_space<hbm>>
      %dma_start3A_37 = tpu.memref_squeeze %dma_start3A_36 : memref<1x320x128xf32, #tpu.memory_space<hbm>> -> memref<320x128xf32, #tpu.memory_space<hbm>>
      %dma_start3A_38 = arith.constant 0 : i32
      %dma_start3A_39 = tpu.memref_slice %arg11[%mul3A_32, %dma_start3A_38] : memref<5120x128xf32, #tpu.memory_space<vmem_shared>> -> memref<320x128xf32, #tpu.memory_space<vmem_shared>>
      tpu.enqueue_dma source(%dma_start3A_39 : memref<320x128xf32, #tpu.memory_space<vmem_shared>>) target(%dma_start3A_37 : memref<320x128xf32, #tpu.memory_space<hbm>>) target_semaphore(%run_scoped3A : memref<!tpu.dma_semaphore, #tpu.memory_space<semaphore_mem>>)
      %dma_wait3A_40 = arith.constant 0 : i32
      %dma_wait3A_41 = tpu.memref_slice %arg5[%arg0, %mul3A_34, %dma_wait3A_40] : memref<2x5120x128xf32, #tpu.memory_space<hbm>> -> memref<1x320x128xf32, #tpu.memory_space<hbm>>
      %dma_wait3A_42 = tpu.memref_squeeze %dma_wait3A_41 : memref<1x320x128xf32, #tpu.memory_space<hbm>> -> memref<320x128xf32, #tpu.memory_space<hbm>>
      %dma_wait3A_43 = arith.constant 0 : i32
      %dma_wait3A_44 = tpu.memref_slice %arg11[%mul3A_32, %dma_wait3A_43] : memref<5120x128xf32, #tpu.memory_space<vmem_shared>> -> memref<320x128xf32, #tpu.memory_space<vmem_shared>>
      tpu.wait_dma2 semaphore(%run_scoped3A : memref<!tpu.dma_semaphore, #tpu.memory_space<semaphore_mem>>) src(%dma_wait3A_44 : memref<320x128xf32, #tpu.memory_space<vmem_shared>>) dst(%dma_wait3A_42 : memref<320x128xf32, #tpu.memory_space<hbm>>)
      tpu.yield
    }) : () -> ()
    return
  }
}

#map = affine_map<(d0, d1) -> (0, 0)>
#map1 = affine_map<(d0, d1) -> (0, 0, 0)>
module attributes {stable_mosaic.version = 14 : i64} {
  func.func @k(%arg0: i32, %arg1: i32, %arg2: memref<10112x128xf32, #tpu.memory_space<hbm>>, %arg3: memref<5057x2x64xi32, #tpu.memory_space<hbm>>, %arg4: memref<632x128xf32, #tpu.memory_space<hbm>>, %arg5: memref<2x5120x128xf32, #tpu.memory_space<hbm>>, %arg6: memref<2x64xi32, #tpu.memory_space<vmem>>, %arg7: memref<2x64xi32, #tpu.memory_space<vmem>>, %arg8: memref<64xi32, #tpu.memory_space<vmem>>, %arg9: memref<64x128xf32, #tpu.memory_space<vmem>>, %arg10: memref<10112x128xf32, #tpu.memory_space<vmem_shared>>, %arg11: memref<5120x128xf32, #tpu.memory_space<vmem_shared>>, %arg12: memref<!tpu.dma_semaphore, #tpu.memory_space<semaphore_mem>>, %arg13: memref<!tpu.dma_semaphore, #tpu.memory_space<semaphore_mem>>, %arg14: memref<!tpu.dma_semaphore, #tpu.memory_space<semaphore_mem>>) attributes {dimension_semantics = [#tpu.dimension_semantics<core_parallel>, #tpu.dimension_semantics<subcore_parallel>], iteration_bounds = array<i64: 2, 16>, scalar_prefetch = 0 : i64, scratch_operands = 9 : i64, tpu.core_type = #tpu.core_type<sc_vector_subcore>, window_params = [{transform_indices = #map}, {transform_indices = #map1}, {transform_indices = #map}, {transform_indices = #map1}]} {
    %mul3A = arith.constant 316 : i32
    %mul3A_0 = arith.muli %arg1, %mul3A : i32
    %add3A = arith.constant 0 : i32
    %add3A_1 = arith.addi %mul3A_0, %add3A : i32
    %dma_start3A = arith.constant 0 : i32
    %dma_start3A_2 = arith.constant 0 : i32
    %dma_start3A_3 = tpu.memref_slice %arg3[%add3A_1, %dma_start3A, %dma_start3A_2] : memref<5057x2x64xi32, #tpu.memory_space<hbm>> -> memref<1x2x64xi32, #tpu.memory_space<hbm>>
    %dma_start3A_4 = tpu.memref_squeeze %dma_start3A_3 : memref<1x2x64xi32, #tpu.memory_space<hbm>> -> memref<2x64xi32, #tpu.memory_space<hbm>>
    %dma_start3A_5 = arith.constant 0 : i32
    %dma_start3A_6 = arith.constant 0 : i32
    %dma_start3A_7 = tpu.memref_slice %arg3[%add3A_1, %dma_start3A_5, %dma_start3A_6] : memref<5057x2x64xi32, #tpu.memory_space<hbm>> -> memref<1x2x64xi32, #tpu.memory_space<hbm>>
    %dma_start3A_8 = tpu.memref_squeeze %dma_start3A_7 : memref<1x2x64xi32, #tpu.memory_space<hbm>> -> memref<2x64xi32, #tpu.memory_space<hbm>>
    tpu.enqueue_dma source(%dma_start3A_8 : memref<2x64xi32, #tpu.memory_space<hbm>>) target(%arg6 : memref<2x64xi32, #tpu.memory_space<vmem>>) target_semaphore(%arg12 : memref<!tpu.dma_semaphore, #tpu.memory_space<semaphore_mem>>)
    %mul3A_9 = arith.constant 632 : i32
    %mul3A_10 = arith.muli %arg1, %mul3A_9 : i32
    %mul3A_11 = arith.constant 632 : i32
    %mul3A_12 = arith.muli %arg1, %mul3A_11 : i32
    "tpu.region"() ({
      %run_scoped3A = tpu.sem_alloc : memref<!tpu.dma_semaphore, #tpu.memory_space<semaphore_mem>>
      %dma_start3A_35 = arith.constant 0 : i32
      %dma_start3A_36 = tpu.memref_slice %arg10[%mul3A_12, %dma_start3A_35] : memref<10112x128xf32, #tpu.memory_space<vmem_shared>> -> memref<632x128xf32, #tpu.memory_space<vmem_shared>>
      %dma_start3A_37 = arith.constant 0 : i32
      %dma_start3A_38 = tpu.memref_slice %arg2[%mul3A_10, %dma_start3A_37] : memref<10112x128xf32, #tpu.memory_space<hbm>> -> memref<632x128xf32, #tpu.memory_space<hbm>>
      tpu.enqueue_dma source(%dma_start3A_38 : memref<632x128xf32, #tpu.memory_space<hbm>>) target(%dma_start3A_36 : memref<632x128xf32, #tpu.memory_space<vmem_shared>>) target_semaphore(%run_scoped3A : memref<!tpu.dma_semaphore, #tpu.memory_space<semaphore_mem>>)
      %dma_wait3A_39 = arith.constant 0 : i32
      %dma_wait3A_40 = tpu.memref_slice %arg10[%mul3A_12, %dma_wait3A_39] : memref<10112x128xf32, #tpu.memory_space<vmem_shared>> -> memref<632x128xf32, #tpu.memory_space<vmem_shared>>
      %dma_wait3A_41 = arith.constant 0 : i32
      %dma_wait3A_42 = tpu.memref_slice %arg2[%mul3A_10, %dma_wait3A_41] : memref<10112x128xf32, #tpu.memory_space<hbm>> -> memref<632x128xf32, #tpu.memory_space<hbm>>
      tpu.wait_dma2 semaphore(%run_scoped3A : memref<!tpu.dma_semaphore, #tpu.memory_space<semaphore_mem>>) src(%dma_wait3A_42 : memref<632x128xf32, #tpu.memory_space<hbm>>) dst(%dma_wait3A_40 : memref<632x128xf32, #tpu.memory_space<vmem_shared>>)
      tpu.yield
    }) : () -> ()
    %mul3A_13 = arith.constant 320 : i32
    %mul3A_14 = arith.muli %arg1, %mul3A_13 : i32
    "tpu.region"() ({
      %run_scoped3A = tpu.sem_alloc : memref<!tpu.dma_semaphore, #tpu.memory_space<semaphore_mem>>
      %dma_start3A_35 = arith.constant 0 : i32
      %dma_start3A_36 = tpu.memref_slice %arg11[%mul3A_14, %dma_start3A_35] : memref<5120x128xf32, #tpu.memory_space<vmem_shared>> -> memref<320x128xf32, #tpu.memory_space<vmem_shared>>
      %dma_start3A_37 = arith.constant 0 : i32
      %dma_start3A_38 = arith.constant 0 : i32
      %dma_start3A_39 = tpu.memref_slice %arg4[%dma_start3A_37, %dma_start3A_38] : memref<632x128xf32, #tpu.memory_space<hbm>> -> memref<320x128xf32, #tpu.memory_space<hbm>>
      tpu.enqueue_dma source(%dma_start3A_39 : memref<320x128xf32, #tpu.memory_space<hbm>>) target(%dma_start3A_36 : memref<320x128xf32, #tpu.memory_space<vmem_shared>>) target_semaphore(%run_scoped3A : memref<!tpu.dma_semaphore, #tpu.memory_space<semaphore_mem>>)
      %dma_wait3A_40 = arith.constant 0 : i32
      %dma_wait3A_41 = tpu.memref_slice %arg11[%mul3A_14, %dma_wait3A_40] : memref<5120x128xf32, #tpu.memory_space<vmem_shared>> -> memref<320x128xf32, #tpu.memory_space<vmem_shared>>
      %dma_wait3A_42 = arith.constant 0 : i32
      %dma_wait3A_43 = arith.constant 0 : i32
      %dma_wait3A_44 = tpu.memref_slice %arg4[%dma_wait3A_42, %dma_wait3A_43] : memref<632x128xf32, #tpu.memory_space<hbm>> -> memref<320x128xf32, #tpu.memory_space<hbm>>
      tpu.wait_dma2 semaphore(%run_scoped3A : memref<!tpu.dma_semaphore, #tpu.memory_space<semaphore_mem>>) src(%dma_wait3A_44 : memref<320x128xf32, #tpu.memory_space<hbm>>) dst(%dma_wait3A_41 : memref<320x128xf32, #tpu.memory_space<vmem_shared>>)
      tpu.yield
    }) : () -> ()
    %add3A_15 = arith.constant 0 : i32
    %add3A_16 = arith.addi %mul3A_0, %add3A_15 : i32
    %dma_wait3A = arith.constant 0 : i32
    %dma_wait3A_17 = arith.constant 0 : i32
    %dma_wait3A_18 = tpu.memref_slice %arg3[%add3A_16, %dma_wait3A, %dma_wait3A_17] : memref<5057x2x64xi32, #tpu.memory_space<hbm>> -> memref<1x2x64xi32, #tpu.memory_space<hbm>>
    %dma_wait3A_19 = tpu.memref_squeeze %dma_wait3A_18 : memref<1x2x64xi32, #tpu.memory_space<hbm>> -> memref<2x64xi32, #tpu.memory_space<hbm>>
    %dma_wait3A_20 = arith.constant 0 : i32
    %dma_wait3A_21 = arith.constant 0 : i32
    %dma_wait3A_22 = tpu.memref_slice %arg3[%add3A_16, %dma_wait3A_20, %dma_wait3A_21] : memref<5057x2x64xi32, #tpu.memory_space<hbm>> -> memref<1x2x64xi32, #tpu.memory_space<hbm>>
    %dma_wait3A_23 = tpu.memref_squeeze %dma_wait3A_22 : memref<1x2x64xi32, #tpu.memory_space<hbm>> -> memref<2x64xi32, #tpu.memory_space<hbm>>
    tpu.wait_dma2 semaphore(%arg12 : memref<!tpu.dma_semaphore, #tpu.memory_space<semaphore_mem>>) src(%dma_wait3A_23 : memref<2x64xi32, #tpu.memory_space<hbm>>) dst(%arg6 : memref<2x64xi32, #tpu.memory_space<vmem>>)
    %barrier3A = arith.constant 0 : index
    tpu.barrier barrier_id(%barrier3A)
    %mul3A_24 = arith.constant 5056 : i32
    %mul3A_25 = arith.muli %arg0, %mul3A_24 : i32
    %iota3A = tpu.iota {dimensions = array<i32: 0>} : vector<16xi32>
    %scan3A = arith.constant 0 : i32
    %scan3A_26 = arith.constant 158 : i32
    %scan3A_27 = arith.addi %scan3A, %scan3A_26 : i32
    %scan3A_28 = arith.constant 1 : i32
    scf.for %scan3A_35 = %scan3A to %scan3A_27 step %scan3A_28  : i32 {
      %mul3A_36 = arith.constant 2 : i32
      %mul3A_37 = arith.muli %scan3A_35, %mul3A_36 : i32
      %add3A_38 = arith.constant 0 : i32
      %add3A_39 = arith.addi %add3A_38, %mul3A_37 : i32
      %add3A_40 = arith.constant 1 : i32
      %add3A_41 = arith.addi %add3A_39, %add3A_40 : i32
      %add3A_42 = arith.addi %mul3A_0, %add3A_41 : i32
      %dma_start3A_43 = arith.constant 0 : i32
      %dma_start3A_44 = arith.constant 0 : i32
      %dma_start3A_45 = tpu.memref_slice %arg3[%add3A_42, %dma_start3A_43, %dma_start3A_44] : memref<5057x2x64xi32, #tpu.memory_space<hbm>> -> memref<1x2x64xi32, #tpu.memory_space<hbm>>
      %dma_start3A_46 = tpu.memref_squeeze %dma_start3A_45 : memref<1x2x64xi32, #tpu.memory_space<hbm>> -> memref<2x64xi32, #tpu.memory_space<hbm>>
      %dma_start3A_47 = arith.constant 0 : i32
      %dma_start3A_48 = arith.constant 0 : i32
      %dma_start3A_49 = tpu.memref_slice %arg3[%add3A_42, %dma_start3A_47, %dma_start3A_48] : memref<5057x2x64xi32, #tpu.memory_space<hbm>> -> memref<1x2x64xi32, #tpu.memory_space<hbm>>
      %dma_start3A_50 = tpu.memref_squeeze %dma_start3A_49 : memref<1x2x64xi32, #tpu.memory_space<hbm>> -> memref<2x64xi32, #tpu.memory_space<hbm>>
      tpu.enqueue_dma source(%dma_start3A_50 : memref<2x64xi32, #tpu.memory_space<hbm>>) target(%arg7 : memref<2x64xi32, #tpu.memory_space<vmem>>) target_semaphore(%arg13 : memref<!tpu.dma_semaphore, #tpu.memory_space<semaphore_mem>>)
      %get3A = arith.constant 1 : i32
      %get3A_51 = arith.index_cast %get3A : i32 to index
      %get3A_52 = arith.constant 0 : index
      %get3A_53 = tpu.vector_load %arg6[%get3A_51, %get3A_52] {strides = array<i32>} : memref<2x64xi32, #tpu.memory_space<vmem>>, vector<1x16xi32>,
      %get3A_54 = vector.shape_cast %get3A_53 : vector<1x16xi32> to vector<16xi32>
      %sub3A = vector.broadcast %mul3A_25 : i32 to vector<16xi32>
      %sub3A_55 = arith.subi %get3A_54, %sub3A : vector<16xi32>
      %ge3A = arith.constant 0 : i32
      %ge3A_56 = vector.broadcast %ge3A : i32 to vector<16xi32>
      %ge3A_57 = arith.cmpi sge, %sub3A_55, %ge3A_56 : vector<16xi32>
      %lt3A = arith.constant 5056 : i32
      %lt3A_58 = vector.broadcast %lt3A : i32 to vector<16xi32>
      %lt3A_59 = arith.cmpi slt, %sub3A_55, %lt3A_58 : vector<16xi32>
      %and3A = arith.andi %ge3A_57, %lt3A_59 : vector<16xi1>
      %add3A_60 = arith.constant 0 : i32
      %add3A_61 = vector.broadcast %add3A_60 : i32 to vector<16xi32>
      %add3A_62 = arith.addi %iota3A, %add3A_61 : vector<16xi32>
      %and3A_63 = arith.constant 63 : i32
      %and3A_64 = vector.broadcast %and3A_63 : i32 to vector<16xi32>
      %and3A_65 = arith.andi %add3A_62, %and3A_64 : vector<16xi32>
      %add3A_66 = arith.constant 5056 : i32
      %add3A_67 = vector.broadcast %add3A_66 : i32 to vector<16xi32>
      %add3A_68 = arith.addi %add3A_67, %and3A_65 : vector<16xi32>
      %select_n3A = arith.select %and3A, %sub3A_55, %add3A_68 : vector<16xi1>, vector<16xi32>
      %swap3A = arith.constant 0 : index
      %swap3A_69 = tpu.vector_load %arg8[%swap3A] {strides = array<i32>} : memref<64xi32, #tpu.memory_space<vmem>>, vector<16xi32>,
      %swap3A_70 = vector.shape_cast %swap3A_69 : vector<16xi32> to vector<16xi32>
      %swap3A_71 = vector.shape_cast %select_n3A : vector<16xi32> to vector<16xi32>
      tpu.vector_store %arg8[%swap3A], %swap3A_71 {strides = array<i32>} : memref<64xi32, #tpu.memory_space<vmem>>, vector<16xi32>,
      %get3A_72 = arith.constant 1 : i32
      %get3A_73 = arith.index_cast %get3A_72 : i32 to index
      %get3A_74 = arith.constant 16 : index
      %get3A_75 = tpu.vector_load %arg6[%get3A_73, %get3A_74] {strides = array<i32>} : memref<2x64xi32, #tpu.memory_space<vmem>>, vector<1x16xi32>,
      %get3A_76 = vector.shape_cast %get3A_75 : vector<1x16xi32> to vector<16xi32>
      %sub3A_77 = vector.broadcast %mul3A_25 : i32 to vector<16xi32>
      %sub3A_78 = arith.subi %get3A_76, %sub3A_77 : vector<16xi32>
      %ge3A_79 = arith.constant 0 : i32
      %ge3A_80 = vector.broadcast %ge3A_79 : i32 to vector<16xi32>
      %ge3A_81 = arith.cmpi sge, %sub3A_78, %ge3A_80 : vector<16xi32>
      %lt3A_82 = arith.constant 5056 : i32
      %lt3A_83 = vector.broadcast %lt3A_82 : i32 to vector<16xi32>
      %lt3A_84 = arith.cmpi slt, %sub3A_78, %lt3A_83 : vector<16xi32>
      %and3A_85 = arith.andi %ge3A_81, %lt3A_84 : vector<16xi1>
      %add3A_86 = arith.constant 16 : i32
      %add3A_87 = vector.broadcast %add3A_86 : i32 to vector<16xi32>
      %add3A_88 = arith.addi %iota3A, %add3A_87 : vector<16xi32>
      %and3A_89 = arith.constant 63 : i32
      %and3A_90 = vector.broadcast %and3A_89 : i32 to vector<16xi32>
      %and3A_91 = arith.andi %add3A_88, %and3A_90 : vector<16xi32>
      %add3A_92 = arith.constant 5056 : i32
      %add3A_93 = vector.broadcast %add3A_92 : i32 to vector<16xi32>
      %add3A_94 = arith.addi %add3A_93, %and3A_91 : vector<16xi32>
      %select_n3A_95 = arith.select %and3A_85, %sub3A_78, %add3A_94 : vector<16xi1>, vector<16xi32>
      %swap3A_96 = arith.constant 16 : index
      %swap3A_97 = tpu.vector_load %arg8[%swap3A_96] {strides = array<i32>} : memref<64xi32, #tpu.memory_space<vmem>>, vector<16xi32>,
      %swap3A_98 = vector.shape_cast %swap3A_97 : vector<16xi32> to vector<16xi32>
      %swap3A_99 = vector.shape_cast %select_n3A_95 : vector<16xi32> to vector<16xi32>
      tpu.vector_store %arg8[%swap3A_96], %swap3A_99 {strides = array<i32>} : memref<64xi32, #tpu.memory_space<vmem>>, vector<16xi32>,
      %get3A_100 = arith.constant 1 : i32
      %get3A_101 = arith.index_cast %get3A_100 : i32 to index
      %get3A_102 = arith.constant 32 : index
      %get3A_103 = tpu.vector_load %arg6[%get3A_101, %get3A_102] {strides = array<i32>} : memref<2x64xi32, #tpu.memory_space<vmem>>, vector<1x16xi32>,
      %get3A_104 = vector.shape_cast %get3A_103 : vector<1x16xi32> to vector<16xi32>
      %sub3A_105 = vector.broadcast %mul3A_25 : i32 to vector<16xi32>
      %sub3A_106 = arith.subi %get3A_104, %sub3A_105 : vector<16xi32>
      %ge3A_107 = arith.constant 0 : i32
      %ge3A_108 = vector.broadcast %ge3A_107 : i32 to vector<16xi32>
      %ge3A_109 = arith.cmpi sge, %sub3A_106, %ge3A_108 : vector<16xi32>
      %lt3A_110 = arith.constant 5056 : i32
      %lt3A_111 = vector.broadcast %lt3A_110 : i32 to vector<16xi32>
      %lt3A_112 = arith.cmpi slt, %sub3A_106, %lt3A_111 : vector<16xi32>
      %and3A_113 = arith.andi %ge3A_109, %lt3A_112 : vector<16xi1>
      %add3A_114 = arith.constant 32 : i32
      %add3A_115 = vector.broadcast %add3A_114 : i32 to vector<16xi32>
      %add3A_116 = arith.addi %iota3A, %add3A_115 : vector<16xi32>
      %and3A_117 = arith.constant 63 : i32
      %and3A_118 = vector.broadcast %and3A_117 : i32 to vector<16xi32>
      %and3A_119 = arith.andi %add3A_116, %and3A_118 : vector<16xi32>
      %add3A_120 = arith.constant 5056 : i32
      %add3A_121 = vector.broadcast %add3A_120 : i32 to vector<16xi32>
      %add3A_122 = arith.addi %add3A_121, %and3A_119 : vector<16xi32>
      %select_n3A_123 = arith.select %and3A_113, %sub3A_106, %add3A_122 : vector<16xi1>, vector<16xi32>
      %swap3A_124 = arith.constant 32 : index
      %swap3A_125 = tpu.vector_load %arg8[%swap3A_124] {strides = array<i32>} : memref<64xi32, #tpu.memory_space<vmem>>, vector<16xi32>,
      %swap3A_126 = vector.shape_cast %swap3A_125 : vector<16xi32> to vector<16xi32>
      %swap3A_127 = vector.shape_cast %select_n3A_123 : vector<16xi32> to vector<16xi32>
      tpu.vector_store %arg8[%swap3A_124], %swap3A_127 {strides = array<i32>} : memref<64xi32, #tpu.memory_space<vmem>>, vector<16xi32>,
      %get3A_128 = arith.constant 1 : i32
      %get3A_129 = arith.index_cast %get3A_128 : i32 to index
      %get3A_130 = arith.constant 48 : index
      %get3A_131 = tpu.vector_load %arg6[%get3A_129, %get3A_130] {strides = array<i32>} : memref<2x64xi32, #tpu.memory_space<vmem>>, vector<1x16xi32>,
      %get3A_132 = vector.shape_cast %get3A_131 : vector<1x16xi32> to vector<16xi32>
      %sub3A_133 = vector.broadcast %mul3A_25 : i32 to vector<16xi32>
      %sub3A_134 = arith.subi %get3A_132, %sub3A_133 : vector<16xi32>
      %ge3A_135 = arith.constant 0 : i32
      %ge3A_136 = vector.broadcast %ge3A_135 : i32 to vector<16xi32>
      %ge3A_137 = arith.cmpi sge, %sub3A_134, %ge3A_136 : vector<16xi32>
      %lt3A_138 = arith.constant 5056 : i32
      %lt3A_139 = vector.broadcast %lt3A_138 : i32 to vector<16xi32>
      %lt3A_140 = arith.cmpi slt, %sub3A_134, %lt3A_139 : vector<16xi32>
      %and3A_141 = arith.andi %ge3A_137, %lt3A_140 : vector<16xi1>
      %add3A_142 = arith.constant 48 : i32
      %add3A_143 = vector.broadcast %add3A_142 : i32 to vector<16xi32>
      %add3A_144 = arith.addi %iota3A, %add3A_143 : vector<16xi32>
      %and3A_145 = arith.constant 63 : i32
      %and3A_146 = vector.broadcast %and3A_145 : i32 to vector<16xi32>
      %and3A_147 = arith.andi %add3A_144, %and3A_146 : vector<16xi32>
      %add3A_148 = arith.constant 5056 : i32
      %add3A_149 = vector.broadcast %add3A_148 : i32 to vector<16xi32>
      %add3A_150 = arith.addi %add3A_149, %and3A_147 : vector<16xi32>
      %select_n3A_151 = arith.select %and3A_141, %sub3A_134, %add3A_150 : vector<16xi1>, vector<16xi32>
      %swap3A_152 = arith.constant 48 : index
      %swap3A_153 = tpu.vector_load %arg8[%swap3A_152] {strides = array<i32>} : memref<64xi32, #tpu.memory_space<vmem>>, vector<16xi32>,
      %swap3A_154 = vector.shape_cast %swap3A_153 : vector<16xi32> to vector<16xi32>
      %swap3A_155 = vector.shape_cast %select_n3A_151 : vector<16xi32> to vector<16xi32>
      tpu.vector_store %arg8[%swap3A_152], %swap3A_155 {strides = array<i32>} : memref<64xi32, #tpu.memory_space<vmem>>, vector<16xi32>,
      %dma_start3A_156 = arith.constant 0 : i32
      %dma_start3A_157 = arith.constant 0 : i32
      %dma_start3A_158 = tpu.memref_slice %arg6[%dma_start3A_156, %dma_start3A_157] : memref<2x64xi32, #tpu.memory_space<vmem>> -> memref<1x64xi32, #tpu.memory_space<vmem>>
      %dma_start3A_159 = tpu.memref_squeeze %dma_start3A_158 : memref<1x64xi32, #tpu.memory_space<vmem>> -> memref<64xi32, #tpu.memory_space<vmem>>
      %dma_start3A_160 = arith.constant 0 : i32
      %dma_start3A_161 = arith.constant 0 : i32
      %dma_start3A_162 = tpu.memref_slice %arg10[%dma_start3A_160, %dma_start3A_161] : memref<10112x128xf32, #tpu.memory_space<vmem_shared>> -> memref<10112x128xf32, #tpu.memory_space<vmem_shared>>
      tpu.enqueue_indirect_dma source(%dma_start3A_162 : memref<10112x128xf32, #tpu.memory_space<vmem_shared>>) target(%arg9 : memref<64x128xf32, #tpu.memory_space<vmem>>) offsets(%dma_start3A_159 : memref<64xi32, #tpu.memory_space<vmem>>) semaphore(%arg14 : memref<!tpu.dma_semaphore, #tpu.memory_space<semaphore_mem>>)
      %dma_wait3A_163 = arith.constant 0 : i32
      %dma_wait3A_164 = arith.constant 0 : i32
      %dma_wait3A_165 = tpu.memref_slice %arg6[%dma_wait3A_163, %dma_wait3A_164] : memref<2x64xi32, #tpu.memory_space<vmem>> -> memref<1x64xi32, #tpu.memory_space<vmem>>
      %dma_wait3A_166 = tpu.memref_squeeze %dma_wait3A_165 : memref<1x64xi32, #tpu.memory_space<vmem>> -> memref<64xi32, #tpu.memory_space<vmem>>
      %dma_wait3A_167 = arith.constant 0 : i32
      %dma_wait3A_168 = arith.constant 0 : i32
      %dma_wait3A_169 = tpu.memref_slice %arg10[%dma_wait3A_167, %dma_wait3A_168] : memref<10112x128xf32, #tpu.memory_space<vmem_shared>> -> memref<10112x128xf32, #tpu.memory_space<vmem_shared>>
      tpu.wait_indirect_dma semaphore(%arg14 : memref<!tpu.dma_semaphore, #tpu.memory_space<semaphore_mem>>) src(%dma_wait3A_169 : memref<10112x128xf32, #tpu.memory_space<vmem_shared>>) dst(%arg9 : memref<64x128xf32, #tpu.memory_space<vmem>>)
      "tpu.region"() ({
        %run_scoped3A = tpu.sem_alloc : memref<!tpu.dma_semaphore, #tpu.memory_space<semaphore_mem>>
        %dma_start3A_329 = arith.constant 0 : i32
        %dma_start3A_330 = arith.constant 0 : i32
        %dma_start3A_331 = tpu.memref_slice %arg11[%dma_start3A_329, %dma_start3A_330] : memref<5120x128xf32, #tpu.memory_space<vmem_shared>> -> memref<5120x128xf32, #tpu.memory_space<vmem_shared>>
        tpu.enqueue_indirect_dma source(%arg9 : memref<64x128xf32, #tpu.memory_space<vmem>>) target(%dma_start3A_331 : memref<5120x128xf32, #tpu.memory_space<vmem_shared>>) offsets(%arg8 : memref<64xi32, #tpu.memory_space<vmem>>) semaphore(%run_scoped3A : memref<!tpu.dma_semaphore, #tpu.memory_space<semaphore_mem>>) {add = true}
        %dma_wait3A_332 = arith.constant 0 : i32
        %dma_wait3A_333 = arith.constant 0 : i32
        %dma_wait3A_334 = tpu.memref_slice %arg11[%dma_wait3A_332, %dma_wait3A_333] : memref<5120x128xf32, #tpu.memory_space<vmem_shared>> -> memref<5120x128xf32, #tpu.memory_space<vmem_shared>>
        tpu.wait_indirect_dma semaphore(%run_scoped3A : memref<!tpu.dma_semaphore, #tpu.memory_space<semaphore_mem>>) src(%arg9 : memref<64x128xf32, #tpu.memory_space<vmem>>) dst(%dma_wait3A_334 : memref<5120x128xf32, #tpu.memory_space<vmem_shared>>)
        tpu.yield
      }) : () -> ()
      %add3A_170 = arith.constant 1 : i32
      %add3A_171 = arith.addi %add3A_39, %add3A_170 : i32
      %add3A_172 = arith.addi %mul3A_0, %add3A_171 : i32
      %dma_wait3A_173 = arith.constant 0 : i32
      %dma_wait3A_174 = arith.constant 0 : i32
      %dma_wait3A_175 = tpu.memref_slice %arg3[%add3A_172, %dma_wait3A_173, %dma_wait3A_174] : memref<5057x2x64xi32, #tpu.memory_space<hbm>> -> memref<1x2x64xi32, #tpu.memory_space<hbm>>
      %dma_wait3A_176 = tpu.memref_squeeze %dma_wait3A_175 : memref<1x2x64xi32, #tpu.memory_space<hbm>> -> memref<2x64xi32, #tpu.memory_space<hbm>>
      %dma_wait3A_177 = arith.constant 0 : i32
      %dma_wait3A_178 = arith.constant 0 : i32
      %dma_wait3A_179 = tpu.memref_slice %arg3[%add3A_172, %dma_wait3A_177, %dma_wait3A_178] : memref<5057x2x64xi32, #tpu.memory_space<hbm>> -> memref<1x2x64xi32, #tpu.memory_space<hbm>>
      %dma_wait3A_180 = tpu.memref_squeeze %dma_wait3A_179 : memref<1x2x64xi32, #tpu.memory_space<hbm>> -> memref<2x64xi32, #tpu.memory_space<hbm>>
      tpu.wait_dma2 semaphore(%arg13 : memref<!tpu.dma_semaphore, #tpu.memory_space<semaphore_mem>>) src(%dma_wait3A_180 : memref<2x64xi32, #tpu.memory_space<hbm>>) dst(%arg7 : memref<2x64xi32, #tpu.memory_space<vmem>>)
      %add3A_181 = arith.constant 2 : i32
      %add3A_182 = arith.addi %add3A_39, %add3A_181 : i32
      %add3A_183 = arith.addi %mul3A_0, %add3A_182 : i32
      %dma_start3A_184 = arith.constant 0 : i32
      %dma_start3A_185 = arith.constant 0 : i32
      %dma_start3A_186 = tpu.memref_slice %arg3[%add3A_183, %dma_start3A_184, %dma_start3A_185] : memref<5057x2x64xi32, #tpu.memory_space<hbm>> -> memref<1x2x64xi32, #tpu.memory_space<hbm>>
      %dma_start3A_187 = tpu.memref_squeeze %dma_start3A_186 : memref<1x2x64xi32, #tpu.memory_space<hbm>> -> memref<2x64xi32, #tpu.memory_space<hbm>>
      %dma_start3A_188 = arith.constant 0 : i32
      %dma_start3A_189 = arith.constant 0 : i32
      %dma_start3A_190 = tpu.memref_slice %arg3[%add3A_183, %dma_start3A_188, %dma_start3A_189] : memref<5057x2x64xi32, #tpu.memory_space<hbm>> -> memref<1x2x64xi32, #tpu.memory_space<hbm>>
      %dma_start3A_191 = tpu.memref_squeeze %dma_start3A_190 : memref<1x2x64xi32, #tpu.memory_space<hbm>> -> memref<2x64xi32, #tpu.memory_space<hbm>>
      tpu.enqueue_dma source(%dma_start3A_191 : memref<2x64xi32, #tpu.memory_space<hbm>>) target(%arg6 : memref<2x64xi32, #tpu.memory_space<vmem>>) target_semaphore(%arg12 : memref<!tpu.dma_semaphore, #tpu.memory_space<semaphore_mem>>)
      %get3A_192 = arith.constant 1 : i32
      %get3A_193 = arith.index_cast %get3A_192 : i32 to index
      %get3A_194 = arith.constant 0 : index
      %get3A_195 = tpu.vector_load %arg7[%get3A_193, %get3A_194] {strides = array<i32>} : memref<2x64xi32, #tpu.memory_space<vmem>>, vector<1x16xi32>,
      %get3A_196 = vector.shape_cast %get3A_195 : vector<1x16xi32> to vector<16xi32>
      %sub3A_197 = vector.broadcast %mul3A_25 : i32 to vector<16xi32>
      %sub3A_198 = arith.subi %get3A_196, %sub3A_197 : vector<16xi32>
      %ge3A_199 = arith.constant 0 : i32
      %ge3A_200 = vector.broadcast %ge3A_199 : i32 to vector<16xi32>
      %ge3A_201 = arith.cmpi sge, %sub3A_198, %ge3A_200 : vector<16xi32>
      %lt3A_202 = arith.constant 5056 : i32
      %lt3A_203 = vector.broadcast %lt3A_202 : i32 to vector<16xi32>
      %lt3A_204 = arith.cmpi slt, %sub3A_198, %lt3A_203 : vector<16xi32>
      %and3A_205 = arith.andi %ge3A_201, %lt3A_204 : vector<16xi1>
      %add3A_206 = arith.constant 0 : i32
      %add3A_207 = vector.broadcast %add3A_206 : i32 to vector<16xi32>
      %add3A_208 = arith.addi %iota3A, %add3A_207 : vector<16xi32>
      %and3A_209 = arith.constant 63 : i32
      %and3A_210 = vector.broadcast %and3A_209 : i32 to vector<16xi32>
      %and3A_211 = arith.andi %add3A_208, %and3A_210 : vector<16xi32>
      %add3A_212 = arith.constant 5056 : i32
      %add3A_213 = vector.broadcast %add3A_212 : i32 to vector<16xi32>
      %add3A_214 = arith.addi %add3A_213, %and3A_211 : vector<16xi32>
      %select_n3A_215 = arith.select %and3A_205, %sub3A_198, %add3A_214 : vector<16xi1>, vector<16xi32>
      %swap3A_216 = arith.constant 0 : index
      %swap3A_217 = tpu.vector_load %arg8[%swap3A_216] {strides = array<i32>} : memref<64xi32, #tpu.memory_space<vmem>>, vector<16xi32>,
      %swap3A_218 = vector.shape_cast %swap3A_217 : vector<16xi32> to vector<16xi32>
      %swap3A_219 = vector.shape_cast %select_n3A_215 : vector<16xi32> to vector<16xi32>
      tpu.vector_store %arg8[%swap3A_216], %swap3A_219 {strides = array<i32>} : memref<64xi32, #tpu.memory_space<vmem>>, vector<16xi32>,
      %get3A_220 = arith.constant 1 : i32
      %get3A_221 = arith.index_cast %get3A_220 : i32 to index
      %get3A_222 = arith.constant 16 : index
      %get3A_223 = tpu.vector_load %arg7[%get3A_221, %get3A_222] {strides = array<i32>} : memref<2x64xi32, #tpu.memory_space<vmem>>, vector<1x16xi32>,
      %get3A_224 = vector.shape_cast %get3A_223 : vector<1x16xi32> to vector<16xi32>
      %sub3A_225 = vector.broadcast %mul3A_25 : i32 to vector<16xi32>
      %sub3A_226 = arith.subi %get3A_224, %sub3A_225 : vector<16xi32>
      %ge3A_227 = arith.constant 0 : i32
      %ge3A_228 = vector.broadcast %ge3A_227 : i32 to vector<16xi32>
      %ge3A_229 = arith.cmpi sge, %sub3A_226, %ge3A_228 : vector<16xi32>
      %lt3A_230 = arith.constant 5056 : i32
      %lt3A_231 = vector.broadcast %lt3A_230 : i32 to vector<16xi32>
      %lt3A_232 = arith.cmpi slt, %sub3A_226, %lt3A_231 : vector<16xi32>
      %and3A_233 = arith.andi %ge3A_229, %lt3A_232 : vector<16xi1>
      %add3A_234 = arith.constant 16 : i32
      %add3A_235 = vector.broadcast %add3A_234 : i32 to vector<16xi32>
      %add3A_236 = arith.addi %iota3A, %add3A_235 : vector<16xi32>
      %and3A_237 = arith.constant 63 : i32
      %and3A_238 = vector.broadcast %and3A_237 : i32 to vector<16xi32>
      %and3A_239 = arith.andi %add3A_236, %and3A_238 : vector<16xi32>
      %add3A_240 = arith.constant 5056 : i32
      %add3A_241 = vector.broadcast %add3A_240 : i32 to vector<16xi32>
      %add3A_242 = arith.addi %add3A_241, %and3A_239 : vector<16xi32>
      %select_n3A_243 = arith.select %and3A_233, %sub3A_226, %add3A_242 : vector<16xi1>, vector<16xi32>
      %swap3A_244 = arith.constant 16 : index
      %swap3A_245 = tpu.vector_load %arg8[%swap3A_244] {strides = array<i32>} : memref<64xi32, #tpu.memory_space<vmem>>, vector<16xi32>,
      %swap3A_246 = vector.shape_cast %swap3A_245 : vector<16xi32> to vector<16xi32>
      %swap3A_247 = vector.shape_cast %select_n3A_243 : vector<16xi32> to vector<16xi32>
      tpu.vector_store %arg8[%swap3A_244], %swap3A_247 {strides = array<i32>} : memref<64xi32, #tpu.memory_space<vmem>>, vector<16xi32>,
      %get3A_248 = arith.constant 1 : i32
      %get3A_249 = arith.index_cast %get3A_248 : i32 to index
      %get3A_250 = arith.constant 32 : index
      %get3A_251 = tpu.vector_load %arg7[%get3A_249, %get3A_250] {strides = array<i32>} : memref<2x64xi32, #tpu.memory_space<vmem>>, vector<1x16xi32>,
      %get3A_252 = vector.shape_cast %get3A_251 : vector<1x16xi32> to vector<16xi32>
      %sub3A_253 = vector.broadcast %mul3A_25 : i32 to vector<16xi32>
      %sub3A_254 = arith.subi %get3A_252, %sub3A_253 : vector<16xi32>
      %ge3A_255 = arith.constant 0 : i32
      %ge3A_256 = vector.broadcast %ge3A_255 : i32 to vector<16xi32>
      %ge3A_257 = arith.cmpi sge, %sub3A_254, %ge3A_256 : vector<16xi32>
      %lt3A_258 = arith.constant 5056 : i32
      %lt3A_259 = vector.broadcast %lt3A_258 : i32 to vector<16xi32>
      %lt3A_260 = arith.cmpi slt, %sub3A_254, %lt3A_259 : vector<16xi32>
      %and3A_261 = arith.andi %ge3A_257, %lt3A_260 : vector<16xi1>
      %add3A_262 = arith.constant 32 : i32
      %add3A_263 = vector.broadcast %add3A_262 : i32 to vector<16xi32>
      %add3A_264 = arith.addi %iota3A, %add3A_263 : vector<16xi32>
      %and3A_265 = arith.constant 63 : i32
      %and3A_266 = vector.broadcast %and3A_265 : i32 to vector<16xi32>
      %and3A_267 = arith.andi %add3A_264, %and3A_266 : vector<16xi32>
      %add3A_268 = arith.constant 5056 : i32
      %add3A_269 = vector.broadcast %add3A_268 : i32 to vector<16xi32>
      %add3A_270 = arith.addi %add3A_269, %and3A_267 : vector<16xi32>
      %select_n3A_271 = arith.select %and3A_261, %sub3A_254, %add3A_270 : vector<16xi1>, vector<16xi32>
      %swap3A_272 = arith.constant 32 : index
      %swap3A_273 = tpu.vector_load %arg8[%swap3A_272] {strides = array<i32>} : memref<64xi32, #tpu.memory_space<vmem>>, vector<16xi32>,
      %swap3A_274 = vector.shape_cast %swap3A_273 : vector<16xi32> to vector<16xi32>
      %swap3A_275 = vector.shape_cast %select_n3A_271 : vector<16xi32> to vector<16xi32>
      tpu.vector_store %arg8[%swap3A_272], %swap3A_275 {strides = array<i32>} : memref<64xi32, #tpu.memory_space<vmem>>, vector<16xi32>,
      %get3A_276 = arith.constant 1 : i32
      %get3A_277 = arith.index_cast %get3A_276 : i32 to index
      %get3A_278 = arith.constant 48 : index
      %get3A_279 = tpu.vector_load %arg7[%get3A_277, %get3A_278] {strides = array<i32>} : memref<2x64xi32, #tpu.memory_space<vmem>>, vector<1x16xi32>,
      %get3A_280 = vector.shape_cast %get3A_279 : vector<1x16xi32> to vector<16xi32>
      %sub3A_281 = vector.broadcast %mul3A_25 : i32 to vector<16xi32>
      %sub3A_282 = arith.subi %get3A_280, %sub3A_281 : vector<16xi32>
      %ge3A_283 = arith.constant 0 : i32
      %ge3A_284 = vector.broadcast %ge3A_283 : i32 to vector<16xi32>
      %ge3A_285 = arith.cmpi sge, %sub3A_282, %ge3A_284 : vector<16xi32>
      %lt3A_286 = arith.constant 5056 : i32
      %lt3A_287 = vector.broadcast %lt3A_286 : i32 to vector<16xi32>
      %lt3A_288 = arith.cmpi slt, %sub3A_282, %lt3A_287 : vector<16xi32>
      %and3A_289 = arith.andi %ge3A_285, %lt3A_288 : vector<16xi1>
      %add3A_290 = arith.constant 48 : i32
      %add3A_291 = vector.broadcast %add3A_290 : i32 to vector<16xi32>
      %add3A_292 = arith.addi %iota3A, %add3A_291 : vector<16xi32>
      %and3A_293 = arith.constant 63 : i32
      %and3A_294 = vector.broadcast %and3A_293 : i32 to vector<16xi32>
      %and3A_295 = arith.andi %add3A_292, %and3A_294 : vector<16xi32>
      %add3A_296 = arith.constant 5056 : i32
      %add3A_297 = vector.broadcast %add3A_296 : i32 to vector<16xi32>
      %add3A_298 = arith.addi %add3A_297, %and3A_295 : vector<16xi32>
      %select_n3A_299 = arith.select %and3A_289, %sub3A_282, %add3A_298 : vector<16xi1>, vector<16xi32>
      %swap3A_300 = arith.constant 48 : index
      %swap3A_301 = tpu.vector_load %arg8[%swap3A_300] {strides = array<i32>} : memref<64xi32, #tpu.memory_space<vmem>>, vector<16xi32>,
      %swap3A_302 = vector.shape_cast %swap3A_301 : vector<16xi32> to vector<16xi32>
      %swap3A_303 = vector.shape_cast %select_n3A_299 : vector<16xi32> to vector<16xi32>
      tpu.vector_store %arg8[%swap3A_300], %swap3A_303 {strides = array<i32>} : memref<64xi32, #tpu.memory_space<vmem>>, vector<16xi32>,
      %dma_start3A_304 = arith.constant 0 : i32
      %dma_start3A_305 = arith.constant 0 : i32
      %dma_start3A_306 = tpu.memref_slice %arg7[%dma_start3A_304, %dma_start3A_305] : memref<2x64xi32, #tpu.memory_space<vmem>> -> memref<1x64xi32, #tpu.memory_space<vmem>>
      %dma_start3A_307 = tpu.memref_squeeze %dma_start3A_306 : memref<1x64xi32, #tpu.memory_space<vmem>> -> memref<64xi32, #tpu.memory_space<vmem>>
      %dma_start3A_308 = arith.constant 0 : i32
      %dma_start3A_309 = arith.constant 0 : i32
      %dma_start3A_310 = tpu.memref_slice %arg10[%dma_start3A_308, %dma_start3A_309] : memref<10112x128xf32, #tpu.memory_space<vmem_shared>> -> memref<10112x128xf32, #tpu.memory_space<vmem_shared>>
      tpu.enqueue_indirect_dma source(%dma_start3A_310 : memref<10112x128xf32, #tpu.memory_space<vmem_shared>>) target(%arg9 : memref<64x128xf32, #tpu.memory_space<vmem>>) offsets(%dma_start3A_307 : memref<64xi32, #tpu.memory_space<vmem>>) semaphore(%arg14 : memref<!tpu.dma_semaphore, #tpu.memory_space<semaphore_mem>>)
      %dma_wait3A_311 = arith.constant 0 : i32
      %dma_wait3A_312 = arith.constant 0 : i32
      %dma_wait3A_313 = tpu.memref_slice %arg7[%dma_wait3A_311, %dma_wait3A_312] : memref<2x64xi32, #tpu.memory_space<vmem>> -> memref<1x64xi32, #tpu.memory_space<vmem>>
      %dma_wait3A_314 = tpu.memref_squeeze %dma_wait3A_313 : memref<1x64xi32, #tpu.memory_space<vmem>> -> memref<64xi32, #tpu.memory_space<vmem>>
      %dma_wait3A_315 = arith.constant 0 : i32
      %dma_wait3A_316 = arith.constant 0 : i32
      %dma_wait3A_317 = tpu.memref_slice %arg10[%dma_wait3A_315, %dma_wait3A_316] : memref<10112x128xf32, #tpu.memory_space<vmem_shared>> -> memref<10112x128xf32, #tpu.memory_space<vmem_shared>>
      tpu.wait_indirect_dma semaphore(%arg14 : memref<!tpu.dma_semaphore, #tpu.memory_space<semaphore_mem>>) src(%dma_wait3A_317 : memref<10112x128xf32, #tpu.memory_space<vmem_shared>>) dst(%arg9 : memref<64x128xf32, #tpu.memory_space<vmem>>)
      "tpu.region"() ({
        %run_scoped3A = tpu.sem_alloc : memref<!tpu.dma_semaphore, #tpu.memory_space<semaphore_mem>>
        %dma_start3A_329 = arith.constant 0 : i32
        %dma_start3A_330 = arith.constant 0 : i32
        %dma_start3A_331 = tpu.memref_slice %arg11[%dma_start3A_329, %dma_start3A_330] : memref<5120x128xf32, #tpu.memory_space<vmem_shared>> -> memref<5120x128xf32, #tpu.memory_space<vmem_shared>>
        tpu.enqueue_indirect_dma source(%arg9 : memref<64x128xf32, #tpu.memory_space<vmem>>) target(%dma_start3A_331 : memref<5120x128xf32, #tpu.memory_space<vmem_shared>>) offsets(%arg8 : memref<64xi32, #tpu.memory_space<vmem>>) semaphore(%run_scoped3A : memref<!tpu.dma_semaphore, #tpu.memory_space<semaphore_mem>>) {add = true}
        %dma_wait3A_332 = arith.constant 0 : i32
        %dma_wait3A_333 = arith.constant 0 : i32
        %dma_wait3A_334 = tpu.memref_slice %arg11[%dma_wait3A_332, %dma_wait3A_333] : memref<5120x128xf32, #tpu.memory_space<vmem_shared>> -> memref<5120x128xf32, #tpu.memory_space<vmem_shared>>
        tpu.wait_indirect_dma semaphore(%run_scoped3A : memref<!tpu.dma_semaphore, #tpu.memory_space<semaphore_mem>>) src(%arg9 : memref<64x128xf32, #tpu.memory_space<vmem>>) dst(%dma_wait3A_334 : memref<5120x128xf32, #tpu.memory_space<vmem_shared>>)
        tpu.yield
      }) : () -> ()
      %add3A_318 = arith.constant 2 : i32
      %add3A_319 = arith.addi %add3A_39, %add3A_318 : i32
      %add3A_320 = arith.addi %mul3A_0, %add3A_319 : i32
      %dma_wait3A_321 = arith.constant 0 : i32
      %dma_wait3A_322 = arith.constant 0 : i32
      %dma_wait3A_323 = tpu.memref_slice %arg3[%add3A_320, %dma_wait3A_321, %dma_wait3A_322] : memref<5057x2x64xi32, #tpu.memory_space<hbm>> -> memref<1x2x64xi32, #tpu.memory_space<hbm>>
      %dma_wait3A_324 = tpu.memref_squeeze %dma_wait3A_323 : memref<1x2x64xi32, #tpu.memory_space<hbm>> -> memref<2x64xi32, #tpu.memory_space<hbm>>
      %dma_wait3A_325 = arith.constant 0 : i32
      %dma_wait3A_326 = arith.constant 0 : i32
      %dma_wait3A_327 = tpu.memref_slice %arg3[%add3A_320, %dma_wait3A_325, %dma_wait3A_326] : memref<5057x2x64xi32, #tpu.memory_space<hbm>> -> memref<1x2x64xi32, #tpu.memory_space<hbm>>
      %dma_wait3A_328 = tpu.memref_squeeze %dma_wait3A_327 : memref<1x2x64xi32, #tpu.memory_space<hbm>> -> memref<2x64xi32, #tpu.memory_space<hbm>>
      tpu.wait_dma2 semaphore(%arg12 : memref<!tpu.dma_semaphore, #tpu.memory_space<semaphore_mem>>) src(%dma_wait3A_328 : memref<2x64xi32, #tpu.memory_space<hbm>>) dst(%arg6 : memref<2x64xi32, #tpu.memory_space<vmem>>)
    }
    %scan3A_29 = arith.constant 158 : i32
    %barrier3A_30 = arith.constant 0 : index
    tpu.barrier barrier_id(%barrier3A_30)
    %mul3A_31 = arith.constant 320 : i32
    %mul3A_32 = arith.muli %arg1, %mul3A_31 : i32
    %mul3A_33 = arith.constant 320 : i32
    %mul3A_34 = arith.muli %arg1, %mul3A_33 : i32
    "tpu.region"() ({
      %run_scoped3A = tpu.sem_alloc : memref<!tpu.dma_semaphore, #tpu.memory_space<semaphore_mem>>
      %dma_start3A_35 = arith.constant 0 : i32
      %dma_start3A_36 = tpu.memref_slice %arg5[%arg0, %mul3A_34, %dma_start3A_35] : memref<2x5120x128xf32, #tpu.memory_space<hbm>> -> memref<1x320x128xf32, #tpu.memory_space<hbm>>
      %dma_start3A_37 = tpu.memref_squeeze %dma_start3A_36 : memref<1x320x128xf32, #tpu.memory_space<hbm>> -> memref<320x128xf32, #tpu.memory_space<hbm>>
      %dma_start3A_38 = arith.constant 0 : i32
      %dma_start3A_39 = tpu.memref_slice %arg11[%mul3A_32, %dma_start3A_38] : memref<5120x128xf32, #tpu.memory_space<vmem_shared>> -> memref<320x128xf32, #tpu.memory_space<vmem_shared>>
      tpu.enqueue_dma source(%dma_start3A_39 : memref<320x128xf32, #tpu.memory_space<vmem_shared>>) target(%dma_start3A_37 : memref<320x128xf32, #tpu.memory_space<hbm>>) target_semaphore(%run_scoped3A : memref<!tpu.dma_semaphore, #tpu.memory_space<semaphore_mem>>)
      %dma_wait3A_40 = arith.constant 0 : i32
      %dma_wait3A_41 = tpu.memref_slice %arg5[%arg0, %mul3A_34, %dma_wait3A_40] : memref<2x5120x128xf32, #tpu.memory_space<hbm>> -> memref<1x320x128xf32, #tpu.memory_space<hbm>>
      %dma_wait3A_42 = tpu.memref_squeeze %dma_wait3A_41 : memref<1x320x128xf32, #tpu.memory_space<hbm>> -> memref<320x128xf32, #tpu.memory_space<hbm>>
      %dma_wait3A_43 = arith.constant 0 : i32
      %dma_wait3A_44 = tpu.memref_slice %arg11[%mul3A_32, %dma_wait3A_43] : memref<5120x128xf32, #tpu.memory_space<vmem_shared>> -> memref<320x128xf32, #tpu.memory_space<vmem_shared>>
      tpu.wait_dma2 semaphore(%run_scoped3A : memref<!tpu.dma_semaphore, #tpu.memory_space<semaphore_mem>>) src(%dma_wait3A_44 : memref<320x128xf32, #tpu.memory_space<vmem_shared>>) dst(%dma_wait3A_42 : memref<320x128xf32, #tpu.memory_space<hbm>>)
      tpu.yield
    }) : () -> ()
    return
  }
}

#map = affine_map<(d0, d1) -> (0, 0)>
#map1 = affine_map<(d0, d1) -> (0, 0, 0)>
module attributes {stable_mosaic.version = 14 : i64} {
  func.func @k(%arg0: i32, %arg1: i32, %arg2: memref<10112x128xf32, #tpu.memory_space<hbm>>, %arg3: memref<5057x2x64xi32, #tpu.memory_space<hbm>>, %arg4: memref<632x128xf32, #tpu.memory_space<hbm>>, %arg5: memref<2x5120x128xf32, #tpu.memory_space<hbm>>, %arg6: memref<2x64xi32, #tpu.memory_space<vmem>>, %arg7: memref<2x64xi32, #tpu.memory_space<vmem>>, %arg8: memref<64xi32, #tpu.memory_space<vmem>>, %arg9: memref<64x128xf32, #tpu.memory_space<vmem>>, %arg10: memref<10112x128xf32, #tpu.memory_space<vmem_shared>>, %arg11: memref<5120x128xf32, #tpu.memory_space<vmem_shared>>, %arg12: memref<!tpu.dma_semaphore, #tpu.memory_space<semaphore_mem>>, %arg13: memref<!tpu.dma_semaphore, #tpu.memory_space<semaphore_mem>>, %arg14: memref<!tpu.dma_semaphore, #tpu.memory_space<semaphore_mem>>) attributes {dimension_semantics = [#tpu.dimension_semantics<core_parallel>, #tpu.dimension_semantics<subcore_parallel>], iteration_bounds = array<i64: 2, 16>, scalar_prefetch = 0 : i64, scratch_operands = 9 : i64, tpu.core_type = #tpu.core_type<sc_vector_subcore>, window_params = [{transform_indices = #map}, {transform_indices = #map1}, {transform_indices = #map}, {transform_indices = #map1}]} {
    %mul3A = arith.constant 316 : i32
    %mul3A_0 = arith.muli %arg1, %mul3A : i32
    %add3A = arith.constant 0 : i32
    %add3A_1 = arith.addi %mul3A_0, %add3A : i32
    %dma_start3A = arith.constant 0 : i32
    %dma_start3A_2 = arith.constant 0 : i32
    %dma_start3A_3 = tpu.memref_slice %arg3[%add3A_1, %dma_start3A, %dma_start3A_2] : memref<5057x2x64xi32, #tpu.memory_space<hbm>> -> memref<1x2x64xi32, #tpu.memory_space<hbm>>
    %dma_start3A_4 = tpu.memref_squeeze %dma_start3A_3 : memref<1x2x64xi32, #tpu.memory_space<hbm>> -> memref<2x64xi32, #tpu.memory_space<hbm>>
    %dma_start3A_5 = arith.constant 0 : i32
    %dma_start3A_6 = arith.constant 0 : i32
    %dma_start3A_7 = tpu.memref_slice %arg3[%add3A_1, %dma_start3A_5, %dma_start3A_6] : memref<5057x2x64xi32, #tpu.memory_space<hbm>> -> memref<1x2x64xi32, #tpu.memory_space<hbm>>
    %dma_start3A_8 = tpu.memref_squeeze %dma_start3A_7 : memref<1x2x64xi32, #tpu.memory_space<hbm>> -> memref<2x64xi32, #tpu.memory_space<hbm>>
    tpu.enqueue_dma source(%dma_start3A_8 : memref<2x64xi32, #tpu.memory_space<hbm>>) target(%arg6 : memref<2x64xi32, #tpu.memory_space<vmem>>) target_semaphore(%arg12 : memref<!tpu.dma_semaphore, #tpu.memory_space<semaphore_mem>>)
    %mul3A_9 = arith.constant 632 : i32
    %mul3A_10 = arith.muli %arg1, %mul3A_9 : i32
    %mul3A_11 = arith.constant 632 : i32
    %mul3A_12 = arith.muli %arg1, %mul3A_11 : i32
    "tpu.region"() ({
      %run_scoped3A = tpu.sem_alloc : memref<!tpu.dma_semaphore, #tpu.memory_space<semaphore_mem>>
      %dma_start3A_35 = arith.constant 0 : i32
      %dma_start3A_36 = tpu.memref_slice %arg10[%mul3A_12, %dma_start3A_35] : memref<10112x128xf32, #tpu.memory_space<vmem_shared>> -> memref<632x128xf32, #tpu.memory_space<vmem_shared>>
      %dma_start3A_37 = arith.constant 0 : i32
      %dma_start3A_38 = tpu.memref_slice %arg2[%mul3A_10, %dma_start3A_37] : memref<10112x128xf32, #tpu.memory_space<hbm>> -> memref<632x128xf32, #tpu.memory_space<hbm>>
      tpu.enqueue_dma source(%dma_start3A_38 : memref<632x128xf32, #tpu.memory_space<hbm>>) target(%dma_start3A_36 : memref<632x128xf32, #tpu.memory_space<vmem_shared>>) target_semaphore(%run_scoped3A : memref<!tpu.dma_semaphore, #tpu.memory_space<semaphore_mem>>)
      %dma_wait3A_39 = arith.constant 0 : i32
      %dma_wait3A_40 = tpu.memref_slice %arg10[%mul3A_12, %dma_wait3A_39] : memref<10112x128xf32, #tpu.memory_space<vmem_shared>> -> memref<632x128xf32, #tpu.memory_space<vmem_shared>>
      %dma_wait3A_41 = arith.constant 0 : i32
      %dma_wait3A_42 = tpu.memref_slice %arg2[%mul3A_10, %dma_wait3A_41] : memref<10112x128xf32, #tpu.memory_space<hbm>> -> memref<632x128xf32, #tpu.memory_space<hbm>>
      tpu.wait_dma2 semaphore(%run_scoped3A : memref<!tpu.dma_semaphore, #tpu.memory_space<semaphore_mem>>) src(%dma_wait3A_42 : memref<632x128xf32, #tpu.memory_space<hbm>>) dst(%dma_wait3A_40 : memref<632x128xf32, #tpu.memory_space<vmem_shared>>)
      tpu.yield
    }) : () -> ()
    %mul3A_13 = arith.constant 320 : i32
    %mul3A_14 = arith.muli %arg1, %mul3A_13 : i32
    "tpu.region"() ({
      %run_scoped3A = tpu.sem_alloc : memref<!tpu.dma_semaphore, #tpu.memory_space<semaphore_mem>>
      %dma_start3A_35 = arith.constant 0 : i32
      %dma_start3A_36 = tpu.memref_slice %arg11[%mul3A_14, %dma_start3A_35] : memref<5120x128xf32, #tpu.memory_space<vmem_shared>> -> memref<320x128xf32, #tpu.memory_space<vmem_shared>>
      %dma_start3A_37 = arith.constant 0 : i32
      %dma_start3A_38 = arith.constant 0 : i32
      %dma_start3A_39 = tpu.memref_slice %arg4[%dma_start3A_37, %dma_start3A_38] : memref<632x128xf32, #tpu.memory_space<hbm>> -> memref<320x128xf32, #tpu.memory_space<hbm>>
      tpu.enqueue_dma source(%dma_start3A_39 : memref<320x128xf32, #tpu.memory_space<hbm>>) target(%dma_start3A_36 : memref<320x128xf32, #tpu.memory_space<vmem_shared>>) target_semaphore(%run_scoped3A : memref<!tpu.dma_semaphore, #tpu.memory_space<semaphore_mem>>)
      %dma_wait3A_40 = arith.constant 0 : i32
      %dma_wait3A_41 = tpu.memref_slice %arg11[%mul3A_14, %dma_wait3A_40] : memref<5120x128xf32, #tpu.memory_space<vmem_shared>> -> memref<320x128xf32, #tpu.memory_space<vmem_shared>>
      %dma_wait3A_42 = arith.constant 0 : i32
      %dma_wait3A_43 = arith.constant 0 : i32
      %dma_wait3A_44 = tpu.memref_slice %arg4[%dma_wait3A_42, %dma_wait3A_43] : memref<632x128xf32, #tpu.memory_space<hbm>> -> memref<320x128xf32, #tpu.memory_space<hbm>>
      tpu.wait_dma2 semaphore(%run_scoped3A : memref<!tpu.dma_semaphore, #tpu.memory_space<semaphore_mem>>) src(%dma_wait3A_44 : memref<320x128xf32, #tpu.memory_space<hbm>>) dst(%dma_wait3A_41 : memref<320x128xf32, #tpu.memory_space<vmem_shared>>)
      tpu.yield
    }) : () -> ()
    %add3A_15 = arith.constant 0 : i32
    %add3A_16 = arith.addi %mul3A_0, %add3A_15 : i32
    %dma_wait3A = arith.constant 0 : i32
    %dma_wait3A_17 = arith.constant 0 : i32
    %dma_wait3A_18 = tpu.memref_slice %arg3[%add3A_16, %dma_wait3A, %dma_wait3A_17] : memref<5057x2x64xi32, #tpu.memory_space<hbm>> -> memref<1x2x64xi32, #tpu.memory_space<hbm>>
    %dma_wait3A_19 = tpu.memref_squeeze %dma_wait3A_18 : memref<1x2x64xi32, #tpu.memory_space<hbm>> -> memref<2x64xi32, #tpu.memory_space<hbm>>
    %dma_wait3A_20 = arith.constant 0 : i32
    %dma_wait3A_21 = arith.constant 0 : i32
    %dma_wait3A_22 = tpu.memref_slice %arg3[%add3A_16, %dma_wait3A_20, %dma_wait3A_21] : memref<5057x2x64xi32, #tpu.memory_space<hbm>> -> memref<1x2x64xi32, #tpu.memory_space<hbm>>
    %dma_wait3A_23 = tpu.memref_squeeze %dma_wait3A_22 : memref<1x2x64xi32, #tpu.memory_space<hbm>> -> memref<2x64xi32, #tpu.memory_space<hbm>>
    tpu.wait_dma2 semaphore(%arg12 : memref<!tpu.dma_semaphore, #tpu.memory_space<semaphore_mem>>) src(%dma_wait3A_23 : memref<2x64xi32, #tpu.memory_space<hbm>>) dst(%arg6 : memref<2x64xi32, #tpu.memory_space<vmem>>)
    %barrier3A = arith.constant 0 : index
    tpu.barrier barrier_id(%barrier3A)
    %mul3A_24 = arith.constant 5056 : i32
    %mul3A_25 = arith.muli %arg0, %mul3A_24 : i32
    %iota3A = tpu.iota {dimensions = array<i32: 0>} : vector<16xi32>
    %scan3A = arith.constant 0 : i32
    %scan3A_26 = arith.constant 158 : i32
    %scan3A_27 = arith.addi %scan3A, %scan3A_26 : i32
    %scan3A_28 = arith.constant 1 : i32
    scf.for %scan3A_35 = %scan3A to %scan3A_27 step %scan3A_28  : i32 {
      %mul3A_36 = arith.constant 2 : i32
      %mul3A_37 = arith.muli %scan3A_35, %mul3A_36 : i32
      %add3A_38 = arith.constant 0 : i32
      %add3A_39 = arith.addi %add3A_38, %mul3A_37 : i32
      %add3A_40 = arith.constant 1 : i32
      %add3A_41 = arith.addi %add3A_39, %add3A_40 : i32
      %add3A_42 = arith.addi %mul3A_0, %add3A_41 : i32
      %dma_start3A_43 = arith.constant 0 : i32
      %dma_start3A_44 = arith.constant 0 : i32
      %dma_start3A_45 = tpu.memref_slice %arg3[%add3A_42, %dma_start3A_43, %dma_start3A_44] : memref<5057x2x64xi32, #tpu.memory_space<hbm>> -> memref<1x2x64xi32, #tpu.memory_space<hbm>>
      %dma_start3A_46 = tpu.memref_squeeze %dma_start3A_45 : memref<1x2x64xi32, #tpu.memory_space<hbm>> -> memref<2x64xi32, #tpu.memory_space<hbm>>
      %dma_start3A_47 = arith.constant 0 : i32
      %dma_start3A_48 = arith.constant 0 : i32
      %dma_start3A_49 = tpu.memref_slice %arg3[%add3A_42, %dma_start3A_47, %dma_start3A_48] : memref<5057x2x64xi32, #tpu.memory_space<hbm>> -> memref<1x2x64xi32, #tpu.memory_space<hbm>>
      %dma_start3A_50 = tpu.memref_squeeze %dma_start3A_49 : memref<1x2x64xi32, #tpu.memory_space<hbm>> -> memref<2x64xi32, #tpu.memory_space<hbm>>
      tpu.enqueue_dma source(%dma_start3A_50 : memref<2x64xi32, #tpu.memory_space<hbm>>) target(%arg7 : memref<2x64xi32, #tpu.memory_space<vmem>>) target_semaphore(%arg13 : memref<!tpu.dma_semaphore, #tpu.memory_space<semaphore_mem>>)
      %get3A = arith.constant 1 : i32
      %get3A_51 = arith.index_cast %get3A : i32 to index
      %get3A_52 = arith.constant 0 : index
      %get3A_53 = tpu.vector_load %arg6[%get3A_51, %get3A_52] {strides = array<i32>} : memref<2x64xi32, #tpu.memory_space<vmem>>, vector<1x16xi32>,
      %get3A_54 = vector.shape_cast %get3A_53 : vector<1x16xi32> to vector<16xi32>
      %sub3A = vector.broadcast %mul3A_25 : i32 to vector<16xi32>
      %sub3A_55 = arith.subi %get3A_54, %sub3A : vector<16xi32>
      %ge3A = arith.constant 0 : i32
      %ge3A_56 = vector.broadcast %ge3A : i32 to vector<16xi32>
      %ge3A_57 = arith.cmpi sge, %sub3A_55, %ge3A_56 : vector<16xi32>
      %lt3A = arith.constant 5056 : i32
      %lt3A_58 = vector.broadcast %lt3A : i32 to vector<16xi32>
      %lt3A_59 = arith.cmpi slt, %sub3A_55, %lt3A_58 : vector<16xi32>
      %and3A = arith.andi %ge3A_57, %lt3A_59 : vector<16xi1>
      %add3A_60 = arith.constant 0 : i32
      %add3A_61 = vector.broadcast %add3A_60 : i32 to vector<16xi32>
      %add3A_62 = arith.addi %iota3A, %add3A_61 : vector<16xi32>
      %and3A_63 = arith.constant 63 : i32
      %and3A_64 = vector.broadcast %and3A_63 : i32 to vector<16xi32>
      %and3A_65 = arith.andi %add3A_62, %and3A_64 : vector<16xi32>
      %add3A_66 = arith.constant 5056 : i32
      %add3A_67 = vector.broadcast %add3A_66 : i32 to vector<16xi32>
      %add3A_68 = arith.addi %add3A_67, %and3A_65 : vector<16xi32>
      %select_n3A = arith.select %and3A, %sub3A_55, %add3A_68 : vector<16xi1>, vector<16xi32>
      %swap3A = arith.constant 0 : index
      %swap3A_69 = tpu.vector_load %arg8[%swap3A] {strides = array<i32>} : memref<64xi32, #tpu.memory_space<vmem>>, vector<16xi32>,
      %swap3A_70 = vector.shape_cast %swap3A_69 : vector<16xi32> to vector<16xi32>
      %swap3A_71 = vector.shape_cast %select_n3A : vector<16xi32> to vector<16xi32>
      tpu.vector_store %arg8[%swap3A], %swap3A_71 {strides = array<i32>} : memref<64xi32, #tpu.memory_space<vmem>>, vector<16xi32>,
      %get3A_72 = arith.constant 1 : i32
      %get3A_73 = arith.index_cast %get3A_72 : i32 to index
      %get3A_74 = arith.constant 16 : index
      %get3A_75 = tpu.vector_load %arg6[%get3A_73, %get3A_74] {strides = array<i32>} : memref<2x64xi32, #tpu.memory_space<vmem>>, vector<1x16xi32>,
      %get3A_76 = vector.shape_cast %get3A_75 : vector<1x16xi32> to vector<16xi32>
      %sub3A_77 = vector.broadcast %mul3A_25 : i32 to vector<16xi32>
      %sub3A_78 = arith.subi %get3A_76, %sub3A_77 : vector<16xi32>
      %ge3A_79 = arith.constant 0 : i32
      %ge3A_80 = vector.broadcast %ge3A_79 : i32 to vector<16xi32>
      %ge3A_81 = arith.cmpi sge, %sub3A_78, %ge3A_80 : vector<16xi32>
      %lt3A_82 = arith.constant 5056 : i32
      %lt3A_83 = vector.broadcast %lt3A_82 : i32 to vector<16xi32>
      %lt3A_84 = arith.cmpi slt, %sub3A_78, %lt3A_83 : vector<16xi32>
      %and3A_85 = arith.andi %ge3A_81, %lt3A_84 : vector<16xi1>
      %add3A_86 = arith.constant 16 : i32
      %add3A_87 = vector.broadcast %add3A_86 : i32 to vector<16xi32>
      %add3A_88 = arith.addi %iota3A, %add3A_87 : vector<16xi32>
      %and3A_89 = arith.constant 63 : i32
      %and3A_90 = vector.broadcast %and3A_89 : i32 to vector<16xi32>
      %and3A_91 = arith.andi %add3A_88, %and3A_90 : vector<16xi32>
      %add3A_92 = arith.constant 5056 : i32
      %add3A_93 = vector.broadcast %add3A_92 : i32 to vector<16xi32>
      %add3A_94 = arith.addi %add3A_93, %and3A_91 : vector<16xi32>
      %select_n3A_95 = arith.select %and3A_85, %sub3A_78, %add3A_94 : vector<16xi1>, vector<16xi32>
      %swap3A_96 = arith.constant 16 : index
      %swap3A_97 = tpu.vector_load %arg8[%swap3A_96] {strides = array<i32>} : memref<64xi32, #tpu.memory_space<vmem>>, vector<16xi32>,
      %swap3A_98 = vector.shape_cast %swap3A_97 : vector<16xi32> to vector<16xi32>
      %swap3A_99 = vector.shape_cast %select_n3A_95 : vector<16xi32> to vector<16xi32>
      tpu.vector_store %arg8[%swap3A_96], %swap3A_99 {strides = array<i32>} : memref<64xi32, #tpu.memory_space<vmem>>, vector<16xi32>,
      %get3A_100 = arith.constant 1 : i32
      %get3A_101 = arith.index_cast %get3A_100 : i32 to index
      %get3A_102 = arith.constant 32 : index
      %get3A_103 = tpu.vector_load %arg6[%get3A_101, %get3A_102] {strides = array<i32>} : memref<2x64xi32, #tpu.memory_space<vmem>>, vector<1x16xi32>,
      %get3A_104 = vector.shape_cast %get3A_103 : vector<1x16xi32> to vector<16xi32>
      %sub3A_105 = vector.broadcast %mul3A_25 : i32 to vector<16xi32>
      %sub3A_106 = arith.subi %get3A_104, %sub3A_105 : vector<16xi32>
      %ge3A_107 = arith.constant 0 : i32
      %ge3A_108 = vector.broadcast %ge3A_107 : i32 to vector<16xi32>
      %ge3A_109 = arith.cmpi sge, %sub3A_106, %ge3A_108 : vector<16xi32>
      %lt3A_110 = arith.constant 5056 : i32
      %lt3A_111 = vector.broadcast %lt3A_110 : i32 to vector<16xi32>
      %lt3A_112 = arith.cmpi slt, %sub3A_106, %lt3A_111 : vector<16xi32>
      %and3A_113 = arith.andi %ge3A_109, %lt3A_112 : vector<16xi1>
      %add3A_114 = arith.constant 32 : i32
      %add3A_115 = vector.broadcast %add3A_114 : i32 to vector<16xi32>
      %add3A_116 = arith.addi %iota3A, %add3A_115 : vector<16xi32>
      %and3A_117 = arith.constant 63 : i32
      %and3A_118 = vector.broadcast %and3A_117 : i32 to vector<16xi32>
      %and3A_119 = arith.andi %add3A_116, %and3A_118 : vector<16xi32>
      %add3A_120 = arith.constant 5056 : i32
      %add3A_121 = vector.broadcast %add3A_120 : i32 to vector<16xi32>
      %add3A_122 = arith.addi %add3A_121, %and3A_119 : vector<16xi32>
      %select_n3A_123 = arith.select %and3A_113, %sub3A_106, %add3A_122 : vector<16xi1>, vector<16xi32>
      %swap3A_124 = arith.constant 32 : index
      %swap3A_125 = tpu.vector_load %arg8[%swap3A_124] {strides = array<i32>} : memref<64xi32, #tpu.memory_space<vmem>>, vector<16xi32>,
      %swap3A_126 = vector.shape_cast %swap3A_125 : vector<16xi32> to vector<16xi32>
      %swap3A_127 = vector.shape_cast %select_n3A_123 : vector<16xi32> to vector<16xi32>
      tpu.vector_store %arg8[%swap3A_124], %swap3A_127 {strides = array<i32>} : memref<64xi32, #tpu.memory_space<vmem>>, vector<16xi32>,
      %get3A_128 = arith.constant 1 : i32
      %get3A_129 = arith.index_cast %get3A_128 : i32 to index
      %get3A_130 = arith.constant 48 : index
      %get3A_131 = tpu.vector_load %arg6[%get3A_129, %get3A_130] {strides = array<i32>} : memref<2x64xi32, #tpu.memory_space<vmem>>, vector<1x16xi32>,
      %get3A_132 = vector.shape_cast %get3A_131 : vector<1x16xi32> to vector<16xi32>
      %sub3A_133 = vector.broadcast %mul3A_25 : i32 to vector<16xi32>
      %sub3A_134 = arith.subi %get3A_132, %sub3A_133 : vector<16xi32>
      %ge3A_135 = arith.constant 0 : i32
      %ge3A_136 = vector.broadcast %ge3A_135 : i32 to vector<16xi32>
      %ge3A_137 = arith.cmpi sge, %sub3A_134, %ge3A_136 : vector<16xi32>
      %lt3A_138 = arith.constant 5056 : i32
      %lt3A_139 = vector.broadcast %lt3A_138 : i32 to vector<16xi32>
      %lt3A_140 = arith.cmpi slt, %sub3A_134, %lt3A_139 : vector<16xi32>
      %and3A_141 = arith.andi %ge3A_137, %lt3A_140 : vector<16xi1>
      %add3A_142 = arith.constant 48 : i32
      %add3A_143 = vector.broadcast %add3A_142 : i32 to vector<16xi32>
      %add3A_144 = arith.addi %iota3A, %add3A_143 : vector<16xi32>
      %and3A_145 = arith.constant 63 : i32
      %and3A_146 = vector.broadcast %and3A_145 : i32 to vector<16xi32>
      %and3A_147 = arith.andi %add3A_144, %and3A_146 : vector<16xi32>
      %add3A_148 = arith.constant 5056 : i32
      %add3A_149 = vector.broadcast %add3A_148 : i32 to vector<16xi32>
      %add3A_150 = arith.addi %add3A_149, %and3A_147 : vector<16xi32>
      %select_n3A_151 = arith.select %and3A_141, %sub3A_134, %add3A_150 : vector<16xi1>, vector<16xi32>
      %swap3A_152 = arith.constant 48 : index
      %swap3A_153 = tpu.vector_load %arg8[%swap3A_152] {strides = array<i32>} : memref<64xi32, #tpu.memory_space<vmem>>, vector<16xi32>,
      %swap3A_154 = vector.shape_cast %swap3A_153 : vector<16xi32> to vector<16xi32>
      %swap3A_155 = vector.shape_cast %select_n3A_151 : vector<16xi32> to vector<16xi32>
      tpu.vector_store %arg8[%swap3A_152], %swap3A_155 {strides = array<i32>} : memref<64xi32, #tpu.memory_space<vmem>>, vector<16xi32>,
      %dma_start3A_156 = arith.constant 0 : i32
      %dma_start3A_157 = arith.constant 0 : i32
      %dma_start3A_158 = tpu.memref_slice %arg6[%dma_start3A_156, %dma_start3A_157] : memref<2x64xi32, #tpu.memory_space<vmem>> -> memref<1x64xi32, #tpu.memory_space<vmem>>
      %dma_start3A_159 = tpu.memref_squeeze %dma_start3A_158 : memref<1x64xi32, #tpu.memory_space<vmem>> -> memref<64xi32, #tpu.memory_space<vmem>>
      %dma_start3A_160 = arith.constant 0 : i32
      %dma_start3A_161 = arith.constant 0 : i32
      %dma_start3A_162 = tpu.memref_slice %arg10[%dma_start3A_160, %dma_start3A_161] : memref<10112x128xf32, #tpu.memory_space<vmem_shared>> -> memref<10112x128xf32, #tpu.memory_space<vmem_shared>>
      tpu.enqueue_indirect_dma source(%dma_start3A_162 : memref<10112x128xf32, #tpu.memory_space<vmem_shared>>) target(%arg9 : memref<64x128xf32, #tpu.memory_space<vmem>>) offsets(%dma_start3A_159 : memref<64xi32, #tpu.memory_space<vmem>>) semaphore(%arg14 : memref<!tpu.dma_semaphore, #tpu.memory_space<semaphore_mem>>)
      %dma_wait3A_163 = arith.constant 0 : i32
      %dma_wait3A_164 = arith.constant 0 : i32
      %dma_wait3A_165 = tpu.memref_slice %arg6[%dma_wait3A_163, %dma_wait3A_164] : memref<2x64xi32, #tpu.memory_space<vmem>> -> memref<1x64xi32, #tpu.memory_space<vmem>>
      %dma_wait3A_166 = tpu.memref_squeeze %dma_wait3A_165 : memref<1x64xi32, #tpu.memory_space<vmem>> -> memref<64xi32, #tpu.memory_space<vmem>>
      %dma_wait3A_167 = arith.constant 0 : i32
      %dma_wait3A_168 = arith.constant 0 : i32
      %dma_wait3A_169 = tpu.memref_slice %arg10[%dma_wait3A_167, %dma_wait3A_168] : memref<10112x128xf32, #tpu.memory_space<vmem_shared>> -> memref<10112x128xf32, #tpu.memory_space<vmem_shared>>
      tpu.wait_indirect_dma semaphore(%arg14 : memref<!tpu.dma_semaphore, #tpu.memory_space<semaphore_mem>>) src(%dma_wait3A_169 : memref<10112x128xf32, #tpu.memory_space<vmem_shared>>) dst(%arg9 : memref<64x128xf32, #tpu.memory_space<vmem>>)
      "tpu.region"() ({
        %run_scoped3A = tpu.sem_alloc : memref<!tpu.dma_semaphore, #tpu.memory_space<semaphore_mem>>
        %dma_start3A_329 = arith.constant 0 : i32
        %dma_start3A_330 = arith.constant 0 : i32
        %dma_start3A_331 = tpu.memref_slice %arg11[%dma_start3A_329, %dma_start3A_330] : memref<5120x128xf32, #tpu.memory_space<vmem_shared>> -> memref<5120x128xf32, #tpu.memory_space<vmem_shared>>
        tpu.enqueue_indirect_dma source(%arg9 : memref<64x128xf32, #tpu.memory_space<vmem>>) target(%dma_start3A_331 : memref<5120x128xf32, #tpu.memory_space<vmem_shared>>) offsets(%arg8 : memref<64xi32, #tpu.memory_space<vmem>>) semaphore(%run_scoped3A : memref<!tpu.dma_semaphore, #tpu.memory_space<semaphore_mem>>) {add = true}
        %dma_wait3A_332 = arith.constant 0 : i32
        %dma_wait3A_333 = arith.constant 0 : i32
        %dma_wait3A_334 = tpu.memref_slice %arg11[%dma_wait3A_332, %dma_wait3A_333] : memref<5120x128xf32, #tpu.memory_space<vmem_shared>> -> memref<5120x128xf32, #tpu.memory_space<vmem_shared>>
        tpu.wait_indirect_dma semaphore(%run_scoped3A : memref<!tpu.dma_semaphore, #tpu.memory_space<semaphore_mem>>) src(%arg9 : memref<64x128xf32, #tpu.memory_space<vmem>>) dst(%dma_wait3A_334 : memref<5120x128xf32, #tpu.memory_space<vmem_shared>>)
        tpu.yield
      }) : () -> ()
      %add3A_170 = arith.constant 1 : i32
      %add3A_171 = arith.addi %add3A_39, %add3A_170 : i32
      %add3A_172 = arith.addi %mul3A_0, %add3A_171 : i32
      %dma_wait3A_173 = arith.constant 0 : i32
      %dma_wait3A_174 = arith.constant 0 : i32
      %dma_wait3A_175 = tpu.memref_slice %arg3[%add3A_172, %dma_wait3A_173, %dma_wait3A_174] : memref<5057x2x64xi32, #tpu.memory_space<hbm>> -> memref<1x2x64xi32, #tpu.memory_space<hbm>>
      %dma_wait3A_176 = tpu.memref_squeeze %dma_wait3A_175 : memref<1x2x64xi32, #tpu.memory_space<hbm>> -> memref<2x64xi32, #tpu.memory_space<hbm>>
      %dma_wait3A_177 = arith.constant 0 : i32
      %dma_wait3A_178 = arith.constant 0 : i32
      %dma_wait3A_179 = tpu.memref_slice %arg3[%add3A_172, %dma_wait3A_177, %dma_wait3A_178] : memref<5057x2x64xi32, #tpu.memory_space<hbm>> -> memref<1x2x64xi32, #tpu.memory_space<hbm>>
      %dma_wait3A_180 = tpu.memref_squeeze %dma_wait3A_179 : memref<1x2x64xi32, #tpu.memory_space<hbm>> -> memref<2x64xi32, #tpu.memory_space<hbm>>
      tpu.wait_dma2 semaphore(%arg13 : memref<!tpu.dma_semaphore, #tpu.memory_space<semaphore_mem>>) src(%dma_wait3A_180 : memref<2x64xi32, #tpu.memory_space<hbm>>) dst(%arg7 : memref<2x64xi32, #tpu.memory_space<vmem>>)
      %add3A_181 = arith.constant 2 : i32
      %add3A_182 = arith.addi %add3A_39, %add3A_181 : i32
      %add3A_183 = arith.addi %mul3A_0, %add3A_182 : i32
      %dma_start3A_184 = arith.constant 0 : i32
      %dma_start3A_185 = arith.constant 0 : i32
      %dma_start3A_186 = tpu.memref_slice %arg3[%add3A_183, %dma_start3A_184, %dma_start3A_185] : memref<5057x2x64xi32, #tpu.memory_space<hbm>> -> memref<1x2x64xi32, #tpu.memory_space<hbm>>
      %dma_start3A_187 = tpu.memref_squeeze %dma_start3A_186 : memref<1x2x64xi32, #tpu.memory_space<hbm>> -> memref<2x64xi32, #tpu.memory_space<hbm>>
      %dma_start3A_188 = arith.constant 0 : i32
      %dma_start3A_189 = arith.constant 0 : i32
      %dma_start3A_190 = tpu.memref_slice %arg3[%add3A_183, %dma_start3A_188, %dma_start3A_189] : memref<5057x2x64xi32, #tpu.memory_space<hbm>> -> memref<1x2x64xi32, #tpu.memory_space<hbm>>
      %dma_start3A_191 = tpu.memref_squeeze %dma_start3A_190 : memref<1x2x64xi32, #tpu.memory_space<hbm>> -> memref<2x64xi32, #tpu.memory_space<hbm>>
      tpu.enqueue_dma source(%dma_start3A_191 : memref<2x64xi32, #tpu.memory_space<hbm>>) target(%arg6 : memref<2x64xi32, #tpu.memory_space<vmem>>) target_semaphore(%arg12 : memref<!tpu.dma_semaphore, #tpu.memory_space<semaphore_mem>>)
      %get3A_192 = arith.constant 1 : i32
      %get3A_193 = arith.index_cast %get3A_192 : i32 to index
      %get3A_194 = arith.constant 0 : index
      %get3A_195 = tpu.vector_load %arg7[%get3A_193, %get3A_194] {strides = array<i32>} : memref<2x64xi32, #tpu.memory_space<vmem>>, vector<1x16xi32>,
      %get3A_196 = vector.shape_cast %get3A_195 : vector<1x16xi32> to vector<16xi32>
      %sub3A_197 = vector.broadcast %mul3A_25 : i32 to vector<16xi32>
      %sub3A_198 = arith.subi %get3A_196, %sub3A_197 : vector<16xi32>
      %ge3A_199 = arith.constant 0 : i32
      %ge3A_200 = vector.broadcast %ge3A_199 : i32 to vector<16xi32>
      %ge3A_201 = arith.cmpi sge, %sub3A_198, %ge3A_200 : vector<16xi32>
      %lt3A_202 = arith.constant 5056 : i32
      %lt3A_203 = vector.broadcast %lt3A_202 : i32 to vector<16xi32>
      %lt3A_204 = arith.cmpi slt, %sub3A_198, %lt3A_203 : vector<16xi32>
      %and3A_205 = arith.andi %ge3A_201, %lt3A_204 : vector<16xi1>
      %add3A_206 = arith.constant 0 : i32
      %add3A_207 = vector.broadcast %add3A_206 : i32 to vector<16xi32>
      %add3A_208 = arith.addi %iota3A, %add3A_207 : vector<16xi32>
      %and3A_209 = arith.constant 63 : i32
      %and3A_210 = vector.broadcast %and3A_209 : i32 to vector<16xi32>
      %and3A_211 = arith.andi %add3A_208, %and3A_210 : vector<16xi32>
      %add3A_212 = arith.constant 5056 : i32
      %add3A_213 = vector.broadcast %add3A_212 : i32 to vector<16xi32>
      %add3A_214 = arith.addi %add3A_213, %and3A_211 : vector<16xi32>
      %select_n3A_215 = arith.select %and3A_205, %sub3A_198, %add3A_214 : vector<16xi1>, vector<16xi32>
      %swap3A_216 = arith.constant 0 : index
      %swap3A_217 = tpu.vector_load %arg8[%swap3A_216] {strides = array<i32>} : memref<64xi32, #tpu.memory_space<vmem>>, vector<16xi32>,
      %swap3A_218 = vector.shape_cast %swap3A_217 : vector<16xi32> to vector<16xi32>
      %swap3A_219 = vector.shape_cast %select_n3A_215 : vector<16xi32> to vector<16xi32>
      tpu.vector_store %arg8[%swap3A_216], %swap3A_219 {strides = array<i32>} : memref<64xi32, #tpu.memory_space<vmem>>, vector<16xi32>,
      %get3A_220 = arith.constant 1 : i32
      %get3A_221 = arith.index_cast %get3A_220 : i32 to index
      %get3A_222 = arith.constant 16 : index
      %get3A_223 = tpu.vector_load %arg7[%get3A_221, %get3A_222] {strides = array<i32>} : memref<2x64xi32, #tpu.memory_space<vmem>>, vector<1x16xi32>,
      %get3A_224 = vector.shape_cast %get3A_223 : vector<1x16xi32> to vector<16xi32>
      %sub3A_225 = vector.broadcast %mul3A_25 : i32 to vector<16xi32>
      %sub3A_226 = arith.subi %get3A_224, %sub3A_225 : vector<16xi32>
      %ge3A_227 = arith.constant 0 : i32
      %ge3A_228 = vector.broadcast %ge3A_227 : i32 to vector<16xi32>
      %ge3A_229 = arith.cmpi sge, %sub3A_226, %ge3A_228 : vector<16xi32>
      %lt3A_230 = arith.constant 5056 : i32
      %lt3A_231 = vector.broadcast %lt3A_230 : i32 to vector<16xi32>
      %lt3A_232 = arith.cmpi slt, %sub3A_226, %lt3A_231 : vector<16xi32>
      %and3A_233 = arith.andi %ge3A_229, %lt3A_232 : vector<16xi1>
      %add3A_234 = arith.constant 16 : i32
      %add3A_235 = vector.broadcast %add3A_234 : i32 to vector<16xi32>
      %add3A_236 = arith.addi %iota3A, %add3A_235 : vector<16xi32>
      %and3A_237 = arith.constant 63 : i32
      %and3A_238 = vector.broadcast %and3A_237 : i32 to vector<16xi32>
      %and3A_239 = arith.andi %add3A_236, %and3A_238 : vector<16xi32>
      %add3A_240 = arith.constant 5056 : i32
      %add3A_241 = vector.broadcast %add3A_240 : i32 to vector<16xi32>
      %add3A_242 = arith.addi %add3A_241, %and3A_239 : vector<16xi32>
      %select_n3A_243 = arith.select %and3A_233, %sub3A_226, %add3A_242 : vector<16xi1>, vector<16xi32>
      %swap3A_244 = arith.constant 16 : index
      %swap3A_245 = tpu.vector_load %arg8[%swap3A_244] {strides = array<i32>} : memref<64xi32, #tpu.memory_space<vmem>>, vector<16xi32>,
      %swap3A_246 = vector.shape_cast %swap3A_245 : vector<16xi32> to vector<16xi32>
      %swap3A_247 = vector.shape_cast %select_n3A_243 : vector<16xi32> to vector<16xi32>
      tpu.vector_store %arg8[%swap3A_244], %swap3A_247 {strides = array<i32>} : memref<64xi32, #tpu.memory_space<vmem>>, vector<16xi32>,
      %get3A_248 = arith.constant 1 : i32
      %get3A_249 = arith.index_cast %get3A_248 : i32 to index
      %get3A_250 = arith.constant 32 : index
      %get3A_251 = tpu.vector_load %arg7[%get3A_249, %get3A_250] {strides = array<i32>} : memref<2x64xi32, #tpu.memory_space<vmem>>, vector<1x16xi32>,
      %get3A_252 = vector.shape_cast %get3A_251 : vector<1x16xi32> to vector<16xi32>
      %sub3A_253 = vector.broadcast %mul3A_25 : i32 to vector<16xi32>
      %sub3A_254 = arith.subi %get3A_252, %sub3A_253 : vector<16xi32>
      %ge3A_255 = arith.constant 0 : i32
      %ge3A_256 = vector.broadcast %ge3A_255 : i32 to vector<16xi32>
      %ge3A_257 = arith.cmpi sge, %sub3A_254, %ge3A_256 : vector<16xi32>
      %lt3A_258 = arith.constant 5056 : i32
      %lt3A_259 = vector.broadcast %lt3A_258 : i32 to vector<16xi32>
      %lt3A_260 = arith.cmpi slt, %sub3A_254, %lt3A_259 : vector<16xi32>
      %and3A_261 = arith.andi %ge3A_257, %lt3A_260 : vector<16xi1>
      %add3A_262 = arith.constant 32 : i32
      %add3A_263 = vector.broadcast %add3A_262 : i32 to vector<16xi32>
      %add3A_264 = arith.addi %iota3A, %add3A_263 : vector<16xi32>
      %and3A_265 = arith.constant 63 : i32
      %and3A_266 = vector.broadcast %and3A_265 : i32 to vector<16xi32>
      %and3A_267 = arith.andi %add3A_264, %and3A_266 : vector<16xi32>
      %add3A_268 = arith.constant 5056 : i32
      %add3A_269 = vector.broadcast %add3A_268 : i32 to vector<16xi32>
      %add3A_270 = arith.addi %add3A_269, %and3A_267 : vector<16xi32>
      %select_n3A_271 = arith.select %and3A_261, %sub3A_254, %add3A_270 : vector<16xi1>, vector<16xi32>
      %swap3A_272 = arith.constant 32 : index
      %swap3A_273 = tpu.vector_load %arg8[%swap3A_272] {strides = array<i32>} : memref<64xi32, #tpu.memory_space<vmem>>, vector<16xi32>,
      %swap3A_274 = vector.shape_cast %swap3A_273 : vector<16xi32> to vector<16xi32>
      %swap3A_275 = vector.shape_cast %select_n3A_271 : vector<16xi32> to vector<16xi32>
      tpu.vector_store %arg8[%swap3A_272], %swap3A_275 {strides = array<i32>} : memref<64xi32, #tpu.memory_space<vmem>>, vector<16xi32>,
      %get3A_276 = arith.constant 1 : i32
      %get3A_277 = arith.index_cast %get3A_276 : i32 to index
      %get3A_278 = arith.constant 48 : index
      %get3A_279 = tpu.vector_load %arg7[%get3A_277, %get3A_278] {strides = array<i32>} : memref<2x64xi32, #tpu.memory_space<vmem>>, vector<1x16xi32>,
      %get3A_280 = vector.shape_cast %get3A_279 : vector<1x16xi32> to vector<16xi32>
      %sub3A_281 = vector.broadcast %mul3A_25 : i32 to vector<16xi32>
      %sub3A_282 = arith.subi %get3A_280, %sub3A_281 : vector<16xi32>
      %ge3A_283 = arith.constant 0 : i32
      %ge3A_284 = vector.broadcast %ge3A_283 : i32 to vector<16xi32>
      %ge3A_285 = arith.cmpi sge, %sub3A_282, %ge3A_284 : vector<16xi32>
      %lt3A_286 = arith.constant 5056 : i32
      %lt3A_287 = vector.broadcast %lt3A_286 : i32 to vector<16xi32>
      %lt3A_288 = arith.cmpi slt, %sub3A_282, %lt3A_287 : vector<16xi32>
      %and3A_289 = arith.andi %ge3A_285, %lt3A_288 : vector<16xi1>
      %add3A_290 = arith.constant 48 : i32
      %add3A_291 = vector.broadcast %add3A_290 : i32 to vector<16xi32>
      %add3A_292 = arith.addi %iota3A, %add3A_291 : vector<16xi32>
      %and3A_293 = arith.constant 63 : i32
      %and3A_294 = vector.broadcast %and3A_293 : i32 to vector<16xi32>
      %and3A_295 = arith.andi %add3A_292, %and3A_294 : vector<16xi32>
      %add3A_296 = arith.constant 5056 : i32
      %add3A_297 = vector.broadcast %add3A_296 : i32 to vector<16xi32>
      %add3A_298 = arith.addi %add3A_297, %and3A_295 : vector<16xi32>
      %select_n3A_299 = arith.select %and3A_289, %sub3A_282, %add3A_298 : vector<16xi1>, vector<16xi32>
      %swap3A_300 = arith.constant 48 : index
      %swap3A_301 = tpu.vector_load %arg8[%swap3A_300] {strides = array<i32>} : memref<64xi32, #tpu.memory_space<vmem>>, vector<16xi32>,
      %swap3A_302 = vector.shape_cast %swap3A_301 : vector<16xi32> to vector<16xi32>
      %swap3A_303 = vector.shape_cast %select_n3A_299 : vector<16xi32> to vector<16xi32>
      tpu.vector_store %arg8[%swap3A_300], %swap3A_303 {strides = array<i32>} : memref<64xi32, #tpu.memory_space<vmem>>, vector<16xi32>,
      %dma_start3A_304 = arith.constant 0 : i32
      %dma_start3A_305 = arith.constant 0 : i32
      %dma_start3A_306 = tpu.memref_slice %arg7[%dma_start3A_304, %dma_start3A_305] : memref<2x64xi32, #tpu.memory_space<vmem>> -> memref<1x64xi32, #tpu.memory_space<vmem>>
      %dma_start3A_307 = tpu.memref_squeeze %dma_start3A_306 : memref<1x64xi32, #tpu.memory_space<vmem>> -> memref<64xi32, #tpu.memory_space<vmem>>
      %dma_start3A_308 = arith.constant 0 : i32
      %dma_start3A_309 = arith.constant 0 : i32
      %dma_start3A_310 = tpu.memref_slice %arg10[%dma_start3A_308, %dma_start3A_309] : memref<10112x128xf32, #tpu.memory_space<vmem_shared>> -> memref<10112x128xf32, #tpu.memory_space<vmem_shared>>
      tpu.enqueue_indirect_dma source(%dma_start3A_310 : memref<10112x128xf32, #tpu.memory_space<vmem_shared>>) target(%arg9 : memref<64x128xf32, #tpu.memory_space<vmem>>) offsets(%dma_start3A_307 : memref<64xi32, #tpu.memory_space<vmem>>) semaphore(%arg14 : memref<!tpu.dma_semaphore, #tpu.memory_space<semaphore_mem>>)
      %dma_wait3A_311 = arith.constant 0 : i32
      %dma_wait3A_312 = arith.constant 0 : i32
      %dma_wait3A_313 = tpu.memref_slice %arg7[%dma_wait3A_311, %dma_wait3A_312] : memref<2x64xi32, #tpu.memory_space<vmem>> -> memref<1x64xi32, #tpu.memory_space<vmem>>
      %dma_wait3A_314 = tpu.memref_squeeze %dma_wait3A_313 : memref<1x64xi32, #tpu.memory_space<vmem>> -> memref<64xi32, #tpu.memory_space<vmem>>
      %dma_wait3A_315 = arith.constant 0 : i32
      %dma_wait3A_316 = arith.constant 0 : i32
      %dma_wait3A_317 = tpu.memref_slice %arg10[%dma_wait3A_315, %dma_wait3A_316] : memref<10112x128xf32, #tpu.memory_space<vmem_shared>> -> memref<10112x128xf32, #tpu.memory_space<vmem_shared>>
      tpu.wait_indirect_dma semaphore(%arg14 : memref<!tpu.dma_semaphore, #tpu.memory_space<semaphore_mem>>) src(%dma_wait3A_317 : memref<10112x128xf32, #tpu.memory_space<vmem_shared>>) dst(%arg9 : memref<64x128xf32, #tpu.memory_space<vmem>>)
      "tpu.region"() ({
        %run_scoped3A = tpu.sem_alloc : memref<!tpu.dma_semaphore, #tpu.memory_space<semaphore_mem>>
        %dma_start3A_329 = arith.constant 0 : i32
        %dma_start3A_330 = arith.constant 0 : i32
        %dma_start3A_331 = tpu.memref_slice %arg11[%dma_start3A_329, %dma_start3A_330] : memref<5120x128xf32, #tpu.memory_space<vmem_shared>> -> memref<5120x128xf32, #tpu.memory_space<vmem_shared>>
        tpu.enqueue_indirect_dma source(%arg9 : memref<64x128xf32, #tpu.memory_space<vmem>>) target(%dma_start3A_331 : memref<5120x128xf32, #tpu.memory_space<vmem_shared>>) offsets(%arg8 : memref<64xi32, #tpu.memory_space<vmem>>) semaphore(%run_scoped3A : memref<!tpu.dma_semaphore, #tpu.memory_space<semaphore_mem>>) {add = true}
        %dma_wait3A_332 = arith.constant 0 : i32
        %dma_wait3A_333 = arith.constant 0 : i32
        %dma_wait3A_334 = tpu.memref_slice %arg11[%dma_wait3A_332, %dma_wait3A_333] : memref<5120x128xf32, #tpu.memory_space<vmem_shared>> -> memref<5120x128xf32, #tpu.memory_space<vmem_shared>>
        tpu.wait_indirect_dma semaphore(%run_scoped3A : memref<!tpu.dma_semaphore, #tpu.memory_space<semaphore_mem>>) src(%arg9 : memref<64x128xf32, #tpu.memory_space<vmem>>) dst(%dma_wait3A_334 : memref<5120x128xf32, #tpu.memory_space<vmem_shared>>)
        tpu.yield
      }) : () -> ()
      %add3A_318 = arith.constant 2 : i32
      %add3A_319 = arith.addi %add3A_39, %add3A_318 : i32
      %add3A_320 = arith.addi %mul3A_0, %add3A_319 : i32
      %dma_wait3A_321 = arith.constant 0 : i32
      %dma_wait3A_322 = arith.constant 0 : i32
      %dma_wait3A_323 = tpu.memref_slice %arg3[%add3A_320, %dma_wait3A_321, %dma_wait3A_322] : memref<5057x2x64xi32, #tpu.memory_space<hbm>> -> memref<1x2x64xi32, #tpu.memory_space<hbm>>
      %dma_wait3A_324 = tpu.memref_squeeze %dma_wait3A_323 : memref<1x2x64xi32, #tpu.memory_space<hbm>> -> memref<2x64xi32, #tpu.memory_space<hbm>>
      %dma_wait3A_325 = arith.constant 0 : i32
      %dma_wait3A_326 = arith.constant 0 : i32
      %dma_wait3A_327 = tpu.memref_slice %arg3[%add3A_320, %dma_wait3A_325, %dma_wait3A_326] : memref<5057x2x64xi32, #tpu.memory_space<hbm>> -> memref<1x2x64xi32, #tpu.memory_space<hbm>>
      %dma_wait3A_328 = tpu.memref_squeeze %dma_wait3A_327 : memref<1x2x64xi32, #tpu.memory_space<hbm>> -> memref<2x64xi32, #tpu.memory_space<hbm>>
      tpu.wait_dma2 semaphore(%arg12 : memref<!tpu.dma_semaphore, #tpu.memory_space<semaphore_mem>>) src(%dma_wait3A_328 : memref<2x64xi32, #tpu.memory_space<hbm>>) dst(%arg6 : memref<2x64xi32, #tpu.memory_space<vmem>>)
    }
    %scan3A_29 = arith.constant 158 : i32
    %barrier3A_30 = arith.constant 0 : index
    tpu.barrier barrier_id(%barrier3A_30)
    %mul3A_31 = arith.constant 320 : i32
    %mul3A_32 = arith.muli %arg1, %mul3A_31 : i32
    %mul3A_33 = arith.constant 320 : i32
    %mul3A_34 = arith.muli %arg1, %mul3A_33 : i32
    "tpu.region"() ({
      %run_scoped3A = tpu.sem_alloc : memref<!tpu.dma_semaphore, #tpu.memory_space<semaphore_mem>>
      %dma_start3A_35 = arith.constant 0 : i32
      %dma_start3A_36 = tpu.memref_slice %arg5[%arg0, %mul3A_34, %dma_start3A_35] : memref<2x5120x128xf32, #tpu.memory_space<hbm>> -> memref<1x320x128xf32, #tpu.memory_space<hbm>>
      %dma_start3A_37 = tpu.memref_squeeze %dma_start3A_36 : memref<1x320x128xf32, #tpu.memory_space<hbm>> -> memref<320x128xf32, #tpu.memory_space<hbm>>
      %dma_start3A_38 = arith.constant 0 : i32
      %dma_start3A_39 = tpu.memref_slice %arg11[%mul3A_32, %dma_start3A_38] : memref<5120x128xf32, #tpu.memory_space<vmem_shared>> -> memref<320x128xf32, #tpu.memory_space<vmem_shared>>
      tpu.enqueue_dma source(%dma_start3A_39 : memref<320x128xf32, #tpu.memory_space<vmem_shared>>) target(%dma_start3A_37 : memref<320x128xf32, #tpu.memory_space<hbm>>) target_semaphore(%run_scoped3A : memref<!tpu.dma_semaphore, #tpu.memory_space<semaphore_mem>>)
      %dma_wait3A_40 = arith.constant 0 : i32
      %dma_wait3A_41 = tpu.memref_slice %arg5[%arg0, %mul3A_34, %dma_wait3A_40] : memref<2x5120x128xf32, #tpu.memory_space<hbm>> -> memref<1x320x128xf32, #tpu.memory_space<hbm>>
      %dma_wait3A_42 = tpu.memref_squeeze %dma_wait3A_41 : memref<1x320x128xf32, #tpu.memory_space<hbm>> -> memref<320x128xf32, #tpu.memory_space<hbm>>
      %dma_wait3A_43 = arith.constant 0 : i32
      %dma_wait3A_44 = tpu.memref_slice %arg11[%mul3A_32, %dma_wait3A_43] : memref<5120x128xf32, #tpu.memory_space<vmem_shared>> -> memref<320x128xf32, #tpu.memory_space<vmem_shared>>
      tpu.wait_dma2 semaphore(%run_scoped3A : memref<!tpu.dma_semaphore, #tpu.memory_space<semaphore_mem>>) src(%dma_wait3A_44 : memref<320x128xf32, #tpu.memory_space<vmem_shared>>) dst(%dma_wait3A_42 : memref<320x128xf32, #tpu.memory_space<hbm>>)
      tpu.yield
    }) : () -> ()
    return
  }
}

#map = affine_map<(d0, d1) -> (0, 0)>
#map1 = affine_map<(d0, d1) -> (0, 0, 0)>
module attributes {stable_mosaic.version = 14 : i64} {
  func.func @k(%arg0: i32, %arg1: i32, %arg2: memref<327808x128xf32, #tpu.memory_space<hbm>>, %arg3: memref<2561x2x128xi32, #tpu.memory_space<hbm>>, %arg4: memref<632x128xf32, #tpu.memory_space<hbm>>, %arg5: memref<2x10112x128xf32, #tpu.memory_space<hbm>>, %arg6: memref<2x128xi32, #tpu.memory_space<vmem>>, %arg7: memref<2x128xi32, #tpu.memory_space<vmem>>, %arg8: memref<128x128xf32, #tpu.memory_space<vmem>>, %arg9: memref<128x128xf32, #tpu.memory_space<vmem>>, %arg10: memref<10112x128xf32, #tpu.memory_space<vmem_shared>>, %arg11: memref<!tpu.dma_semaphore, #tpu.memory_space<semaphore_mem>>, %arg12: memref<!tpu.dma_semaphore, #tpu.memory_space<semaphore_mem>>) attributes {dimension_semantics = [#tpu.dimension_semantics<core_parallel>, #tpu.dimension_semantics<subcore_parallel>], iteration_bounds = array<i64: 2, 16>, scalar_prefetch = 0 : i64, scratch_operands = 7 : i64, tpu.core_type = #tpu.core_type<sc_vector_subcore>, window_params = [{transform_indices = #map}, {transform_indices = #map1}, {transform_indices = #map}, {transform_indices = #map1}]} {
    %mul3A = arith.constant 632 : i32
    %mul3A_0 = arith.muli %arg1, %mul3A : i32
    "tpu.region"() ({
      %run_scoped3A = tpu.sem_alloc : memref<!tpu.dma_semaphore, #tpu.memory_space<semaphore_mem>>
      %dma_start3A_28 = arith.constant 0 : i32
      %dma_start3A_29 = tpu.memref_slice %arg10[%mul3A_0, %dma_start3A_28] : memref<10112x128xf32, #tpu.memory_space<vmem_shared>> -> memref<632x128xf32, #tpu.memory_space<vmem_shared>>
      tpu.enqueue_dma source(%arg4 : memref<632x128xf32, #tpu.memory_space<hbm>>) target(%dma_start3A_29 : memref<632x128xf32, #tpu.memory_space<vmem_shared>>) target_semaphore(%run_scoped3A : memref<!tpu.dma_semaphore, #tpu.memory_space<semaphore_mem>>)
      %dma_wait3A_30 = arith.constant 0 : i32
      %dma_wait3A_31 = tpu.memref_slice %arg10[%mul3A_0, %dma_wait3A_30] : memref<10112x128xf32, #tpu.memory_space<vmem_shared>> -> memref<632x128xf32, #tpu.memory_space<vmem_shared>>
      tpu.wait_dma2 semaphore(%run_scoped3A : memref<!tpu.dma_semaphore, #tpu.memory_space<semaphore_mem>>) src(%arg4 : memref<632x128xf32, #tpu.memory_space<hbm>>) dst(%dma_wait3A_31 : memref<632x128xf32, #tpu.memory_space<vmem_shared>>)
      tpu.yield
    }) : () -> ()
    %mul3A_1 = arith.constant 16 : i32
    %mul3A_2 = arith.muli %arg0, %mul3A_1 : i32
    %add3A = arith.addi %mul3A_2, %arg1 : i32
    %mul3A_3 = arith.constant 80 : i32
    %mul3A_4 = arith.muli %add3A, %mul3A_3 : i32
    "tpu.region"() ({
      %run_scoped3A = tpu.sem_alloc : memref<!tpu.dma_semaphore, #tpu.memory_space<semaphore_mem>>
      %dma_start3A_28 = arith.constant 0 : i32
      %dma_start3A_29 = arith.constant 0 : i32
      %dma_start3A_30 = tpu.memref_slice %arg3[%mul3A_4, %dma_start3A_28, %dma_start3A_29] : memref<2561x2x128xi32, #tpu.memory_space<hbm>> -> memref<1x2x128xi32, #tpu.memory_space<hbm>>
      %dma_start3A_31 = tpu.memref_squeeze %dma_start3A_30 : memref<1x2x128xi32, #tpu.memory_space<hbm>> -> memref<2x128xi32, #tpu.memory_space<hbm>>
      %dma_start3A_32 = arith.constant 0 : i32
      %dma_start3A_33 = arith.constant 0 : i32
      %dma_start3A_34 = tpu.memref_slice %arg3[%mul3A_4, %dma_start3A_32, %dma_start3A_33] : memref<2561x2x128xi32, #tpu.memory_space<hbm>> -> memref<1x2x128xi32, #tpu.memory_space<hbm>>
      %dma_start3A_35 = tpu.memref_squeeze %dma_start3A_34 : memref<1x2x128xi32, #tpu.memory_space<hbm>> -> memref<2x128xi32, #tpu.memory_space<hbm>>
      tpu.enqueue_dma source(%dma_start3A_35 : memref<2x128xi32, #tpu.memory_space<hbm>>) target(%arg6 : memref<2x128xi32, #tpu.memory_space<vmem>>) target_semaphore(%run_scoped3A : memref<!tpu.dma_semaphore, #tpu.memory_space<semaphore_mem>>)
      %dma_wait3A_36 = arith.constant 0 : i32
      %dma_wait3A_37 = arith.constant 0 : i32
      %dma_wait3A_38 = tpu.memref_slice %arg3[%mul3A_4, %dma_wait3A_36, %dma_wait3A_37] : memref<2561x2x128xi32, #tpu.memory_space<hbm>> -> memref<1x2x128xi32, #tpu.memory_space<hbm>>
      %dma_wait3A_39 = tpu.memref_squeeze %dma_wait3A_38 : memref<1x2x128xi32, #tpu.memory_space<hbm>> -> memref<2x128xi32, #tpu.memory_space<hbm>>
      %dma_wait3A_40 = arith.constant 0 : i32
      %dma_wait3A_41 = arith.constant 0 : i32
      %dma_wait3A_42 = tpu.memref_slice %arg3[%mul3A_4, %dma_wait3A_40, %dma_wait3A_41] : memref<2561x2x128xi32, #tpu.memory_space<hbm>> -> memref<1x2x128xi32, #tpu.memory_space<hbm>>
      %dma_wait3A_43 = tpu.memref_squeeze %dma_wait3A_42 : memref<1x2x128xi32, #tpu.memory_space<hbm>> -> memref<2x128xi32, #tpu.memory_space<hbm>>
      tpu.wait_dma2 semaphore(%run_scoped3A : memref<!tpu.dma_semaphore, #tpu.memory_space<semaphore_mem>>) src(%dma_wait3A_43 : memref<2x128xi32, #tpu.memory_space<hbm>>) dst(%arg6 : memref<2x128xi32, #tpu.memory_space<vmem>>)
      tpu.yield
    }) : () -> ()
    %add3A_5 = arith.constant 0 : i32
    %add3A_6 = arith.addi %mul3A_4, %add3A_5 : i32
    %mul3A_7 = arith.constant 128 : i32
    %mul3A_8 = arith.muli %add3A_6, %mul3A_7 : i32
    %dma_start3A = arith.constant 0 : i32
    %dma_start3A_9 = tpu.memref_slice %arg2[%mul3A_8, %dma_start3A] : memref<327808x128xf32, #tpu.memory_space<hbm>> -> memref<128x128xf32, #tpu.memory_space<hbm>>
    %dma_start3A_10 = arith.constant 0 : i32
    %dma_start3A_11 = tpu.memref_slice %arg2[%mul3A_8, %dma_start3A_10] : memref<327808x128xf32, #tpu.memory_space<hbm>> -> memref<128x128xf32, #tpu.memory_space<hbm>>
    tpu.enqueue_dma source(%dma_start3A_11 : memref<128x128xf32, #tpu.memory_space<hbm>>) target(%arg8 : memref<128x128xf32, #tpu.memory_space<vmem>>) target_semaphore(%arg11 : memref<!tpu.dma_semaphore, #tpu.memory_space<semaphore_mem>>)
    %barrier3A = arith.constant 0 : index
    tpu.barrier barrier_id(%barrier3A)
    %scan3A = arith.constant 0 : i32
    %scan3A_12 = arith.constant 40 : i32
    %scan3A_13 = arith.addi %scan3A, %scan3A_12 : i32
    %scan3A_14 = arith.constant 1 : i32
    scf.for %scan3A_28 = %scan3A to %scan3A_13 step %scan3A_14  : i32 {
      %mul3A_29 = arith.constant 2 : i32
      %mul3A_30 = arith.muli %scan3A_28, %mul3A_29 : i32
      %add3A_31 = arith.constant 0 : i32
      %add3A_32 = arith.addi %add3A_31, %mul3A_30 : i32
      %add3A_33 = arith.addi %mul3A_4, %add3A_32 : i32
      %add3A_34 = arith.constant 1 : i32
      %add3A_35 = arith.addi %add3A_33, %add3A_34 : i32
      "tpu.region"() ({
        %run_scoped3A_74 = tpu.sem_alloc : memref<!tpu.dma_semaphore, #tpu.memory_space<semaphore_mem>>
        %dma_start3A_75 = arith.constant 0 : i32
        %dma_start3A_76 = arith.constant 0 : i32
        %dma_start3A_77 = tpu.memref_slice %arg3[%add3A_35, %dma_start3A_75, %dma_start3A_76] : memref<2561x2x128xi32, #tpu.memory_space<hbm>> -> memref<1x2x128xi32, #tpu.memory_space<hbm>>
        %dma_start3A_78 = tpu.memref_squeeze %dma_start3A_77 : memref<1x2x128xi32, #tpu.memory_space<hbm>> -> memref<2x128xi32, #tpu.memory_space<hbm>>
        %dma_start3A_79 = arith.constant 0 : i32
        %dma_start3A_80 = arith.constant 0 : i32
        %dma_start3A_81 = tpu.memref_slice %arg3[%add3A_35, %dma_start3A_79, %dma_start3A_80] : memref<2561x2x128xi32, #tpu.memory_space<hbm>> -> memref<1x2x128xi32, #tpu.memory_space<hbm>>
        %dma_start3A_82 = tpu.memref_squeeze %dma_start3A_81 : memref<1x2x128xi32, #tpu.memory_space<hbm>> -> memref<2x128xi32, #tpu.memory_space<hbm>>
        tpu.enqueue_dma source(%dma_start3A_82 : memref<2x128xi32, #tpu.memory_space<hbm>>) target(%arg7 : memref<2x128xi32, #tpu.memory_space<vmem>>) target_semaphore(%run_scoped3A_74 : memref<!tpu.dma_semaphore, #tpu.memory_space<semaphore_mem>>)
        %dma_wait3A_83 = arith.constant 0 : i32
        %dma_wait3A_84 = arith.constant 0 : i32
        %dma_wait3A_85 = tpu.memref_slice %arg3[%add3A_35, %dma_wait3A_83, %dma_wait3A_84] : memref<2561x2x128xi32, #tpu.memory_space<hbm>> -> memref<1x2x128xi32, #tpu.memory_space<hbm>>
        %dma_wait3A_86 = tpu.memref_squeeze %dma_wait3A_85 : memref<1x2x128xi32, #tpu.memory_space<hbm>> -> memref<2x128xi32, #tpu.memory_space<hbm>>
        %dma_wait3A_87 = arith.constant 0 : i32
        %dma_wait3A_88 = arith.constant 0 : i32
        %dma_wait3A_89 = tpu.memref_slice %arg3[%add3A_35, %dma_wait3A_87, %dma_wait3A_88] : memref<2561x2x128xi32, #tpu.memory_space<hbm>> -> memref<1x2x128xi32, #tpu.memory_space<hbm>>
        %dma_wait3A_90 = tpu.memref_squeeze %dma_wait3A_89 : memref<1x2x128xi32, #tpu.memory_space<hbm>> -> memref<2x128xi32, #tpu.memory_space<hbm>>
        tpu.wait_dma2 semaphore(%run_scoped3A_74 : memref<!tpu.dma_semaphore, #tpu.memory_space<semaphore_mem>>) src(%dma_wait3A_90 : memref<2x128xi32, #tpu.memory_space<hbm>>) dst(%arg7 : memref<2x128xi32, #tpu.memory_space<vmem>>)
        tpu.yield
      }) : () -> ()
      %add3A_36 = arith.addi %mul3A_4, %add3A_32 : i32
      %mul3A_37 = arith.constant 128 : i32
      %mul3A_38 = arith.muli %add3A_36, %mul3A_37 : i32
      %dma_wait3A_39 = arith.constant 0 : i32
      %dma_wait3A_40 = tpu.memref_slice %arg2[%mul3A_38, %dma_wait3A_39] : memref<327808x128xf32, #tpu.memory_space<hbm>> -> memref<128x128xf32, #tpu.memory_space<hbm>>
      %dma_wait3A_41 = arith.constant 0 : i32
      %dma_wait3A_42 = tpu.memref_slice %arg2[%mul3A_38, %dma_wait3A_41] : memref<327808x128xf32, #tpu.memory_space<hbm>> -> memref<128x128xf32, #tpu.memory_space<hbm>>
      tpu.wait_dma2 semaphore(%arg11 : memref<!tpu.dma_semaphore, #tpu.memory_space<semaphore_mem>>) src(%dma_wait3A_42 : memref<128x128xf32, #tpu.memory_space<hbm>>) dst(%arg8 : memref<128x128xf32, #tpu.memory_space<vmem>>)
      %add3A_43 = arith.constant 1 : i32
      %add3A_44 = arith.addi %add3A_32, %add3A_43 : i32
      %add3A_45 = arith.addi %mul3A_4, %add3A_44 : i32
      %mul3A_46 = arith.constant 128 : i32
      %mul3A_47 = arith.muli %add3A_45, %mul3A_46 : i32
      %dma_start3A_48 = arith.constant 0 : i32
      %dma_start3A_49 = tpu.memref_slice %arg2[%mul3A_47, %dma_start3A_48] : memref<327808x128xf32, #tpu.memory_space<hbm>> -> memref<128x128xf32, #tpu.memory_space<hbm>>
      %dma_start3A_50 = arith.constant 0 : i32
      %dma_start3A_51 = tpu.memref_slice %arg2[%mul3A_47, %dma_start3A_50] : memref<327808x128xf32, #tpu.memory_space<hbm>> -> memref<128x128xf32, #tpu.memory_space<hbm>>
      tpu.enqueue_dma source(%dma_start3A_51 : memref<128x128xf32, #tpu.memory_space<hbm>>) target(%arg9 : memref<128x128xf32, #tpu.memory_space<vmem>>) target_semaphore(%arg12 : memref<!tpu.dma_semaphore, #tpu.memory_space<semaphore_mem>>)
      %run_scoped3A = arith.constant 1 : i32
      "tpu.region"() ({
        %run_scoped3A_74 = tpu.sem_alloc : memref<!tpu.dma_semaphore, #tpu.memory_space<semaphore_mem>>
        %dma_start3A_75 = arith.constant 0 : i32
        %dma_start3A_76 = tpu.memref_slice %arg6[%run_scoped3A, %dma_start3A_75] : memref<2x128xi32, #tpu.memory_space<vmem>> -> memref<1x128xi32, #tpu.memory_space<vmem>>
        %dma_start3A_77 = tpu.memref_squeeze %dma_start3A_76 : memref<1x128xi32, #tpu.memory_space<vmem>> -> memref<128xi32, #tpu.memory_space<vmem>>
        %dma_start3A_78 = arith.constant 0 : i32
        %dma_start3A_79 = arith.constant 0 : i32
        %dma_start3A_80 = tpu.memref_slice %arg10[%dma_start3A_78, %dma_start3A_79] : memref<10112x128xf32, #tpu.memory_space<vmem_shared>> -> memref<10112x128xf32, #tpu.memory_space<vmem_shared>>
        tpu.enqueue_indirect_dma source(%arg8 : memref<128x128xf32, #tpu.memory_space<vmem>>) target(%dma_start3A_80 : memref<10112x128xf32, #tpu.memory_space<vmem_shared>>) offsets(%dma_start3A_77 : memref<128xi32, #tpu.memory_space<vmem>>) semaphore(%run_scoped3A_74 : memref<!tpu.dma_semaphore, #tpu.memory_space<semaphore_mem>>) {add = true}
        %dma_wait3A_81 = arith.constant 0 : i32
        %dma_wait3A_82 = tpu.memref_slice %arg6[%run_scoped3A, %dma_wait3A_81] : memref<2x128xi32, #tpu.memory_space<vmem>> -> memref<1x128xi32, #tpu.memory_space<vmem>>
        %dma_wait3A_83 = tpu.memref_squeeze %dma_wait3A_82 : memref<1x128xi32, #tpu.memory_space<vmem>> -> memref<128xi32, #tpu.memory_space<vmem>>
        %dma_wait3A_84 = arith.constant 0 : i32
        %dma_wait3A_85 = arith.constant 0 : i32
        %dma_wait3A_86 = tpu.memref_slice %arg10[%dma_wait3A_84, %dma_wait3A_85] : memref<10112x128xf32, #tpu.memory_space<vmem_shared>> -> memref<10112x128xf32, #tpu.memory_space<vmem_shared>>
        tpu.wait_indirect_dma semaphore(%run_scoped3A_74 : memref<!tpu.dma_semaphore, #tpu.memory_space<semaphore_mem>>) src(%arg8 : memref<128x128xf32, #tpu.memory_space<vmem>>) dst(%dma_wait3A_86 : memref<10112x128xf32, #tpu.memory_space<vmem_shared>>)
        tpu.yield
      }) : () -> ()
      %add3A_52 = arith.addi %mul3A_4, %add3A_32 : i32
      %add3A_53 = arith.constant 2 : i32
      %add3A_54 = arith.addi %add3A_52, %add3A_53 : i32
      "tpu.region"() ({
        %run_scoped3A_74 = tpu.sem_alloc : memref<!tpu.dma_semaphore, #tpu.memory_space<semaphore_mem>>
        %dma_start3A_75 = arith.constant 0 : i32
        %dma_start3A_76 = arith.constant 0 : i32
        %dma_start3A_77 = tpu.memref_slice %arg3[%add3A_54, %dma_start3A_75, %dma_start3A_76] : memref<2561x2x128xi32, #tpu.memory_space<hbm>> -> memref<1x2x128xi32, #tpu.memory_space<hbm>>
        %dma_start3A_78 = tpu.memref_squeeze %dma_start3A_77 : memref<1x2x128xi32, #tpu.memory_space<hbm>> -> memref<2x128xi32, #tpu.memory_space<hbm>>
        %dma_start3A_79 = arith.constant 0 : i32
        %dma_start3A_80 = arith.constant 0 : i32
        %dma_start3A_81 = tpu.memref_slice %arg3[%add3A_54, %dma_start3A_79, %dma_start3A_80] : memref<2561x2x128xi32, #tpu.memory_space<hbm>> -> memref<1x2x128xi32, #tpu.memory_space<hbm>>
        %dma_start3A_82 = tpu.memref_squeeze %dma_start3A_81 : memref<1x2x128xi32, #tpu.memory_space<hbm>> -> memref<2x128xi32, #tpu.memory_space<hbm>>
        tpu.enqueue_dma source(%dma_start3A_82 : memref<2x128xi32, #tpu.memory_space<hbm>>) target(%arg6 : memref<2x128xi32, #tpu.memory_space<vmem>>) target_semaphore(%run_scoped3A_74 : memref<!tpu.dma_semaphore, #tpu.memory_space<semaphore_mem>>)
        %dma_wait3A_83 = arith.constant 0 : i32
        %dma_wait3A_84 = arith.constant 0 : i32
        %dma_wait3A_85 = tpu.memref_slice %arg3[%add3A_54, %dma_wait3A_83, %dma_wait3A_84] : memref<2561x2x128xi32, #tpu.memory_space<hbm>> -> memref<1x2x128xi32, #tpu.memory_space<hbm>>
        %dma_wait3A_86 = tpu.memref_squeeze %dma_wait3A_85 : memref<1x2x128xi32, #tpu.memory_space<hbm>> -> memref<2x128xi32, #tpu.memory_space<hbm>>
        %dma_wait3A_87 = arith.constant 0 : i32
        %dma_wait3A_88 = arith.constant 0 : i32
        %dma_wait3A_89 = tpu.memref_slice %arg3[%add3A_54, %dma_wait3A_87, %dma_wait3A_88] : memref<2561x2x128xi32, #tpu.memory_space<hbm>> -> memref<1x2x128xi32, #tpu.memory_space<hbm>>
        %dma_wait3A_90 = tpu.memref_squeeze %dma_wait3A_89 : memref<1x2x128xi32, #tpu.memory_space<hbm>> -> memref<2x128xi32, #tpu.memory_space<hbm>>
        tpu.wait_dma2 semaphore(%run_scoped3A_74 : memref<!tpu.dma_semaphore, #tpu.memory_space<semaphore_mem>>) src(%dma_wait3A_90 : memref<2x128xi32, #tpu.memory_space<hbm>>) dst(%arg6 : memref<2x128xi32, #tpu.memory_space<vmem>>)
        tpu.yield
      }) : () -> ()
      %add3A_55 = arith.constant 1 : i32
      %add3A_56 = arith.addi %add3A_32, %add3A_55 : i32
      %add3A_57 = arith.addi %mul3A_4, %add3A_56 : i32
      %mul3A_58 = arith.constant 128 : i32
      %mul3A_59 = arith.muli %add3A_57, %mul3A_58 : i32
      %dma_wait3A_60 = arith.constant 0 : i32
      %dma_wait3A_61 = tpu.memref_slice %arg2[%mul3A_59, %dma_wait3A_60] : memref<327808x128xf32, #tpu.memory_space<hbm>> -> memref<128x128xf32, #tpu.memory_space<hbm>>
      %dma_wait3A_62 = arith.constant 0 : i32
      %dma_wait3A_63 = tpu.memref_slice %arg2[%mul3A_59, %dma_wait3A_62] : memref<327808x128xf32, #tpu.memory_space<hbm>> -> memref<128x128xf32, #tpu.memory_space<hbm>>
      tpu.wait_dma2 semaphore(%arg12 : memref<!tpu.dma_semaphore, #tpu.memory_space<semaphore_mem>>) src(%dma_wait3A_63 : memref<128x128xf32, #tpu.memory_space<hbm>>) dst(%arg9 : memref<128x128xf32, #tpu.memory_space<vmem>>)
      %add3A_64 = arith.constant 2 : i32
      %add3A_65 = arith.addi %add3A_32, %add3A_64 : i32
      %add3A_66 = arith.addi %mul3A_4, %add3A_65 : i32
      %mul3A_67 = arith.constant 128 : i32
      %mul3A_68 = arith.muli %add3A_66, %mul3A_67 : i32
      %dma_start3A_69 = arith.constant 0 : i32
      %dma_start3A_70 = tpu.memref_slice %arg2[%mul3A_68, %dma_start3A_69] : memref<327808x128xf32, #tpu.memory_space<hbm>> -> memref<128x128xf32, #tpu.memory_space<hbm>>
      %dma_start3A_71 = arith.constant 0 : i32
      %dma_start3A_72 = tpu.memref_slice %arg2[%mul3A_68, %dma_start3A_71] : memref<327808x128xf32, #tpu.memory_space<hbm>> -> memref<128x128xf32, #tpu.memory_space<hbm>>
      tpu.enqueue_dma source(%dma_start3A_72 : memref<128x128xf32, #tpu.memory_space<hbm>>) target(%arg8 : memref<128x128xf32, #tpu.memory_space<vmem>>) target_semaphore(%arg11 : memref<!tpu.dma_semaphore, #tpu.memory_space<semaphore_mem>>)
      %run_scoped3A_73 = arith.constant 1 : i32
      "tpu.region"() ({
        %run_scoped3A_74 = tpu.sem_alloc : memref<!tpu.dma_semaphore, #tpu.memory_space<semaphore_mem>>
        %dma_start3A_75 = arith.constant 0 : i32
        %dma_start3A_76 = tpu.memref_slice %arg7[%run_scoped3A_73, %dma_start3A_75] : memref<2x128xi32, #tpu.memory_space<vmem>> -> memref<1x128xi32, #tpu.memory_space<vmem>>
        %dma_start3A_77 = tpu.memref_squeeze %dma_start3A_76 : memref<1x128xi32, #tpu.memory_space<vmem>> -> memref<128xi32, #tpu.memory_space<vmem>>
        %dma_start3A_78 = arith.constant 0 : i32
        %dma_start3A_79 = arith.constant 0 : i32
        %dma_start3A_80 = tpu.memref_slice %arg10[%dma_start3A_78, %dma_start3A_79] : memref<10112x128xf32, #tpu.memory_space<vmem_shared>> -> memref<10112x128xf32, #tpu.memory_space<vmem_shared>>
        tpu.enqueue_indirect_dma source(%arg9 : memref<128x128xf32, #tpu.memory_space<vmem>>) target(%dma_start3A_80 : memref<10112x128xf32, #tpu.memory_space<vmem_shared>>) offsets(%dma_start3A_77 : memref<128xi32, #tpu.memory_space<vmem>>) semaphore(%run_scoped3A_74 : memref<!tpu.dma_semaphore, #tpu.memory_space<semaphore_mem>>) {add = true}
        %dma_wait3A_81 = arith.constant 0 : i32
        %dma_wait3A_82 = tpu.memref_slice %arg7[%run_scoped3A_73, %dma_wait3A_81] : memref<2x128xi32, #tpu.memory_space<vmem>> -> memref<1x128xi32, #tpu.memory_space<vmem>>
        %dma_wait3A_83 = tpu.memref_squeeze %dma_wait3A_82 : memref<1x128xi32, #tpu.memory_space<vmem>> -> memref<128xi32, #tpu.memory_space<vmem>>
        %dma_wait3A_84 = arith.constant 0 : i32
        %dma_wait3A_85 = arith.constant 0 : i32
        %dma_wait3A_86 = tpu.memref_slice %arg10[%dma_wait3A_84, %dma_wait3A_85] : memref<10112x128xf32, #tpu.memory_space<vmem_shared>> -> memref<10112x128xf32, #tpu.memory_space<vmem_shared>>
        tpu.wait_indirect_dma semaphore(%run_scoped3A_74 : memref<!tpu.dma_semaphore, #tpu.memory_space<semaphore_mem>>) src(%arg9 : memref<128x128xf32, #tpu.memory_space<vmem>>) dst(%dma_wait3A_86 : memref<10112x128xf32, #tpu.memory_space<vmem_shared>>)
        tpu.yield
      }) : () -> ()
    }
    %scan3A_15 = arith.constant 40 : i32
    %add3A_16 = arith.constant 80 : i32
    %add3A_17 = arith.addi %mul3A_4, %add3A_16 : i32
    %mul3A_18 = arith.constant 128 : i32
    %mul3A_19 = arith.muli %add3A_17, %mul3A_18 : i32
    %dma_wait3A = arith.constant 0 : i32
    %dma_wait3A_20 = tpu.memref_slice %arg2[%mul3A_19, %dma_wait3A] : memref<327808x128xf32, #tpu.memory_space<hbm>> -> memref<128x128xf32, #tpu.memory_space<hbm>>
    %dma_wait3A_21 = arith.constant 0 : i32
    %dma_wait3A_22 = tpu.memref_slice %arg2[%mul3A_19, %dma_wait3A_21] : memref<327808x128xf32, #tpu.memory_space<hbm>> -> memref<128x128xf32, #tpu.memory_space<hbm>>
    tpu.wait_dma2 semaphore(%arg11 : memref<!tpu.dma_semaphore, #tpu.memory_space<semaphore_mem>>) src(%dma_wait3A_22 : memref<128x128xf32, #tpu.memory_space<hbm>>) dst(%arg8 : memref<128x128xf32, #tpu.memory_space<vmem>>)
    %barrier3A_23 = arith.constant 0 : index
    tpu.barrier barrier_id(%barrier3A_23)
    %mul3A_24 = arith.constant 632 : i32
    %mul3A_25 = arith.muli %arg1, %mul3A_24 : i32
    %mul3A_26 = arith.constant 632 : i32
    %mul3A_27 = arith.muli %arg1, %mul3A_26 : i32
    "tpu.region"() ({
      %run_scoped3A = tpu.sem_alloc : memref<!tpu.dma_semaphore, #tpu.memory_space<semaphore_mem>>
      %dma_start3A_28 = arith.constant 0 : i32
      %dma_start3A_29 = tpu.memref_slice %arg5[%arg0, %mul3A_27, %dma_start3A_28] : memref<2x10112x128xf32, #tpu.memory_space<hbm>> -> memref<1x632x128xf32, #tpu.memory_space<hbm>>
      %dma_start3A_30 = tpu.memref_squeeze %dma_start3A_29 : memref<1x632x128xf32, #tpu.memory_space<hbm>> -> memref<632x128xf32, #tpu.memory_space<hbm>>
      %dma_start3A_31 = arith.constant 0 : i32
      %dma_start3A_32 = tpu.memref_slice %arg10[%mul3A_25, %dma_start3A_31] : memref<10112x128xf32, #tpu.memory_space<vmem_shared>> -> memref<632x128xf32, #tpu.memory_space<vmem_shared>>
      tpu.enqueue_dma source(%dma_start3A_32 : memref<632x128xf32, #tpu.memory_space<vmem_shared>>) target(%dma_start3A_30 : memref<632x128xf32, #tpu.memory_space<hbm>>) target_semaphore(%run_scoped3A : memref<!tpu.dma_semaphore, #tpu.memory_space<semaphore_mem>>)
      %dma_wait3A_33 = arith.constant 0 : i32
      %dma_wait3A_34 = tpu.memref_slice %arg5[%arg0, %mul3A_27, %dma_wait3A_33] : memref<2x10112x128xf32, #tpu.memory_space<hbm>> -> memref<1x632x128xf32, #tpu.memory_space<hbm>>
      %dma_wait3A_35 = tpu.memref_squeeze %dma_wait3A_34 : memref<1x632x128xf32, #tpu.memory_space<hbm>> -> memref<632x128xf32, #tpu.memory_space<hbm>>
      %dma_wait3A_36 = arith.constant 0 : i32
      %dma_wait3A_37 = tpu.memref_slice %arg10[%mul3A_25, %dma_wait3A_36] : memref<10112x128xf32, #tpu.memory_space<vmem_shared>> -> memref<632x128xf32, #tpu.memory_space<vmem_shared>>
      tpu.wait_dma2 semaphore(%run_scoped3A : memref<!tpu.dma_semaphore, #tpu.memory_space<semaphore_mem>>) src(%dma_wait3A_37 : memref<632x128xf32, #tpu.memory_space<vmem_shared>>) dst(%dma_wait3A_35 : memref<632x128xf32, #tpu.memory_space<hbm>>)
      tpu.yield
    }) : () -> ()
    return
  }
}

module attributes {stable_mosaic.version = 14 : i64} {
  func.func @body(%arg0: memref<3x128x128xf32, #tpu.memory_space<vmem>>, %arg1: memref<3x128xf32, #tpu.memory_space<vmem>>, %arg2: memref<3x4x128xf32, #tpu.memory_space<vmem>>, %arg3: memref<3x128xf32, #tpu.memory_space<vmem>>, %arg4: memref<3x256x128xf32, #tpu.memory_space<vmem>>, %arg5: memref<3x128xf32, #tpu.memory_space<vmem>>, %arg6: memref<3x128x128xf32, #tpu.memory_space<vmem>>, %arg7: memref<3x1x128xf32, #tpu.memory_space<vmem>>, %arg8: memref<3x16x128xf32, #tpu.memory_space<vmem>>) attributes {dimension_semantics = [], scalar_prefetch = 0 : i64, scratch_operands = 0 : i64, tpu.core_type = #tpu.core_type<tc>} {
    %get3A = arith.constant 0 : index
    %get3A_0 = arith.constant 0 : index
    %get3A_1 = arith.constant 0 : index
    %get3A_2 = vector.load %arg4[%get3A, %get3A_0, %get3A_1] : memref<3x256x128xf32, #tpu.memory_space<vmem>>, vector<1x128x128xf32>
    %get3A_3 = vector.shape_cast %get3A_2 : vector<1x128x128xf32> to vector<128x128xf32>
    %get3A_4 = arith.constant 0 : index
    %get3A_5 = arith.constant 128 : index
    %get3A_6 = arith.constant 0 : index
    %get3A_7 = vector.load %arg4[%get3A_4, %get3A_5, %get3A_6] : memref<3x256x128xf32, #tpu.memory_space<vmem>>, vector<1x128x128xf32>
    %get3A_8 = vector.shape_cast %get3A_7 : vector<1x128x128xf32> to vector<128x128xf32>
    %get3A_9 = arith.constant 0 : index
    %get3A_10 = arith.constant 0 : index
    %get3A_11 = arith.constant 0 : index
    %get3A_12 = vector.load %arg0[%get3A_9, %get3A_10, %get3A_11] : memref<3x128x128xf32, #tpu.memory_space<vmem>>, vector<1x128x128xf32>
    %get3A_13 = vector.shape_cast %get3A_12 : vector<1x128x128xf32> to vector<128x128xf32>
    %dot_general3A = arith.constant dense<0.000000e+00> : vector<128x128xf32>
    %dot_general3A_14 = tpu.matmul %get3A_13, %get3A_3, %dot_general3A {dimension_numbers = #tpu.dot_dimension_numbers<[1], [0], [0], [1], [0, 0, 1, 1], [], []>, precision = #tpu.contract_precision<fp32>, transpose_lhs_hint = false} : vector<128x128xf32>, vector<128x128xf32>, vector<128x128xf32> -> vector<128x128xf32>
    %swap3A = arith.constant 0 : index
    %swap3A_15 = arith.constant 0 : index
    %swap3A_16 = arith.constant 0 : index
    %swap3A_17 = vector.load %arg6[%swap3A, %swap3A_15, %swap3A_16] : memref<3x128x128xf32, #tpu.memory_space<vmem>>, vector<1x128x128xf32>
    %swap3A_18 = vector.shape_cast %swap3A_17 : vector<1x128x128xf32> to vector<128x128xf32>
    %swap3A_19 = vector.shape_cast %dot_general3A_14 : vector<128x128xf32> to vector<1x128x128xf32>
    tpu.vector_store %arg6[%swap3A, %swap3A_15, %swap3A_16], %swap3A_19 {strides = array<i32>} : memref<3x128x128xf32, #tpu.memory_space<vmem>>, vector<1x128x128xf32>,
    %get3A_20 = arith.constant 0 : index
    %get3A_21 = arith.constant 0 : index
    %get3A_22 = vector.load %arg1[%get3A_20, %get3A_21] : memref<3x128xf32, #tpu.memory_space<vmem>>, vector<1x128xf32>
    %get3A_23 = vector.shape_cast %get3A_22 : vector<1x128xf32> to vector<128xf32>
    %broadcast_in_dim3A = vector.shape_cast %get3A_23 : vector<128xf32> to vector<1x128xf32>
    %dot_general3A_24 = arith.constant dense<0.000000e+00> : vector<1x128xf32>
    %dot_general3A_25 = tpu.matmul %broadcast_in_dim3A, %get3A_3, %dot_general3A_24 {dimension_numbers = #tpu.dot_dimension_numbers<[1], [0], [0], [1], [0, 0, 1, 1], [], []>, precision = #tpu.contract_precision<fp32>, transpose_lhs_hint = false} : vector<1x128xf32>, vector<128x128xf32>, vector<1x128xf32> -> vector<1x128xf32>
    %swap3A_26 = arith.constant 0 : index
    %swap3A_27 = arith.constant 0 : index
    %swap3A_28 = arith.constant 0 : index
    %swap3A_29 = vector.load %arg7[%swap3A_26, %swap3A_27, %swap3A_28] : memref<3x1x128xf32, #tpu.memory_space<vmem>>, vector<1x1x128xf32>
    %swap3A_30 = vector.shape_cast %swap3A_29 : vector<1x1x128xf32> to vector<1x128xf32>
    %swap3A_31 = vector.shape_cast %dot_general3A_25 : vector<1x128xf32> to vector<1x1x128xf32>
    tpu.vector_store %arg7[%swap3A_26, %swap3A_27, %swap3A_28], %swap3A_31 {strides = array<i32>} : memref<3x1x128xf32, #tpu.memory_space<vmem>>, vector<1x1x128xf32>,
    %get3A_32 = arith.constant 0 : index
    %get3A_33 = arith.constant 0 : index
    %get3A_34 = vector.load %arg3[%get3A_32, %get3A_33] : memref<3x128xf32, #tpu.memory_space<vmem>>, vector<1x128xf32>
    %get3A_35 = vector.shape_cast %get3A_34 : vector<1x128xf32> to vector<128xf32>
    %broadcast_in_dim3A_36 = vector.shape_cast %get3A_35 : vector<128xf32> to vector<1x128xf32>
    %dot_general3A_37 = arith.constant dense<0.000000e+00> : vector<1x128xf32>
    %dot_general3A_38 = tpu.matmul %broadcast_in_dim3A_36, %get3A_8, %dot_general3A_37 {dimension_numbers = #tpu.dot_dimension_numbers<[1], [0], [0], [1], [0, 0, 1, 1], [], []>, precision = #tpu.contract_precision<fp32>, transpose_lhs_hint = false} : vector<1x128xf32>, vector<128x128xf32>, vector<1x128xf32> -> vector<1x128xf32>
    %get3A_39 = arith.constant 0 : index
    %get3A_40 = arith.constant 0 : index
    %get3A_41 = vector.load %arg5[%get3A_39, %get3A_40] : memref<3x128xf32, #tpu.memory_space<vmem>>, vector<1x128xf32>
    %get3A_42 = vector.shape_cast %get3A_41 : vector<1x128xf32> to vector<128xf32>
    %broadcast_in_dim3A_43 = vector.shape_cast %get3A_42 : vector<128xf32> to vector<1x128xf32>
    %add3A = arith.addf %dot_general3A_38, %broadcast_in_dim3A_43 : vector<1x128xf32>
    %get3A_44 = arith.constant 0 : index
    %get3A_45 = arith.constant 0 : index
    %get3A_46 = arith.constant 0 : index
    %get3A_47 = vector.load %arg2[%get3A_44, %get3A_45, %get3A_46] : memref<3x4x128xf32, #tpu.memory_space<vmem>>, vector<1x4x128xf32>
    %get3A_48 = vector.shape_cast %get3A_47 : vector<1x4x128xf32> to vector<4x128xf32>
    %dot_general3A_49 = arith.constant dense<0.000000e+00> : vector<4x128xf32>
    %dot_general3A_50 = tpu.matmul %get3A_48, %get3A_8, %dot_general3A_49 {dimension_numbers = #tpu.dot_dimension_numbers<[1], [0], [0], [1], [0, 0, 1, 1], [], []>, precision = #tpu.contract_precision<fp32>, transpose_lhs_hint = false} : vector<4x128xf32>, vector<128x128xf32>, vector<4x128xf32> -> vector<4x128xf32>
    %broadcast_in_dim3A_51 = arith.constant 0.000000e+00 : f32
    %broadcast_in_dim3A_52 = vector.broadcast %broadcast_in_dim3A_51 : f32 to vector<11x128xf32>
    %concatenate3A = tpu.concatenate %add3A, %dot_general3A_50, %broadcast_in_dim3A_52 in 0 : vector<1x128xf32>, vector<4x128xf32>, vector<11x128xf32> -> vector<16x128xf32>
    %swap3A_53 = arith.constant 0 : index
    %swap3A_54 = arith.constant 0 : index
    %swap3A_55 = arith.constant 0 : index
    %swap3A_56 = vector.load %arg8[%swap3A_53, %swap3A_54, %swap3A_55] : memref<3x16x128xf32, #tpu.memory_space<vmem>>, vector<1x16x128xf32>
    %swap3A_57 = vector.shape_cast %swap3A_56 : vector<1x16x128xf32> to vector<16x128xf32>
    %swap3A_58 = vector.shape_cast %concatenate3A : vector<16x128xf32> to vector<1x16x128xf32>
    tpu.vector_store %arg8[%swap3A_53, %swap3A_54, %swap3A_55], %swap3A_58 {strides = array<i32>} : memref<3x16x128xf32, #tpu.memory_space<vmem>>, vector<1x16x128xf32>,
    %get3A_59 = arith.constant 1 : index
    %get3A_60 = arith.constant 0 : index
    %get3A_61 = arith.constant 0 : index
    %get3A_62 = vector.load %arg4[%get3A_59, %get3A_60, %get3A_61] : memref<3x256x128xf32, #tpu.memory_space<vmem>>, vector<1x128x128xf32>
    %get3A_63 = vector.shape_cast %get3A_62 : vector<1x128x128xf32> to vector<128x128xf32>
    %get3A_64 = arith.constant 1 : index
    %get3A_65 = arith.constant 128 : index
    %get3A_66 = arith.constant 0 : index
    %get3A_67 = vector.load %arg4[%get3A_64, %get3A_65, %get3A_66] : memref<3x256x128xf32, #tpu.memory_space<vmem>>, vector<1x128x128xf32>
    %get3A_68 = vector.shape_cast %get3A_67 : vector<1x128x128xf32> to vector<128x128xf32>
    %get3A_69 = arith.constant 1 : index
    %get3A_70 = arith.constant 0 : index
    %get3A_71 = arith.constant 0 : index
    %get3A_72 = vector.load %arg0[%get3A_69, %get3A_70, %get3A_71] : memref<3x128x128xf32, #tpu.memory_space<vmem>>, vector<1x128x128xf32>
    %get3A_73 = vector.shape_cast %get3A_72 : vector<1x128x128xf32> to vector<128x128xf32>
    %dot_general3A_74 = arith.constant dense<0.000000e+00> : vector<128x128xf32>
    %dot_general3A_75 = tpu.matmul %get3A_73, %get3A_63, %dot_general3A_74 {dimension_numbers = #tpu.dot_dimension_numbers<[1], [0], [0], [1], [0, 0, 1, 1], [], []>, precision = #tpu.contract_precision<fp32>, transpose_lhs_hint = false} : vector<128x128xf32>, vector<128x128xf32>, vector<128x128xf32> -> vector<128x128xf32>
    %swap3A_76 = arith.constant 1 : index
    %swap3A_77 = arith.constant 0 : index
    %swap3A_78 = arith.constant 0 : index
    %swap3A_79 = vector.load %arg6[%swap3A_76, %swap3A_77, %swap3A_78] : memref<3x128x128xf32, #tpu.memory_space<vmem>>, vector<1x128x128xf32>
    %swap3A_80 = vector.shape_cast %swap3A_79 : vector<1x128x128xf32> to vector<128x128xf32>
    %swap3A_81 = vector.shape_cast %dot_general3A_75 : vector<128x128xf32> to vector<1x128x128xf32>
    tpu.vector_store %arg6[%swap3A_76, %swap3A_77, %swap3A_78], %swap3A_81 {strides = array<i32>} : memref<3x128x128xf32, #tpu.memory_space<vmem>>, vector<1x128x128xf32>,
    %get3A_82 = arith.constant 1 : index
    %get3A_83 = arith.constant 0 : index
    %get3A_84 = vector.load %arg1[%get3A_82, %get3A_83] : memref<3x128xf32, #tpu.memory_space<vmem>>, vector<1x128xf32>
    %get3A_85 = vector.shape_cast %get3A_84 : vector<1x128xf32> to vector<128xf32>
    %broadcast_in_dim3A_86 = vector.shape_cast %get3A_85 : vector<128xf32> to vector<1x128xf32>
    %dot_general3A_87 = arith.constant dense<0.000000e+00> : vector<1x128xf32>
    %dot_general3A_88 = tpu.matmul %broadcast_in_dim3A_86, %get3A_63, %dot_general3A_87 {dimension_numbers = #tpu.dot_dimension_numbers<[1], [0], [0], [1], [0, 0, 1, 1], [], []>, precision = #tpu.contract_precision<fp32>, transpose_lhs_hint = false} : vector<1x128xf32>, vector<128x128xf32>, vector<1x128xf32> -> vector<1x128xf32>
    %swap3A_89 = arith.constant 1 : index
    %swap3A_90 = arith.constant 0 : index
    %swap3A_91 = arith.constant 0 : index
    %swap3A_92 = vector.load %arg7[%swap3A_89, %swap3A_90, %swap3A_91] : memref<3x1x128xf32, #tpu.memory_space<vmem>>, vector<1x1x128xf32>
    %swap3A_93 = vector.shape_cast %swap3A_92 : vector<1x1x128xf32> to vector<1x128xf32>
    %swap3A_94 = vector.shape_cast %dot_general3A_88 : vector<1x128xf32> to vector<1x1x128xf32>
    tpu.vector_store %arg7[%swap3A_89, %swap3A_90, %swap3A_91], %swap3A_94 {strides = array<i32>} : memref<3x1x128xf32, #tpu.memory_space<vmem>>, vector<1x1x128xf32>,
    %get3A_95 = arith.constant 1 : index
    %get3A_96 = arith.constant 0 : index
    %get3A_97 = vector.load %arg3[%get3A_95, %get3A_96] : memref<3x128xf32, #tpu.memory_space<vmem>>, vector<1x128xf32>
    %get3A_98 = vector.shape_cast %get3A_97 : vector<1x128xf32> to vector<128xf32>
    %broadcast_in_dim3A_99 = vector.shape_cast %get3A_98 : vector<128xf32> to vector<1x128xf32>
    %dot_general3A_100 = arith.constant dense<0.000000e+00> : vector<1x128xf32>
    %dot_general3A_101 = tpu.matmul %broadcast_in_dim3A_99, %get3A_68, %dot_general3A_100 {dimension_numbers = #tpu.dot_dimension_numbers<[1], [0], [0], [1], [0, 0, 1, 1], [], []>, precision = #tpu.contract_precision<fp32>, transpose_lhs_hint = false} : vector<1x128xf32>, vector<128x128xf32>, vector<1x128xf32> -> vector<1x128xf32>
    %get3A_102 = arith.constant 1 : index
    %get3A_103 = arith.constant 0 : index
    %get3A_104 = vector.load %arg5[%get3A_102, %get3A_103] : memref<3x128xf32, #tpu.memory_space<vmem>>, vector<1x128xf32>
    %get3A_105 = vector.shape_cast %get3A_104 : vector<1x128xf32> to vector<128xf32>
    %broadcast_in_dim3A_106 = vector.shape_cast %get3A_105 : vector<128xf32> to vector<1x128xf32>
    %add3A_107 = arith.addf %dot_general3A_101, %broadcast_in_dim3A_106 : vector<1x128xf32>
    %get3A_108 = arith.constant 1 : index
    %get3A_109 = arith.constant 0 : index
    %get3A_110 = arith.constant 0 : index
    %get3A_111 = vector.load %arg2[%get3A_108, %get3A_109, %get3A_110] : memref<3x4x128xf32, #tpu.memory_space<vmem>>, vector<1x4x128xf32>
    %get3A_112 = vector.shape_cast %get3A_111 : vector<1x4x128xf32> to vector<4x128xf32>
    %dot_general3A_113 = arith.constant dense<0.000000e+00> : vector<4x128xf32>
    %dot_general3A_114 = tpu.matmul %get3A_112, %get3A_68, %dot_general3A_113 {dimension_numbers = #tpu.dot_dimension_numbers<[1], [0], [0], [1], [0, 0, 1, 1], [], []>, precision = #tpu.contract_precision<fp32>, transpose_lhs_hint = false} : vector<4x128xf32>, vector<128x128xf32>, vector<4x128xf32> -> vector<4x128xf32>
    %broadcast_in_dim3A_115 = arith.constant 0.000000e+00 : f32
    %broadcast_in_dim3A_116 = vector.broadcast %broadcast_in_dim3A_115 : f32 to vector<11x128xf32>
    %concatenate3A_117 = tpu.concatenate %add3A_107, %dot_general3A_114, %broadcast_in_dim3A_116 in 0 : vector<1x128xf32>, vector<4x128xf32>, vector<11x128xf32> -> vector<16x128xf32>
    %swap3A_118 = arith.constant 1 : index
    %swap3A_119 = arith.constant 0 : index
    %swap3A_120 = arith.constant 0 : index
    %swap3A_121 = vector.load %arg8[%swap3A_118, %swap3A_119, %swap3A_120] : memref<3x16x128xf32, #tpu.memory_space<vmem>>, vector<1x16x128xf32>
    %swap3A_122 = vector.shape_cast %swap3A_121 : vector<1x16x128xf32> to vector<16x128xf32>
    %swap3A_123 = vector.shape_cast %concatenate3A_117 : vector<16x128xf32> to vector<1x16x128xf32>
    tpu.vector_store %arg8[%swap3A_118, %swap3A_119, %swap3A_120], %swap3A_123 {strides = array<i32>} : memref<3x16x128xf32, #tpu.memory_space<vmem>>, vector<1x16x128xf32>,
    %get3A_124 = arith.constant 2 : index
    %get3A_125 = arith.constant 0 : index
    %get3A_126 = arith.constant 0 : index
    %get3A_127 = vector.load %arg4[%get3A_124, %get3A_125, %get3A_126] : memref<3x256x128xf32, #tpu.memory_space<vmem>>, vector<1x128x128xf32>
    %get3A_128 = vector.shape_cast %get3A_127 : vector<1x128x128xf32> to vector<128x128xf32>
    %get3A_129 = arith.constant 2 : index
    %get3A_130 = arith.constant 128 : index
    %get3A_131 = arith.constant 0 : index
    %get3A_132 = vector.load %arg4[%get3A_129, %get3A_130, %get3A_131] : memref<3x256x128xf32, #tpu.memory_space<vmem>>, vector<1x128x128xf32>
    %get3A_133 = vector.shape_cast %get3A_132 : vector<1x128x128xf32> to vector<128x128xf32>
    %get3A_134 = arith.constant 2 : index
    %get3A_135 = arith.constant 0 : index
    %get3A_136 = arith.constant 0 : index
    %get3A_137 = vector.load %arg0[%get3A_134, %get3A_135, %get3A_136] : memref<3x128x128xf32, #tpu.memory_space<vmem>>, vector<1x128x128xf32>
    %get3A_138 = vector.shape_cast %get3A_137 : vector<1x128x128xf32> to vector<128x128xf32>
    %dot_general3A_139 = arith.constant dense<0.000000e+00> : vector<128x128xf32>
    %dot_general3A_140 = tpu.matmul %get3A_138, %get3A_128, %dot_general3A_139 {dimension_numbers = #tpu.dot_dimension_numbers<[1], [0], [0], [1], [0, 0, 1, 1], [], []>, precision = #tpu.contract_precision<fp32>, transpose_lhs_hint = false} : vector<128x128xf32>, vector<128x128xf32>, vector<128x128xf32> -> vector<128x128xf32>
    %swap3A_141 = arith.constant 2 : index
    %swap3A_142 = arith.constant 0 : index
    %swap3A_143 = arith.constant 0 : index
    %swap3A_144 = vector.load %arg6[%swap3A_141, %swap3A_142, %swap3A_143] : memref<3x128x128xf32, #tpu.memory_space<vmem>>, vector<1x128x128xf32>
    %swap3A_145 = vector.shape_cast %swap3A_144 : vector<1x128x128xf32> to vector<128x128xf32>
    %swap3A_146 = vector.shape_cast %dot_general3A_140 : vector<128x128xf32> to vector<1x128x128xf32>
    tpu.vector_store %arg6[%swap3A_141, %swap3A_142, %swap3A_143], %swap3A_146 {strides = array<i32>} : memref<3x128x128xf32, #tpu.memory_space<vmem>>, vector<1x128x128xf32>,
    %get3A_147 = arith.constant 2 : index
    %get3A_148 = arith.constant 0 : index
    %get3A_149 = vector.load %arg1[%get3A_147, %get3A_148] : memref<3x128xf32, #tpu.memory_space<vmem>>, vector<1x128xf32>
    %get3A_150 = vector.shape_cast %get3A_149 : vector<1x128xf32> to vector<128xf32>
    %broadcast_in_dim3A_151 = vector.shape_cast %get3A_150 : vector<128xf32> to vector<1x128xf32>
    %dot_general3A_152 = arith.constant dense<0.000000e+00> : vector<1x128xf32>
    %dot_general3A_153 = tpu.matmul %broadcast_in_dim3A_151, %get3A_128, %dot_general3A_152 {dimension_numbers = #tpu.dot_dimension_numbers<[1], [0], [0], [1], [0, 0, 1, 1], [], []>, precision = #tpu.contract_precision<fp32>, transpose_lhs_hint = false} : vector<1x128xf32>, vector<128x128xf32>, vector<1x128xf32> -> vector<1x128xf32>
    %swap3A_154 = arith.constant 2 : index
    %swap3A_155 = arith.constant 0 : index
    %swap3A_156 = arith.constant 0 : index
    %swap3A_157 = vector.load %arg7[%swap3A_154, %swap3A_155, %swap3A_156] : memref<3x1x128xf32, #tpu.memory_space<vmem>>, vector<1x1x128xf32>
    %swap3A_158 = vector.shape_cast %swap3A_157 : vector<1x1x128xf32> to vector<1x128xf32>
    %swap3A_159 = vector.shape_cast %dot_general3A_153 : vector<1x128xf32> to vector<1x1x128xf32>
    tpu.vector_store %arg7[%swap3A_154, %swap3A_155, %swap3A_156], %swap3A_159 {strides = array<i32>} : memref<3x1x128xf32, #tpu.memory_space<vmem>>, vector<1x1x128xf32>,
    %get3A_160 = arith.constant 2 : index
    %get3A_161 = arith.constant 0 : index
    %get3A_162 = vector.load %arg3[%get3A_160, %get3A_161] : memref<3x128xf32, #tpu.memory_space<vmem>>, vector<1x128xf32>
    %get3A_163 = vector.shape_cast %get3A_162 : vector<1x128xf32> to vector<128xf32>
    %broadcast_in_dim3A_164 = vector.shape_cast %get3A_163 : vector<128xf32> to vector<1x128xf32>
    %dot_general3A_165 = arith.constant dense<0.000000e+00> : vector<1x128xf32>
    %dot_general3A_166 = tpu.matmul %broadcast_in_dim3A_164, %get3A_133, %dot_general3A_165 {dimension_numbers = #tpu.dot_dimension_numbers<[1], [0], [0], [1], [0, 0, 1, 1], [], []>, precision = #tpu.contract_precision<fp32>, transpose_lhs_hint = false} : vector<1x128xf32>, vector<128x128xf32>, vector<1x128xf32> -> vector<1x128xf32>
    %get3A_167 = arith.constant 2 : index
    %get3A_168 = arith.constant 0 : index
    %get3A_169 = vector.load %arg5[%get3A_167, %get3A_168] : memref<3x128xf32, #tpu.memory_space<vmem>>, vector<1x128xf32>
    %get3A_170 = vector.shape_cast %get3A_169 : vector<1x128xf32> to vector<128xf32>
    %broadcast_in_dim3A_171 = vector.shape_cast %get3A_170 : vector<128xf32> to vector<1x128xf32>
    %add3A_172 = arith.addf %dot_general3A_166, %broadcast_in_dim3A_171 : vector<1x128xf32>
    %get3A_173 = arith.constant 2 : index
    %get3A_174 = arith.constant 0 : index
    %get3A_175 = arith.constant 0 : index
    %get3A_176 = vector.load %arg2[%get3A_173, %get3A_174, %get3A_175] : memref<3x4x128xf32, #tpu.memory_space<vmem>>, vector<1x4x128xf32>
    %get3A_177 = vector.shape_cast %get3A_176 : vector<1x4x128xf32> to vector<4x128xf32>
    %dot_general3A_178 = arith.constant dense<0.000000e+00> : vector<4x128xf32>
    %dot_general3A_179 = tpu.matmul %get3A_177, %get3A_133, %dot_general3A_178 {dimension_numbers = #tpu.dot_dimension_numbers<[1], [0], [0], [1], [0, 0, 1, 1], [], []>, precision = #tpu.contract_precision<fp32>, transpose_lhs_hint = false} : vector<4x128xf32>, vector<128x128xf32>, vector<4x128xf32> -> vector<4x128xf32>
    %broadcast_in_dim3A_180 = arith.constant 0.000000e+00 : f32
    %broadcast_in_dim3A_181 = vector.broadcast %broadcast_in_dim3A_180 : f32 to vector<11x128xf32>
    %concatenate3A_182 = tpu.concatenate %add3A_172, %dot_general3A_179, %broadcast_in_dim3A_181 in 0 : vector<1x128xf32>, vector<4x128xf32>, vector<11x128xf32> -> vector<16x128xf32>
    %swap3A_183 = arith.constant 2 : index
    %swap3A_184 = arith.constant 0 : index
    %swap3A_185 = arith.constant 0 : index
    %swap3A_186 = vector.load %arg8[%swap3A_183, %swap3A_184, %swap3A_185] : memref<3x16x128xf32, #tpu.memory_space<vmem>>, vector<1x16x128xf32>
    %swap3A_187 = vector.shape_cast %swap3A_186 : vector<1x16x128xf32> to vector<16x128xf32>
    %swap3A_188 = vector.shape_cast %concatenate3A_182 : vector<16x128xf32> to vector<1x16x128xf32>
    tpu.vector_store %arg8[%swap3A_183, %swap3A_184, %swap3A_185], %swap3A_188 {strides = array<i32>} : memref<3x16x128xf32, #tpu.memory_space<vmem>>, vector<1x16x128xf32>,
    return
  }
}

module attributes {stable_mosaic.version = 14 : i64} {
  func.func @body(%arg0: i32, %arg1: memref<1000x128xf32, #tpu.memory_space<vmem>>, %arg2: memref<128x128xf32, #tpu.memory_space<vmem>>, %arg3: memref<1x128xf32, #tpu.memory_space<vmem>>, %arg4: memref<128x128xf32, #tpu.memory_space<vmem>>, %arg5: memref<1x128xf32, #tpu.memory_space<vmem>>, %arg6: memref<1000x128xf32, #tpu.memory_space<vmem>>, %arg7: memref<1000x128xf32, #tpu.memory_space<vmem>>) attributes {dimension_semantics = [#tpu.dimension_semantics<arbitrary>], iteration_bounds = array<i64: 10>, scalar_prefetch = 0 : i64, scratch_operands = 0 : i64, tpu.core_type = #tpu.core_type<tc>, window_params = [{transform_indices = @transform_0, window_bounds = array<i64: 1000, 128>}, {pipeline_mode = #tpu.pipeline_mode<synchronous>, transform_indices = @transform_1, window_bounds = array<i64: 128, 128>}, {pipeline_mode = #tpu.pipeline_mode<synchronous>, transform_indices = @transform_2, window_bounds = array<i64: 1, 128>}, {pipeline_mode = #tpu.pipeline_mode<synchronous>, transform_indices = @transform_3, window_bounds = array<i64: 128, 128>}, {pipeline_mode = #tpu.pipeline_mode<synchronous>, transform_indices = @transform_4, window_bounds = array<i64: 1, 128>}, {transform_indices = @transform_5, window_bounds = array<i64: 1000, 128>}, {transform_indices = @transform_6, window_bounds = array<i64: 1000, 128>}]} {
    %get3A = arith.constant 0 : index
    %get3A_0 = arith.constant 0 : index
    %get3A_1 = vector.load %arg1[%get3A, %get3A_0] : memref<1000x128xf32, #tpu.memory_space<vmem>>, vector<1000x128xf32>
    %get3A_2 = arith.constant 0 : index
    %get3A_3 = arith.constant 0 : index
    %get3A_4 = vector.load %arg2[%get3A_2, %get3A_3] : memref<128x128xf32, #tpu.memory_space<vmem>>, vector<128x128xf32>
    %dot_general3A = arith.constant dense<0.000000e+00> : vector<1000x128xf32>
    %dot_general3A_5 = tpu.matmul %get3A_1, %get3A_4, %dot_general3A {dimension_numbers = #tpu.dot_dimension_numbers<[1], [0], [0], [1], [0, 0, 1, 1], [], []>, precision = #tpu.contract_precision<fp32>, transpose_lhs_hint = false} : vector<1000x128xf32>, vector<128x128xf32>, vector<1000x128xf32> -> vector<1000x128xf32>
    %get3A_6 = arith.constant 0 : index
    %get3A_7 = arith.constant 0 : index
    %get3A_8 = vector.load %arg3[%get3A_6, %get3A_7] : memref<1x128xf32, #tpu.memory_space<vmem>>, vector<1x128xf32>
    %add3A = vector.broadcast %get3A_8 : vector<1x128xf32> to vector<1000x128xf32>
    %add3A_9 = arith.addf %dot_general3A_5, %add3A : vector<1000x128xf32>
    %swap3A = arith.constant 0 : index
    %swap3A_10 = arith.constant 0 : index
    %swap3A_11 = vector.load %arg6[%swap3A, %swap3A_10] : memref<1000x128xf32, #tpu.memory_space<vmem>>, vector<1000x128xf32>
    tpu.vector_store %arg6[%swap3A, %swap3A_10], %add3A_9 {strides = array<i32>} : memref<1000x128xf32, #tpu.memory_space<vmem>>, vector<1000x128xf32>,
    %get3A_12 = arith.constant 0 : index
    %get3A_13 = arith.constant 0 : index
    %get3A_14 = vector.load %arg4[%get3A_12, %get3A_13] : memref<128x128xf32, #tpu.memory_space<vmem>>, vector<128x128xf32>
    %dot_general3A_15 = arith.constant dense<0.000000e+00> : vector<1000x128xf32>
    %dot_general3A_16 = tpu.matmul %add3A_9, %get3A_14, %dot_general3A_15 {dimension_numbers = #tpu.dot_dimension_numbers<[1], [0], [0], [1], [0, 0, 1, 1], [], []>, precision = #tpu.contract_precision<fp32>, transpose_lhs_hint = false} : vector<1000x128xf32>, vector<128x128xf32>, vector<1000x128xf32> -> vector<1000x128xf32>
    %get3A_17 = arith.constant 0 : index
    %get3A_18 = arith.constant 0 : index
    %get3A_19 = vector.load %arg5[%get3A_17, %get3A_18] : memref<1x128xf32, #tpu.memory_space<vmem>>, vector<1x128xf32>
    %add3A_20 = vector.broadcast %get3A_19 : vector<1x128xf32> to vector<1000x128xf32>
    %add3A_21 = arith.addf %dot_general3A_16, %add3A_20 : vector<1000x128xf32>
    %swap3A_22 = arith.constant 0 : index
    %swap3A_23 = arith.constant 0 : index
    %swap3A_24 = vector.load %arg7[%swap3A_22, %swap3A_23] : memref<1000x128xf32, #tpu.memory_space<vmem>>, vector<1000x128xf32>
    tpu.vector_store %arg7[%swap3A_22, %swap3A_23], %add3A_21 {strides = array<i32>} : memref<1000x128xf32, #tpu.memory_space<vmem>>, vector<1000x128xf32>,
    return
  }
  func.func @transform_0(%arg0: i32) -> (i32, i32) {
    %c0_i32 = arith.constant 0 : i32
    %c0_i32_0 = arith.constant 0 : i32
    return %arg0, %c0_i32 : i32, i32
  }
  func.func @transform_1(%arg0: i32) -> (i32, i32) {
    %c0_i32 = arith.constant 0 : i32
    %c0_i32_0 = arith.constant 0 : i32
    %c0_i32_1 = arith.constant 0 : i32
    return %c0_i32, %c0_i32_0 : i32, i32
  }
  func.func @transform_2(%arg0: i32) -> (i32, i32) {
    %c0_i32 = arith.constant 0 : i32
    %c0_i32_0 = arith.constant 0 : i32
    %c0_i32_1 = arith.constant 0 : i32
    return %c0_i32, %c0_i32_0 : i32, i32
  }
  func.func @transform_3(%arg0: i32) -> (i32, i32) {
    %c0_i32 = arith.constant 0 : i32
    %c0_i32_0 = arith.constant 0 : i32
    %c0_i32_1 = arith.constant 0 : i32
    return %c0_i32, %c0_i32_0 : i32, i32
  }
  func.func @transform_4(%arg0: i32) -> (i32, i32) {
    %c0_i32 = arith.constant 0 : i32
    %c0_i32_0 = arith.constant 0 : i32
    %c0_i32_1 = arith.constant 0 : i32
    return %c0_i32, %c0_i32_0 : i32, i32
  }
  func.func @transform_5(%arg0: i32) -> (i32, i32) {
    %c0_i32 = arith.constant 0 : i32
    %c0_i32_0 = arith.constant 0 : i32
    return %arg0, %c0_i32 : i32, i32
  }
  func.func @transform_6(%arg0: i32) -> (i32, i32) {
    %c0_i32 = arith.constant 0 : i32
    %c0_i32_0 = arith.constant 0 : i32
    return %arg0, %c0_i32 : i32, i32
  }
}

module attributes {stable_mosaic.version = 14 : i64} {
  func.func @body(%arg0: i32, %arg1: memref<1000x128xf32, #tpu.memory_space<vmem>>, %arg2: memref<1000x128xf32, #tpu.memory_space<vmem>>, %arg3: memref<1000x16xf32, #tpu.memory_space<vmem>>, %arg4: memref<1000x16xf32, #tpu.memory_space<vmem>>, %arg5: memref<16x128xf32, #tpu.memory_space<vmem>>, %arg6: memref<1x128xf32, #tpu.memory_space<vmem>>, %arg7: memref<1x128xf32, #tpu.memory_space<vmem>>, %arg8: memref<128x128xf32, #tpu.memory_space<vmem>>, %arg9: memref<1x128xf32, #tpu.memory_space<vmem>>, %arg10: memref<1000x128xf32, #tpu.memory_space<vmem>>, %arg11: memref<1000x128xf32, #tpu.memory_space<vmem>>) attributes {dimension_semantics = [#tpu.dimension_semantics<arbitrary>], iteration_bounds = array<i64: 10>, scalar_prefetch = 0 : i64, scratch_operands = 0 : i64, tpu.core_type = #tpu.core_type<tc>, window_params = [{transform_indices = @transform_0, window_bounds = array<i64: 1000, 128>}, {transform_indices = @transform_1, window_bounds = array<i64: 1000, 128>}, {transform_indices = @transform_2, window_bounds = array<i64: 1000, 16>}, {transform_indices = @transform_3, window_bounds = array<i64: 1000, 16>}, {pipeline_mode = #tpu.pipeline_mode<synchronous>, transform_indices = @transform_4, window_bounds = array<i64: 16, 128>}, {pipeline_mode = #tpu.pipeline_mode<synchronous>, transform_indices = @transform_5, window_bounds = array<i64: 1, 128>}, {pipeline_mode = #tpu.pipeline_mode<synchronous>, transform_indices = @transform_6, window_bounds = array<i64: 1, 128>}, {pipeline_mode = #tpu.pipeline_mode<synchronous>, transform_indices = @transform_7, window_bounds = array<i64: 128, 128>}, {pipeline_mode = #tpu.pipeline_mode<synchronous>, transform_indices = @transform_8, window_bounds = array<i64: 1, 128>}, {transform_indices = @transform_9, window_bounds = array<i64: 1000, 128>}, {transform_indices = @transform_10, window_bounds = array<i64: 1000, 128>}]} {
    %get3A = arith.constant 0 : index
    %get3A_0 = arith.constant 0 : index
    %get3A_1 = vector.load %arg3[%get3A, %get3A_0] : memref<1000x16xf32, #tpu.memory_space<vmem>>, vector<1000x16xf32>
    %get3A_2 = arith.constant 0 : index
    %get3A_3 = arith.constant 0 : index
    %get3A_4 = vector.load %arg4[%get3A_2, %get3A_3] : memref<1000x16xf32, #tpu.memory_space<vmem>>, vector<1000x16xf32>
    %add3A = arith.addf %get3A_1, %get3A_4 : vector<1000x16xf32>
    %get3A_5 = arith.constant 0 : index
    %get3A_6 = arith.constant 0 : index
    %get3A_7 = vector.load %arg2[%get3A_5, %get3A_6] : memref<1000x128xf32, #tpu.memory_space<vmem>>, vector<1000x128xf32>
    %get3A_8 = arith.constant 0 : index
    %get3A_9 = arith.constant 0 : index
    %get3A_10 = vector.load %arg5[%get3A_8, %get3A_9] : memref<16x128xf32, #tpu.memory_space<vmem>>, vector<16x128xf32>
    %dot_general3A = arith.constant dense<0.000000e+00> : vector<1000x128xf32>
    %dot_general3A_11 = tpu.matmul %add3A, %get3A_10, %dot_general3A {dimension_numbers = #tpu.dot_dimension_numbers<[1], [0], [0], [1], [0, 0, 1, 1], [], []>, precision = #tpu.contract_precision<fp32>, transpose_lhs_hint = false} : vector<1000x16xf32>, vector<16x128xf32>, vector<1000x128xf32> -> vector<1000x128xf32>
    %add3A_12 = arith.addf %get3A_7, %dot_general3A_11 : vector<1000x128xf32>
    %reduce_sum3A = arith.constant dense<0.000000e+00> : vector<1000xf32>
    %reduce_sum3A_13 = vector.multi_reduction <add>, %add3A_12, %reduce_sum3A [1] : vector<1000x128xf32> to vector<1000xf32>
    %broadcast_in_dim3A = vector.shape_cast %reduce_sum3A_13 : vector<1000xf32> to vector<1000x1xf32>
    %div3A = arith.constant 1.280000e+02 : f32
    %div3A_14 = vector.broadcast %div3A : f32 to vector<1000x1xf32>
    %div3A_15 = arith.divf %broadcast_in_dim3A, %div3A_14 : vector<1000x1xf32>
    %sub3A = vector.broadcast %div3A_15 : vector<1000x1xf32> to vector<1000x128xf32>
    %sub3A_16 = arith.subf %add3A_12, %sub3A : vector<1000x128xf32>
    %mul3A = arith.mulf %sub3A_16, %sub3A_16 : vector<1000x128xf32>
    %reduce_sum3A_17 = arith.constant dense<0.000000e+00> : vector<1000xf32>
    %reduce_sum3A_18 = vector.multi_reduction <add>, %mul3A, %reduce_sum3A_17 [1] : vector<1000x128xf32> to vector<1000xf32>
    %broadcast_in_dim3A_19 = vector.shape_cast %reduce_sum3A_18 : vector<1000xf32> to vector<1000x1xf32>
    %div3A_20 = arith.constant 1.280000e+02 : f32
    %div3A_21 = vector.broadcast %div3A_20 : f32 to vector<1000x1xf32>
    %div3A_22 = arith.divf %broadcast_in_dim3A_19, %div3A_21 : vector<1000x1xf32>
    %add3A_23 = arith.constant 9.99999974E-6 : f32
    %add3A_24 = vector.broadcast %add3A_23 : f32 to vector<1000x1xf32>
    %add3A_25 = arith.addf %div3A_22, %add3A_24 : vector<1000x1xf32>
    %rsqrt3A = math.rsqrt %add3A_25 : vector<1000x1xf32>
    %mul3A_26 = vector.broadcast %rsqrt3A : vector<1000x1xf32> to vector<1000x128xf32>
    %mul3A_27 = arith.mulf %sub3A_16, %mul3A_26 : vector<1000x128xf32>
    %get3A_28 = arith.constant 0 : index
    %get3A_29 = arith.constant 0 : index
    %get3A_30 = vector.load %arg6[%get3A_28, %get3A_29] : memref<1x128xf32, #tpu.memory_space<vmem>>, vector<1x128xf32>
    %mul3A_31 = vector.broadcast %get3A_30 : vector<1x128xf32> to vector<1000x128xf32>
    %mul3A_32 = arith.mulf %mul3A_27, %mul3A_31 : vector<1000x128xf32>
    %get3A_33 = arith.constant 0 : index
    %get3A_34 = arith.constant 0 : index
    %get3A_35 = vector.load %arg7[%get3A_33, %get3A_34] : memref<1x128xf32, #tpu.memory_space<vmem>>, vector<1x128xf32>
    %add3A_36 = vector.broadcast %get3A_35 : vector<1x128xf32> to vector<1000x128xf32>
    %add3A_37 = arith.addf %mul3A_32, %add3A_36 : vector<1000x128xf32>
    %get3A_38 = arith.constant 0 : index
    %get3A_39 = arith.constant 0 : index
    %get3A_40 = vector.load %arg1[%get3A_38, %get3A_39] : memref<1000x128xf32, #tpu.memory_space<vmem>>, vector<1000x128xf32>
    %max3A = arith.constant 0.000000e+00 : f32
    %max3A_41 = vector.broadcast %max3A : f32 to vector<1000x128xf32>
    %max3A_42 = arith.maximumf %add3A_37, %max3A_41 : vector<1000x128xf32>
    %add3A_43 = arith.addf %get3A_40, %max3A_42 : vector<1000x128xf32>
    %swap3A = arith.constant 0 : index
    %swap3A_44 = arith.constant 0 : index
    %swap3A_45 = vector.load %arg10[%swap3A, %swap3A_44] : memref<1000x128xf32, #tpu.memory_space<vmem>>, vector<1000x128xf32>
    tpu.vector_store %arg10[%swap3A, %swap3A_44], %add3A_43 {strides = array<i32>} : memref<1000x128xf32, #tpu.memory_space<vmem>>, vector<1000x128xf32>,
    %get3A_46 = arith.constant 0 : index
    %get3A_47 = arith.constant 0 : index
    %get3A_48 = vector.load %arg8[%get3A_46, %get3A_47] : memref<128x128xf32, #tpu.memory_space<vmem>>, vector<128x128xf32>
    %dot_general3A_49 = arith.constant dense<0.000000e+00> : vector<1000x128xf32>
    %dot_general3A_50 = tpu.matmul %add3A_43, %get3A_48, %dot_general3A_49 {dimension_numbers = #tpu.dot_dimension_numbers<[1], [0], [0], [1], [0, 0, 1, 1], [], []>, precision = #tpu.contract_precision<fp32>, transpose_lhs_hint = false} : vector<1000x128xf32>, vector<128x128xf32>, vector<1000x128xf32> -> vector<1000x128xf32>
    %get3A_51 = arith.constant 0 : index
    %get3A_52 = arith.constant 0 : index
    %get3A_53 = vector.load %arg9[%get3A_51, %get3A_52] : memref<1x128xf32, #tpu.memory_space<vmem>>, vector<1x128xf32>
    %add3A_54 = vector.broadcast %get3A_53 : vector<1x128xf32> to vector<1000x128xf32>
    %add3A_55 = arith.addf %dot_general3A_50, %add3A_54 : vector<1000x128xf32>
    %swap3A_56 = arith.constant 0 : index
    %swap3A_57 = arith.constant 0 : index
    %swap3A_58 = vector.load %arg11[%swap3A_56, %swap3A_57] : memref<1000x128xf32, #tpu.memory_space<vmem>>, vector<1000x128xf32>
    tpu.vector_store %arg11[%swap3A_56, %swap3A_57], %add3A_55 {strides = array<i32>} : memref<1000x128xf32, #tpu.memory_space<vmem>>, vector<1000x128xf32>,
    return
  }
  func.func @transform_0(%arg0: i32) -> (i32, i32) {
    %c0_i32 = arith.constant 0 : i32
    %c0_i32_0 = arith.constant 0 : i32
    return %arg0, %c0_i32 : i32, i32
  }
  func.func @transform_1(%arg0: i32) -> (i32, i32) {
    %c0_i32 = arith.constant 0 : i32
    %c0_i32_0 = arith.constant 0 : i32
    return %arg0, %c0_i32 : i32, i32
  }
  func.func @transform_2(%arg0: i32) -> (i32, i32) {
    %c0_i32 = arith.constant 0 : i32
    %c0_i32_0 = arith.constant 0 : i32
    return %arg0, %c0_i32 : i32, i32
  }
  func.func @transform_3(%arg0: i32) -> (i32, i32) {
    %c0_i32 = arith.constant 0 : i32
    %c0_i32_0 = arith.constant 0 : i32
    return %arg0, %c0_i32 : i32, i32
  }
  func.func @transform_4(%arg0: i32) -> (i32, i32) {
    %c0_i32 = arith.constant 0 : i32
    %c0_i32_0 = arith.constant 0 : i32
    %c0_i32_1 = arith.constant 0 : i32
    return %c0_i32, %c0_i32_0 : i32, i32
  }
  func.func @transform_5(%arg0: i32) -> (i32, i32) {
    %c0_i32 = arith.constant 0 : i32
    %c0_i32_0 = arith.constant 0 : i32
    %c0_i32_1 = arith.constant 0 : i32
    return %c0_i32, %c0_i32_0 : i32, i32
  }
  func.func @transform_6(%arg0: i32) -> (i32, i32) {
    %c0_i32 = arith.constant 0 : i32
    %c0_i32_0 = arith.constant 0 : i32
    %c0_i32_1 = arith.constant 0 : i32
    return %c0_i32, %c0_i32_0 : i32, i32
  }
  func.func @transform_7(%arg0: i32) -> (i32, i32) {
    %c0_i32 = arith.constant 0 : i32
    %c0_i32_0 = arith.constant 0 : i32
    %c0_i32_1 = arith.constant 0 : i32
    return %c0_i32, %c0_i32_0 : i32, i32
  }
  func.func @transform_8(%arg0: i32) -> (i32, i32) {
    %c0_i32 = arith.constant 0 : i32
    %c0_i32_0 = arith.constant 0 : i32
    %c0_i32_1 = arith.constant 0 : i32
    return %c0_i32, %c0_i32_0 : i32, i32
  }
  func.func @transform_9(%arg0: i32) -> (i32, i32) {
    %c0_i32 = arith.constant 0 : i32
    %c0_i32_0 = arith.constant 0 : i32
    return %arg0, %c0_i32 : i32, i32
  }
  func.func @transform_10(%arg0: i32) -> (i32, i32) {
    %c0_i32 = arith.constant 0 : i32
    %c0_i32_0 = arith.constant 0 : i32
    return %arg0, %c0_i32 : i32, i32
  }
}

module attributes {stable_mosaic.version = 14 : i64} {
  func.func @body(%arg0: i32, %arg1: memref<1000x128xf32, #tpu.memory_space<vmem>>, %arg2: memref<1000x128xf32, #tpu.memory_space<vmem>>, %arg3: memref<1000x16xf32, #tpu.memory_space<vmem>>, %arg4: memref<1000x16xf32, #tpu.memory_space<vmem>>, %arg5: memref<16x128xf32, #tpu.memory_space<vmem>>, %arg6: memref<1x128xf32, #tpu.memory_space<vmem>>, %arg7: memref<1x128xf32, #tpu.memory_space<vmem>>, %arg8: memref<1000x128xf32, #tpu.memory_space<vmem>>) attributes {dimension_semantics = [#tpu.dimension_semantics<arbitrary>], iteration_bounds = array<i64: 10>, scalar_prefetch = 0 : i64, scratch_operands = 0 : i64, tpu.core_type = #tpu.core_type<tc>, window_params = [{transform_indices = @transform_0, window_bounds = array<i64: 1000, 128>}, {transform_indices = @transform_1, window_bounds = array<i64: 1000, 128>}, {transform_indices = @transform_2, window_bounds = array<i64: 1000, 16>}, {transform_indices = @transform_3, window_bounds = array<i64: 1000, 16>}, {pipeline_mode = #tpu.pipeline_mode<synchronous>, transform_indices = @transform_4, window_bounds = array<i64: 16, 128>}, {pipeline_mode = #tpu.pipeline_mode<synchronous>, transform_indices = @transform_5, window_bounds = array<i64: 1, 128>}, {pipeline_mode = #tpu.pipeline_mode<synchronous>, transform_indices = @transform_6, window_bounds = array<i64: 1, 128>}, {transform_indices = @transform_7, window_bounds = array<i64: 1000, 128>}]} {
    %get3A = arith.constant 0 : index
    %get3A_0 = arith.constant 0 : index
    %get3A_1 = vector.load %arg3[%get3A, %get3A_0] : memref<1000x16xf32, #tpu.memory_space<vmem>>, vector<1000x16xf32>
    %get3A_2 = arith.constant 0 : index
    %get3A_3 = arith.constant 0 : index
    %get3A_4 = vector.load %arg4[%get3A_2, %get3A_3] : memref<1000x16xf32, #tpu.memory_space<vmem>>, vector<1000x16xf32>
    %add3A = arith.addf %get3A_1, %get3A_4 : vector<1000x16xf32>
    %get3A_5 = arith.constant 0 : index
    %get3A_6 = arith.constant 0 : index
    %get3A_7 = vector.load %arg2[%get3A_5, %get3A_6] : memref<1000x128xf32, #tpu.memory_space<vmem>>, vector<1000x128xf32>
    %get3A_8 = arith.constant 0 : index
    %get3A_9 = arith.constant 0 : index
    %get3A_10 = vector.load %arg5[%get3A_8, %get3A_9] : memref<16x128xf32, #tpu.memory_space<vmem>>, vector<16x128xf32>
    %dot_general3A = arith.constant dense<0.000000e+00> : vector<1000x128xf32>
    %dot_general3A_11 = tpu.matmul %add3A, %get3A_10, %dot_general3A {dimension_numbers = #tpu.dot_dimension_numbers<[1], [0], [0], [1], [0, 0, 1, 1], [], []>, precision = #tpu.contract_precision<fp32>, transpose_lhs_hint = false} : vector<1000x16xf32>, vector<16x128xf32>, vector<1000x128xf32> -> vector<1000x128xf32>
    %add3A_12 = arith.addf %get3A_7, %dot_general3A_11 : vector<1000x128xf32>
    %reduce_sum3A = arith.constant dense<0.000000e+00> : vector<1000xf32>
    %reduce_sum3A_13 = vector.multi_reduction <add>, %add3A_12, %reduce_sum3A [1] : vector<1000x128xf32> to vector<1000xf32>
    %broadcast_in_dim3A = vector.shape_cast %reduce_sum3A_13 : vector<1000xf32> to vector<1000x1xf32>
    %div3A = arith.constant 1.280000e+02 : f32
    %div3A_14 = vector.broadcast %div3A : f32 to vector<1000x1xf32>
    %div3A_15 = arith.divf %broadcast_in_dim3A, %div3A_14 : vector<1000x1xf32>
    %sub3A = vector.broadcast %div3A_15 : vector<1000x1xf32> to vector<1000x128xf32>
    %sub3A_16 = arith.subf %add3A_12, %sub3A : vector<1000x128xf32>
    %mul3A = arith.mulf %sub3A_16, %sub3A_16 : vector<1000x128xf32>
    %reduce_sum3A_17 = arith.constant dense<0.000000e+00> : vector<1000xf32>
    %reduce_sum3A_18 = vector.multi_reduction <add>, %mul3A, %reduce_sum3A_17 [1] : vector<1000x128xf32> to vector<1000xf32>
    %broadcast_in_dim3A_19 = vector.shape_cast %reduce_sum3A_18 : vector<1000xf32> to vector<1000x1xf32>
    %div3A_20 = arith.constant 1.280000e+02 : f32
    %div3A_21 = vector.broadcast %div3A_20 : f32 to vector<1000x1xf32>
    %div3A_22 = arith.divf %broadcast_in_dim3A_19, %div3A_21 : vector<1000x1xf32>
    %add3A_23 = arith.constant 9.99999974E-6 : f32
    %add3A_24 = vector.broadcast %add3A_23 : f32 to vector<1000x1xf32>
    %add3A_25 = arith.addf %div3A_22, %add3A_24 : vector<1000x1xf32>
    %rsqrt3A = math.rsqrt %add3A_25 : vector<1000x1xf32>
    %mul3A_26 = vector.broadcast %rsqrt3A : vector<1000x1xf32> to vector<1000x128xf32>
    %mul3A_27 = arith.mulf %sub3A_16, %mul3A_26 : vector<1000x128xf32>
    %get3A_28 = arith.constant 0 : index
    %get3A_29 = arith.constant 0 : index
    %get3A_30 = vector.load %arg6[%get3A_28, %get3A_29] : memref<1x128xf32, #tpu.memory_space<vmem>>, vector<1x128xf32>
    %mul3A_31 = vector.broadcast %get3A_30 : vector<1x128xf32> to vector<1000x128xf32>
    %mul3A_32 = arith.mulf %mul3A_27, %mul3A_31 : vector<1000x128xf32>
    %get3A_33 = arith.constant 0 : index
    %get3A_34 = arith.constant 0 : index
    %get3A_35 = vector.load %arg7[%get3A_33, %get3A_34] : memref<1x128xf32, #tpu.memory_space<vmem>>, vector<1x128xf32>
    %add3A_36 = vector.broadcast %get3A_35 : vector<1x128xf32> to vector<1000x128xf32>
    %add3A_37 = arith.addf %mul3A_32, %add3A_36 : vector<1000x128xf32>
    %get3A_38 = arith.constant 0 : index
    %get3A_39 = arith.constant 0 : index
    %get3A_40 = vector.load %arg1[%get3A_38, %get3A_39] : memref<1000x128xf32, #tpu.memory_space<vmem>>, vector<1000x128xf32>
    %max3A = arith.constant 0.000000e+00 : f32
    %max3A_41 = vector.broadcast %max3A : f32 to vector<1000x128xf32>
    %max3A_42 = arith.maximumf %add3A_37, %max3A_41 : vector<1000x128xf32>
    %add3A_43 = arith.addf %get3A_40, %max3A_42 : vector<1000x128xf32>
    %swap3A = arith.constant 0 : index
    %swap3A_44 = arith.constant 0 : index
    %swap3A_45 = vector.load %arg8[%swap3A, %swap3A_44] : memref<1000x128xf32, #tpu.memory_space<vmem>>, vector<1000x128xf32>
    tpu.vector_store %arg8[%swap3A, %swap3A_44], %add3A_43 {strides = array<i32>} : memref<1000x128xf32, #tpu.memory_space<vmem>>, vector<1000x128xf32>,
    return
  }
  func.func @transform_0(%arg0: i32) -> (i32, i32) {
    %c0_i32 = arith.constant 0 : i32
    %c0_i32_0 = arith.constant 0 : i32
    return %arg0, %c0_i32 : i32, i32
  }
  func.func @transform_1(%arg0: i32) -> (i32, i32) {
    %c0_i32 = arith.constant 0 : i32
    %c0_i32_0 = arith.constant 0 : i32
    return %arg0, %c0_i32 : i32, i32
  }
  func.func @transform_2(%arg0: i32) -> (i32, i32) {
    %c0_i32 = arith.constant 0 : i32
    %c0_i32_0 = arith.constant 0 : i32
    return %arg0, %c0_i32 : i32, i32
  }
  func.func @transform_3(%arg0: i32) -> (i32, i32) {
    %c0_i32 = arith.constant 0 : i32
    %c0_i32_0 = arith.constant 0 : i32
    return %arg0, %c0_i32 : i32, i32
  }
  func.func @transform_4(%arg0: i32) -> (i32, i32) {
    %c0_i32 = arith.constant 0 : i32
    %c0_i32_0 = arith.constant 0 : i32
    %c0_i32_1 = arith.constant 0 : i32
    return %c0_i32, %c0_i32_0 : i32, i32
  }
  func.func @transform_5(%arg0: i32) -> (i32, i32) {
    %c0_i32 = arith.constant 0 : i32
    %c0_i32_0 = arith.constant 0 : i32
    %c0_i32_1 = arith.constant 0 : i32
    return %c0_i32, %c0_i32_0 : i32, i32
  }
  func.func @transform_6(%arg0: i32) -> (i32, i32) {
    %c0_i32 = arith.constant 0 : i32
    %c0_i32_0 = arith.constant 0 : i32
    %c0_i32_1 = arith.constant 0 : i32
    return %c0_i32, %c0_i32_0 : i32, i32
  }
  func.func @transform_7(%arg0: i32) -> (i32, i32) {
    %c0_i32 = arith.constant 0 : i32
    %c0_i32_0 = arith.constant 0 : i32
    return %arg0, %c0_i32 : i32, i32
  }
}

</mosaic_0001>

<sc_bundles>
// kernel: kernel.11.cloned.1.call-start
scs
__scs_entry_jumppad:
0x0: {  	(pc) =	sbr.rel $0x88, $3  }
0x1: {  	(tag) =	ssettag $0x0;
	lr =	simm.s32 $0x1  }
0x2: {  	[smem:$0x3F94] =	sst lr;
	_ =	strace $0xD0000000  }
0x3: {  	_ = 	snop  }
0x4: {  	_ = 	snop  }
0x5: {  	_ = 	snop  }
0x6: {  	_ = 	snop  }
0x7: {  	_ = 	snop  }
__scs_overlays_trampoline_lowered:
0x8: {  	[smem:$0x3FA3] =	sst s0  }
0x9: {  	[smem:$0x3FA4] =	sst s1  }
0xa: {  	[smem:$0x3FA5] =	sst s2  }
0xb: {  	[smem:$0x3FA6] =	sst s3  }
0xc: {  	[smem:$0x3FA7] =	sst s4  }
0xd: {  	[smem:$0x3FA8] =	sst s5  }
0xe: {  	[smem:$0x3FA9] =	sst s6  }
0xf: {  	[smem:$0x3FAA] =	sst s7  }
0x10: {  	[smem:$0x3FAB] =	sst s8  }
0x11: {  	[smem:$0x3FAC] =	sst s9;
	s0 =	simm.s32 @!p0 $0x0  }
0x12: {  	s1 =	sld [smem:$0x3F92];
	s0 =	simm.s32 @p0 $0x1  }
0x13: {  	[smem:$0x3FAD] =	sst s0;
	s0 =	simm.s32 @!p1 $0x0  }
0x14: {  	s2 =	sld [smem:$0x3F91];
	s0 =	simm.s32 @p1 $0x1  }
0x15: {  	[smem:$0x3FAE] =	sst s0;
	s0 =	simm.s32 @!p2 $0x0  }
0x16: {  	s3 =	sld [smem:$0x3FDB];
	s0 =	simm.s32 @p2 $0x1  }
0x17: {  	s4 =	simm.s32 $0x1BF5;
	[smem:$0x3FB0] =	sst s0  }
0x18: {  	s0 =	sld [smem:$0x3F93];
	_ =	swait.ge [sflag:s4], $0x0  }
0x19: {  	s7 =	sld [smem:$0x3F94]  }
0x1a: {  	s8 =	sadd.s32 $0xFFFFE003, lr  }
0x1b: {  	s9 =	sadd.s32 $0xFFFFFEF7, lr;
	s5 =	simm.s32 $0xFFFFFFFF;
	p2 =	slt.u32 s8, $0xFFFFF086  }
0x1c: {  	p1 =	slt.u32 s9, $0xF7A;
	s5 =	simm.s32 @!p2 $0x0  }
0x1d: {  	s5 =	simm.s32 @p1 $0x1;
	p0 =	seq.s32 s7, s2  }
0x1e: {  	s7 =	smul.u32 @!p0 $0xF7A, s2;
	p2 =	seq.s32 @!p0 s5, $0x0  }
0x1f: {  	s9 =	smul.u32 $0xF7A, s1;
	s8 =	simm.s32 @!p0 $0x1BF5;
	p2 =	por !p2, p0  }
0x20: {  	[sflag:s8] =	ssyncset.s32 @!p0 $0xFFFFF086;
	s6 =	sadd.s32 @!p0 s3, s7;
	s7 =	simm.s32 @!p0 $0x108  }
0x21: {  	s3 =	sadd.s32 s3, s9;
	s6 =	sadd.s32 @!p0 $0x88, s6;
	s7 =	simm.s32 @p2 $0x1082  }
0x22: {  	[simem:s7], [sflag:s8] =	dma.local @!p0 [hbm:s6], $0xF7A  }
0x23: {  	s9 =	sor.u32 $0xD0000000, s2;
	s6 =	simm.s32 $0x108;
	_ =	swait.ge @!p0 [sflag:s8], $0x0  }
0x24: {  	s3 =	sadd.s32 $0x88, s3;
	s6 =	simm.s32 @!p1 $0x1082;
	[sflag:s4] =	ssyncset.s32 $0xFFFFF086  }
0x25: {  	[simem:s6], [sflag:s4] =	dma.local [hbm:s3], $0xF7A  }
0x26: {  	[smem:$0x3F94] =	sst s1;
	(tag) =	ssettag s2;
	_ =	strace s9  }
0x27: {  	s1 =	sld [smem:$0x3FA4]  }
0x28: {  	s2 =	sld [smem:$0x3FA5]  }
0x29: {  	s4 =	sld [smem:$0x3FA7]  }
0x2a: {  	p0 =	seq.s32 s5, $0x0;
	s5 =	sld [smem:$0x3FA8]  }
0x2b: {  	s6 =	sld [smem:$0x3FA9]  }
0x2c: {  	s7 =	sld [smem:$0x3FAA]  }
0x2d: {  	s3 =	simm.s32 $0x108;
	s8 =	sld [smem:$0x3FAB]  }
0x2e: {  	s3 =	simm.s32 @!p0 $0x1082;
	s9 =	sld [smem:$0x3FAC]  }
0x2f: {  	lr =	sadd.s32 s0, s3;
	s0 =	sld [smem:$0x3FA3]  }
0x30: {  	s3 =	sld [smem:$0x3FA6]  }
0x31: {  	[smem:$0x3FAF] =	sst s10  }
0x32: {  	s10 =	sld [smem:$0x3FAD];
	_ =	sdelay $0x3  }
0x33: {  	p0 =	seq.s32 s10, $0x1;
	s10 =	sld [smem:$0x3FAF];
	_ =	sdelay $0x3  }
0x34: {  	[smem:$0x3FAF] =	sst s10  }
0x35: {  	s10 =	sld [smem:$0x3FAE];
	_ =	sdelay $0x3  }
0x36: {  	p1 =	seq.s32 s10, $0x1;
	s10 =	sld [smem:$0x3FAF];
	_ =	sdelay $0x3  }
0x37: {  	[smem:$0x3FAF] =	sst s10  }
0x38: {  	s10 =	sld [smem:$0x3FB0]  }
0x39: {  	_ = 	snop;
	(pc) =	sbr.ind lr, $3  }
0x3a: {  	_ = 	snop  }
0x3b: {  	_ = 	snop  }
0x3c: {  	p2 =	seq.s32 s10, $0x1;
	s10 =	sld [smem:$0x3FAF]  }
0x3d: {  	_ =	shalt  }
0x3e: {  	_ =	shalt  }
0x3f: {  	_ =	shalt  }
0x40: {  	_ =	shalt  }
0x41: {  	_ =	shalt  }
0x42: {  	_ =	shalt  }
0x43: {  	_ =	shalt  }
0x44: {  	_ =	shalt  }
0x45: {  	_ =	shalt  }
0x46: {  	_ =	shalt  }
0x47: {  	_ =	shalt  }
0x48: {  	_ =	shalt  }
0x49: {  	_ =	shalt  }
0x4a: {  	_ =	shalt  }
0x4b: {  	_ =	shalt  }
0x4c: {  	_ =	shalt  }
0x4d: {  	_ =	shalt  }
0x4e: {  	_ =	shalt  }
0x4f: {  	_ =	shalt  }
0x50: {  	_ =	shalt  }
0x51: {  	_ =	shalt  }
0x52: {  	_ =	shalt  }
0x53: {  	_ =	shalt  }
0x54: {  	_ =	shalt  }
0x55: {  	_ =	shalt  }
0x56: {  	_ =	shalt  }
0x57: {  	_ =	shalt  }
0x58: {  	_ =	shalt  }
0x59: {  	_ =	shalt  }
0x5a: {  	_ =	shalt  }
0x5b: {  	_ =	shalt  }
0x5c: {  	_ =	shalt  }
0x5d: {  	_ =	shalt  }
0x5e: {  	_ =	shalt  }
0x5f: {  	_ =	shalt  }
0x60: {  	_ =	shalt  }
0x61: {  	_ =	shalt  }
0x62: {  	_ =	shalt  }
0x63: {  	_ =	shalt  }
0x64: {  	_ =	shalt  }
0x65: {  	_ =	shalt  }
0x66: {  	_ =	shalt  }
0x67: {  	_ =	shalt  }
0x68: {  	_ =	shalt  }
0x69: {  	_ =	shalt  }
0x6a: {  	_ =	shalt  }
0x6b: {  	_ =	shalt  }
0x6c: {  	_ =	shalt  }
0x6d: {  	_ =	shalt  }
0x6e: {  	_ =	shalt  }
0x6f: {  	_ =	shalt  }
0x70: {  	_ =	shalt  }
0x71: {  	_ =	shalt  }
0x72: {  	_ =	shalt  }
0x73: {  	_ =	shalt  }
0x74: {  	_ =	shalt  }
0x75: {  	_ =	shalt  }
0x76: {  	_ =	shalt  }
0x77: {  	_ =	shalt  }
0x78: {  	_ =	shalt  }
0x79: {  	_ =	shalt  }
0x7a: {  	_ =	shalt  }
0x7b: {  	_ =	shalt  }
0x7c: {  	_ =	shalt  }
0x7d: {  	_ =	shalt  }
0x7e: {  	_ =	shalt  }
0x7f: {  	_ =	shalt  }
0x80: {  	_ =	shalt  }
0x81: {  	_ =	shalt  }
0x82: {  	_ =	shalt  }
0x83: {  	_ =	shalt  }
0x84: {  	_ =	shalt  }
0x85: {  	_ =	shalt  }
0x86: {  	_ =	shalt  }
0x87: {  	_ =	shalt  }
.Lfunc_end0:
.L_simem_size_0:
called_computation_lowered:
.L_overlay_start_0:
0x88: {  	s2 =	sld [smem:$0x3FD9]  }
0x89: {  	s3 =	sld [smem:$0x3FFE];
	_ =	sdelay $0x1  }
0x8a: {  	s1 =	srdreg.scid  }
0x8b: {  	s0 =	sand.u32 $0x1, s1  }
0x8c: {  	s17 =	sshll.u32 s0, $0xA;
	s2 =	sadd.s32 s3, s2  }
0x8d: {  	s2 =	sadd.s32 s2, s17  }
0x8e: {  	[smem:$0x3FBB] =	sst s2  }
0x8f: {  	_ = 	snop  }
0x90: {  	(tm) =	ssettm $0x1  }
0x91: {  	s18 =	sld [smem:$0x3FFB];
	_ =	sdelay $0x3  }
0x92: {  	_ =	strace s18  }
0x93: {  	s2 =	sld [smem:$0x3FFC];
	_ =	sdelay $0x3  }
0x94: {  	_ =	strace s2  }
0x95: {  	s2 =	sld [smem:$0x3FFD];
	_ =	sdelay $0x3  }
0x96: {  	_ =	strace s2  }
0x97: {  	_ =	strace $0x8FFFFFFF  }
0x98: {  	s19 =	sld [smem:$0x3FDB];
	_ =	sdelay $0x1  }
0x99: {  	s20 =	simm.s32 $_scs_section_size  }
0x9a: {  	s4 =	simm.s32 $_size__tile_overlayer_lowered;
	s5 =	simm.s32 $_tile_overlayer_lowered  }
0x9b: {  	s6 =	simm.s32 $0x1BFF;
	s21 =	sshll.u32 s5, $0x1;
	s3 =	sadd.s32 s20, s19  }
0x9c: {  	s22 =	simm.s32 $0x0;
	s4 =	sshll.u32 s4, $0x1;
	s5 =	sadd.s32 s21, s3  }
0x9d: {  	[timem:s22], [sflag:s6] =	dma.local [hbm:s5], s4  }
0x9e: {  	_ =	swait.ge [sflag:s6], s4  }
0x9f: {  	s4 =	ssub.s32 $0x0, s4;
	[sflag:s6] =	ssyncset.done $0x0  }
0xa0: {  	[sflag:s6] =	ssyncadd.s32 s4;
	_ =	sdelay $0x1  }
0xa1: {  	s23 =	simm.s32 $0x1B8B  }
0xa2: {  	_ =	swait.ge [sflag:s23], $0x1  }
0xa3: {  	[sflag:s23] =	ssyncset.done $0x0  }
0xa4: {  	[sflag:s23] =	ssyncadd.s32 $0xFFFFFFFF  }
0xa5: {  	s4 =	sld [smem:$0x0]  }
0xa6: {  	s5 =	sand.u32 $0xFFFFFFFE, s1  }
0xa7: {  	p0 =	sne.s32 s1, s5  }
0xa8: {  	s5 =	sshll.u32 @p0 s5, $0xE  }
0xa9: {  	s5 =	sadd.s32 @p0 $0x11B8D, s5;
	s6 =	sshll.u32 @p0 s4, $0x11  }
0xaa: {  	s5 =	sor.u32 @p0 s6, s5  }
0xab: {  	[sflag:s5] =	ssyncadd.remote.s32 @p0 $0x1;
	_ =	sdelay $0x1  }
0xac: {  	s5 =	simm.s32 @p0 $0x1B8D  }
0xad: {  	_ =	swait.eq @p0 [sflag:s5], $0x1  }
0xae: {  	[sflag:s5] =	ssyncadd.s32 @p0 $0xFFFFFFFF  }
0xaf: {  	s6 =	sshll.u32 @!p0 s1, $0xE  }
0xb0: {  	s6 =	sor.u32 @!p0 $0x4000, s6;
	s5 =	simm.s32 @!p0 $0x1B8D  }
0xb1: {  	s4 =	sshll.u32 @!p0 s4, $0x11;
	s6 =	sadd.s32 @!p0 $0x11B8D, s6;
	_ =	swait.eq @!p0 [sflag:s5], $0x1  }
0xb2: {  	s4 =	sor.u32 @!p0 s4, s6;
	[sflag:s5] =	ssyncadd.s32 @!p0 $0xFFFFFFFF  }
0xb3: {  	s25 =	simm.s32 $0x1B8E;
	s24 =	sld [smem:$0x3FFE];
	[sflag:s4] =	ssyncadd.remote.s32 @!p0 $0x1  }
0xb4: {  	s26 =	simm.s32 $execute0_lowered;
	[smem:$0x3FD2] =	sst s25  }
0xb5: {  	s5 =	sshll.u32 s26, $0x1;
	_ =	strace $0x80000049;
	[dreg:$0x1] =	wrdreg $0xFFFFFFFF  }
0xb6: {  	s28 =	simm.s32 $_size_execute0_lowered;
	s3 =	sadd.s32 s3, s5;
	[dreg:$0x0] =	wrdreg $0x0  }
0xb7: {  	s5 =	sshll.u32 s28, $0x1;
	[dreg:$0x2] =	wrdreg s3  }
0xb8: {  	[dreg:$0x3] =	wrdreg s5  }
0xb9: {  	[dreg:$0x4] =	wrdreg $0xC0  }
0xba: {  	_ =	task [dreg:s22], $0x5FFFF  }
0xbb: {  	[dreg:$0x1] =	wrdreg $0xFFFFFFFF  }
0xbc: {  	[dreg:$0x0] =	wrdreg $0x60  }
0xbd: {  	[dreg:$0x2] =	wrdreg s24  }
0xbe: {  	[dreg:$0x3] =	wrdreg $0x82000  }
0xbf: {  	[dreg:$0x4] =	wrdreg $0x9  }
0xc0: {  	_ =	task.clear_ibuf [dreg:s22], $0x5FFFF;
	_ =	strace $0x90000049  }
0xc1: {  	s29 =	simm.s32 $0x9;
	_ =	strace $0x8000004B  }
0xc2: {  	_ =	swait.ge [sflag:s29], $0x1  }
0xc3: {  	[sflag:s29] =	ssyncadd.s32 $0xFFFFFFFF  }
0xc4: {  	_ =	strace $0x9000004B  }
0xc5: {  	_ =	sfence  }
0xc6: {  	s30 =	sld [smem:$0x0];
	_ =	sdelay $0x2  }
0xc7: {  	s31 =	sshll.u32 s1, $0xD;
	s1 =	sshrl.u32 s1, $0x2  }
0xc8: {  	s4 =	sand.u32 $0x4000, s31;
	s1 =	sadd.s32 s1, s30  }
0xc9: {  	s0 =	sor.u32 s4, s0;
	s1 =	sshll.u32 s1, $0x11  }
0xca: {  	s0 =	sor.u32 s1, s0  }
0xcb: {  	s0 =	sadd.s32 $0x8F2B, s0  }
0xcc: {  	[sflag:s0] =	ssyncadd.remote.s32 $0x1  }
0xcd: {  	_ =	sfence.sel $0xFFFF  }
0xce: {  	[dreg:$0x0] =	wrdreg $0xFFFFFFFF;
	(pc) =	sbr.abs _section_cstart, $3  }
0xcf: {  	[dreg:$0x1] =	wrdreg $0xFFFFFFFF  }
0xd0: {  	_ =	task.clear_ibuf [dreg:s22], $0x2FFFF;
	_ =	strace $0x9FFFFFFF  }
0xd1: {  	(tm) =	ssettm $0x7FFFFFFF  }
tec
execute0_lowered:
.L_overlay_start_1:
0x0: {  	(tag) =	ssettag $0x1  }
0x1: {  	s5 =	rddreg [dreg:$0x0]  }
0x2: {  	s1 =	rddreg [dreg:$0x1]  }
0x3: {  	s0 =	rddreg [dreg:$0x2];
	s2 =	srdreg.scid  }
0x4: {  	s3 =	simm.s32 $0x0;
	s17 =	simm.s32 $0x1;
	s7 =	sand.u32 $0x1, s2  }
0x5: {  	s18 =	simm.s32 $0x4200;
	s2 =	stileid.u32;
	s6 =	smul.u32 $0x13C000, s7  }
0x6: {  	s19 =	simm.s32 $0x80;
	s20 =	simm.s32 $0x2;
	s8 =	smul.u32 $0x13C00, s2  }
0x7: {  	s21 =	simm.s32 $0x180;
	s22 =	simm.s32 $0x0;
	s12 =	smul.u32 $0x4F000, s2  }
0x8: {  	[smem:$0x7FF] =	sst s3;
	s9 =	sadd.s32 $0xA4F200, s5;
	s25 =	smul.u32 $0x500, s7  }
0x9: {  	s10 =	sadd.s32 $0x81200, s5;
	s4 =	sadd.s32 $0x56A00, s5;
	s29 =	smul.u32 $0x50, s2  }
0xa: {  	_ =	strace $0x8000004A;
	s24 =	sshll.u32 s7, $0x4;
	s30 =	smul.u32 $0xA000, s7  }
0xb: {  	s11 =	ssub.s32 $0x2, s7;
	s28 =	sshll.u32 s2, $0x6;
	s31 =	smul.u32 $0xA00, s2  }
0xc: {  	s13 =	sshrl.u32 s11, $0x1;
	s6 =	sadd.s32 s8, s6;
	s8 =	sor.u32 s2, s24  }
0xd: {  	s11 =	ssub.s32 s11, s13;
	s26 =	sshrl.u32 s12, $0x2;
	s12 =	sadd.s32 s29, s25  }
0xe: {  	s13 =	sadd.s32 s30, s10;
	s6 =	sshrl.u32 s6, $0x3;
	s14 =	smul.u32 $0xA00, s8  }
0xf: {  	s16 =	sadd.s32 s26, s1;
	s8 =	smul.u32 $0x28000, s8;
	s12 =	sshll.u32 s12, $0xB  }
0x10: {  	s13 =	sadd.s32 s31, s13;
	s15 =	sadd.s32 s6, s5;
	s5 =	sor.u32 $0x1C03, s28  }
0x11: {  	s12 =	sadd.s32 s12, s9;
	s6 =	sadd.s32 s10, s14;
	s7 =	sadd.s32 s9, s8  }
0x12: {  	s8 =	sadd.s32 $0x95400, s15;
	s9 =	smax.u32 s11, $0x1;
	s10 =	sadd.s32 $0x1000, s12  }
0x13: {  	s11 =	sadd.s32 $0x800, s12;
	s12 =	sadd.s32 $0x20, s13;
	s13 =	sshrl.u32 s16, $0x3  }
0x14: {  	s14 =	simm.s32 $0x3;
	s15 =	simm.s32 $0x200;
	s16 =	simm.s32 $0x100  }
.LBB2_1:
0x15: {  	[spmem:s13], [sflag:s5] =	dma.local [hbm:s4], $0x2780  }
0x16: {  	_ =	swait.ge [sflag:s14], $0x2780  }
0x17: {  	[sflag:s14] =	ssyncset.done $0x0  }
0x18: {  	[sflag:s14] =	ssyncadd.s32 $0xFFFFD880  }
0x19: {  	[tilespmem:s3], [sflag:$0x3] =	stream.linear.gather [hbm4b:s6+s3], $0x100, $0x38;
	[tilespmem:$0x1BE00] =	vst v63  }
0x1a: {  	_ =	swait.ge [sflag:s14], $0x100  }
0x1b: {  	[sflag:s14] =	ssyncset.done $0x0  }
0x1c: {  	[sflag:s14] =	ssyncadd.s32 $0xFFFFFF00  }
0x1d: {  	[tilespmem:s15], [sflag:$0x1] =	stream.linear.gather [hbm4b:s7+s3], $0x4000, $0x38;
	[tilespmem:$0x1BE00] =	vst v63  }
0x1e: {  	[bflag:$0x0] =	sbarrier.arrive $0xFFFF  }
0x1f: {  	[tilespmem:s16], [sflag:$0x3] =	stream.linear.gather [hbm4b:s12+s3], $0x100, $0x38;
	[tilespmem:$0x1BE00] =	vst v63  }
0x20: {  	_ =	swait.ge [sflag:s14], $0x100  }
0x21: {  	[sflag:s14] =	ssyncset.done $0x0  }
0x22: {  	[sflag:s14] =	ssyncadd.s32 $0xFFFFFF00  }
0x23: {  	_ =	swait.ge [sflag:s17], $0x4000  }
0x24: {  	[sflag:s17] =	ssyncset.done $0x0  }
0x25: {  	s23 =	sadd.s32 $0x0, s11;
	[sflag:s17] =	ssyncadd.s32 $0xFFFFC000  }
0x26: {  	[tilespmem:s18], [sflag:$0x2] =	stream.linear.gather [hbm4b:s23+s3], $0x4000, $0x38;
	[tilespmem:$0x1BE00] =	vst v63  }
0x27: {  	_ = 	snop  }
0x28: {  	[spmem:s1] =	stream.indirect.scatter.add.f32 [tilespmem:s15], [sflag:$0x3], $0x80, s19, s19, $0xb8;
	[tilespmem:$0x1BE00] =	vst v63  }
0x29: {  	_ =	swait.ge [sflag:s14], $0x4000  }
0x2a: {  	[sflag:s14] =	ssyncset.done $0x0  }
0x2b: {  	s30 =	sadd.s32 $0x20, s12;
	[sflag:s14] =	ssyncadd.s32 $0xFFFFC000  }
0x2c: {  	[tilespmem:s3], [sflag:$0x3] =	stream.linear.gather [hbm4b:s30+s3], $0x100, $0x38;
	[tilespmem:$0x1BE00] =	vst v63  }
0x2d: {  	_ =	swait.ge [sflag:s14], $0x100  }
0x2e: {  	[sflag:s14] =	ssyncset.done $0x0  }
0x2f: {  	[sflag:s14] =	ssyncadd.s32 $0xFFFFFF00  }
0x30: {  	_ =	swait.ge [sflag:s20], $0x4000  }
0x31: {  	[sflag:s20] =	ssyncset.done $0x0  }
0x32: {  	s31 =	sadd.s32 $0x0, s10;
	[sflag:s20] =	ssyncadd.s32 $0xFFFFC000  }
0x33: {  	[tilespmem:s15], [sflag:$0x1] =	stream.linear.gather [hbm4b:s31+s3], $0x4000, $0x38;
	[tilespmem:$0x1BE00] =	vst v63  }
0x34: {  	_ = 	snop  }
0x35: {  	[spmem:s1] =	stream.indirect.scatter.add.f32 [tilespmem:s18], [sflag:$0x3], $0x80, s21, s19, $0xb8;
	[tilespmem:$0x1BE00] =	vst v63  }
0x36: {  	_ =	swait.ge [sflag:s14], $0x4000  }
0x37: {  	s24 =	smov.u32 s12;
	s23 =	simm.s32 $0x1000;
	[sflag:s14] =	ssyncset.done $0x0  }
.LBB2_2:
0x38: {  	p0 =	sne.s32 s23, $0x27000;
	[sflag:s14] =	ssyncadd.s32 $0xFFFFC000;
	s24 =	sadd.s32 $0x40, s24  }
0x39: {  	s25 =	smov.u32 s23;
	s23 =	sadd.s32 $0x1000, s23  }
0x3a: {  	[tilespmem:s16], [sflag:$0x3] =	stream.linear.gather [hbm4b:s24+s3], $0x100, $0x38;
	[tilespmem:$0x1BE00] =	vst v63  }
0x3b: {  	_ =	swait.ge [sflag:s14], $0x100  }
0x3c: {  	[sflag:s14] =	ssyncset.done $0x0  }
0x3d: {  	[sflag:s14] =	ssyncadd.s32 $0xFFFFFF00  }
0x3e: {  	_ =	swait.ge [sflag:s17], $0x4000  }
0x3f: {  	[sflag:s17] =	ssyncset.done $0x0  }
0x40: {  	s26 =	sadd.s32 s25, s11;
	[sflag:s17] =	ssyncadd.s32 $0xFFFFC000  }
0x41: {  	[tilespmem:s18], [sflag:$0x2] =	stream.linear.gather [hbm4b:s26+s3], $0x4000, $0x38;
	[tilespmem:$0x1BE00] =	vst v63  }
0x42: {  	_ = 	snop  }
0x43: {  	[spmem:s1] =	stream.indirect.scatter.add.f32 [tilespmem:s15], [sflag:$0x3], $0x80, s19, s19, $0xb8;
	[tilespmem:$0x1BE00] =	vst v63  }
0x44: {  	_ =	swait.ge [sflag:s14], $0x4000  }
0x45: {  	[sflag:s14] =	ssyncset.done $0x0  }
0x46: {  	s26 =	sadd.s32 $0x20, s24;
	[sflag:s14] =	ssyncadd.s32 $0xFFFFC000  }
0x47: {  	[tilespmem:s3], [sflag:$0x3] =	stream.linear.gather [hbm4b:s26+s3], $0x100, $0x38;
	[tilespmem:$0x1BE00] =	vst v63  }
0x48: {  	_ =	swait.ge [sflag:s14], $0x100  }
0x49: {  	[sflag:s14] =	ssyncset.done $0x0  }
0x4a: {  	[sflag:s14] =	ssyncadd.s32 $0xFFFFFF00  }
0x4b: {  	_ =	swait.ge [sflag:s20], $0x4000  }
0x4c: {  	[sflag:s20] =	ssyncset.done $0x0  }
0x4d: {  	s25 =	sadd.s32 s25, s10;
	[sflag:s20] =	ssyncadd.s32 $0xFFFFC000  }
0x4e: {  	[tilespmem:s15], [sflag:$0x1] =	stream.linear.gather [hbm4b:s25+s3], $0x4000, $0x38;
	[tilespmem:$0x1BE00] =	vst v63  }
.Ltmp0:
0x4f: {  	_ = 	snop;
	(pc) =	sbr.rel @p0 .LBB2_2-.Ltmp0, $4  }
0x50: {  	_ = 	snop  }
0x51: {  	[spmem:s1] =	stream.indirect.scatter.add.f32 [tilespmem:s18], [sflag:$0x3], $0x80, s21, s19, $0xb8;
	[tilespmem:$0x1BE00] =	vst v63  }
0x52: {  	_ =	swait.ge [sflag:s14], $0x4000  }
0x53: {  	[sflag:s14] =	ssyncset.done $0x0  }
0x54: {  	[sflag:s14] =	ssyncadd.s32 $0xFFFFC000  }
0x55: {  	_ =	swait.ge [sflag:s17], $0x4000  }
0x56: {  	s22 =	sadd.s32 $0x1, s22;
	[sflag:s17] =	ssyncset.done $0x0  }
0x57: {  	p0 =	sne.s32 s22, s9;
	[sflag:s17] =	ssyncadd.s32 $0xFFFFC000  }
.Ltmp1:
0x58: {  	[bflag:$0x0] =	sbarrier.arrive $0xFFFF;
	(pc) =	sbr.rel @p0 .LBB2_1-.Ltmp1, $4  }
0x59: {  	[hbm:s8], [sflag:s5] =	dma.local [spmem:s13], $0x2780  }
0x5a: {  	_ =	swait.ge [sflag:s14], $0x2780  }
0x5b: {  	[sflag:s14] =	ssyncset.done $0x0  }
0x5c: {  	[sflag:s14] =	ssyncadd.s32 $0xFFFFD880  }
0x5d: {  	_ =	sfence.sel $0x180000  }
0x5e: {  	[bflag:$0x0] =	sbarrier.arrive $0xFFFF  }
0x5f: {  	p0 =	sne.s32 s2, $0x0;
	_ =	strace $0x9000004A  }
0x60: {  	s0 =	sadd.s32 @!p0 $0x100000, s0;
	[bflag:$0x2] =	sbarrier.arrive $0xFFFF  }
0x61: {  	[sflag:s0] =	ssyncadd.tile.s32 @!p0 $0x1;
	_ =	shalt  }
.Lfunc_end2:
_tile_overlayer_lowered:
.L_overlay_start_2:
0x62: {  	(tag) =	ssettag $0x2  }
0x63: {  	s0 =	rddreg [dreg:$0x0];
	s2 =	stileid.u32  }
0x64: {  	s1 =	rddreg [dreg:$0x1];
	p0 =	sne.s32 s2, $0x0  }
0x65: {  	s3 =	rddreg [dreg:$0x2];
	[bflag:$0x3] =	sbarrier.arrive $0xFFFF;
	s2 =	simm.s32 @!p0 $0x1C03  }
0x66: {  	[timem:s3], [sflag:s2] =	dma.local @!p0 [hbm:s0], s1  }
0x67: {  	s0 =	simm.s32 @!p0 $0x3  }
0x68: {  	_ =	swait.ge @!p0 [sflag:s0], s1  }
0x69: {  	s1 =	ssub.s32 @!p0 $0x0, s1;
	[sflag:s0] =	ssyncset.done @!p0 $0x0  }
0x6a: {  	[sflag:s0] =	ssyncadd.s32 @!p0 s1  }
0x6b: {  	[bflag:$0x3] =	sbarrier.arrive $0xFFFF  }
0x6c: {  	_ =	shalt  }

// kernel: kernel.14.cloned.1.call-start
scs
__scs_entry_jumppad:
0x0: {  	(pc) =	sbr.rel $0x88, $3  }
0x1: {  	(tag) =	ssettag $0x0;
	lr =	simm.s32 $0x1  }
0x2: {  	[smem:$0x3F94] =	sst lr;
	_ =	strace $0xD0000000  }
0x3: {  	_ = 	snop  }
0x4: {  	_ = 	snop  }
0x5: {  	_ = 	snop  }
0x6: {  	_ = 	snop  }
0x7: {  	_ = 	snop  }
__scs_overlays_trampoline_lowered:
0x8: {  	[smem:$0x3FA3] =	sst s0  }
0x9: {  	[smem:$0x3FA4] =	sst s1  }
0xa: {  	[smem:$0x3FA5] =	sst s2  }
0xb: {  	[smem:$0x3FA6] =	sst s3  }
0xc: {  	[smem:$0x3FA7] =	sst s4  }
0xd: {  	[smem:$0x3FA8] =	sst s5  }
0xe: {  	[smem:$0x3FA9] =	sst s6  }
0xf: {  	[smem:$0x3FAA] =	sst s7  }
0x10: {  	[smem:$0x3FAB] =	sst s8  }
0x11: {  	[smem:$0x3FAC] =	sst s9;
	s0 =	simm.s32 @!p0 $0x0  }
0x12: {  	s1 =	sld [smem:$0x3F92];
	s0 =	simm.s32 @p0 $0x1  }
0x13: {  	[smem:$0x3FAD] =	sst s0;
	s0 =	simm.s32 @!p1 $0x0  }
0x14: {  	s2 =	sld [smem:$0x3F91];
	s0 =	simm.s32 @p1 $0x1  }
0x15: {  	[smem:$0x3FAE] =	sst s0;
	s0 =	simm.s32 @!p2 $0x0  }
0x16: {  	s3 =	sld [smem:$0x3FDB];
	s0 =	simm.s32 @p2 $0x1  }
0x17: {  	s4 =	simm.s32 $0x1BF5;
	[smem:$0x3FB0] =	sst s0  }
0x18: {  	s0 =	sld [smem:$0x3F93];
	_ =	swait.ge [sflag:s4], $0x0  }
0x19: {  	s7 =	sld [smem:$0x3F94]  }
0x1a: {  	s8 =	sadd.s32 $0xFFFFE003, lr  }
0x1b: {  	s9 =	sadd.s32 $0xFFFFFEF7, lr;
	s5 =	simm.s32 $0xFFFFFFFF;
	p2 =	slt.u32 s8, $0xFFFFF086  }
0x1c: {  	p1 =	slt.u32 s9, $0xF7A;
	s5 =	simm.s32 @!p2 $0x0  }
0x1d: {  	s5 =	simm.s32 @p1 $0x1;
	p0 =	seq.s32 s7, s2  }
0x1e: {  	s7 =	smul.u32 @!p0 $0xF7A, s2;
	p2 =	seq.s32 @!p0 s5, $0x0  }
0x1f: {  	s9 =	smul.u32 $0xF7A, s1;
	s8 =	simm.s32 @!p0 $0x1BF5;
	p2 =	por !p2, p0  }
0x20: {  	[sflag:s8] =	ssyncset.s32 @!p0 $0xFFFFF086;
	s6 =	sadd.s32 @!p0 s3, s7;
	s7 =	simm.s32 @!p0 $0x108  }
0x21: {  	s3 =	sadd.s32 s3, s9;
	s6 =	sadd.s32 @!p0 $0x88, s6;
	s7 =	simm.s32 @p2 $0x1082  }
0x22: {  	[simem:s7], [sflag:s8] =	dma.local @!p0 [hbm:s6], $0xF7A  }
0x23: {  	s9 =	sor.u32 $0xD0000000, s2;
	s6 =	simm.s32 $0x108;
	_ =	swait.ge @!p0 [sflag:s8], $0x0  }
0x24: {  	s3 =	sadd.s32 $0x88, s3;
	s6 =	simm.s32 @!p1 $0x1082;
	[sflag:s4] =	ssyncset.s32 $0xFFFFF086  }
0x25: {  	[simem:s6], [sflag:s4] =	dma.local [hbm:s3], $0xF7A  }
0x26: {  	[smem:$0x3F94] =	sst s1;
	(tag) =	ssettag s2;
	_ =	strace s9  }
0x27: {  	s1 =	sld [smem:$0x3FA4]  }
0x28: {  	s2 =	sld [smem:$0x3FA5]  }
0x29: {  	s4 =	sld [smem:$0x3FA7]  }
0x2a: {  	p0 =	seq.s32 s5, $0x0;
	s5 =	sld [smem:$0x3FA8]  }
0x2b: {  	s6 =	sld [smem:$0x3FA9]  }
0x2c: {  	s7 =	sld [smem:$0x3FAA]  }
0x2d: {  	s3 =	simm.s32 $0x108;
	s8 =	sld [smem:$0x3FAB]  }
0x2e: {  	s3 =	simm.s32 @!p0 $0x1082;
	s9 =	sld [smem:$0x3FAC]  }
0x2f: {  	lr =	sadd.s32 s0, s3;
	s0 =	sld [smem:$0x3FA3]  }
0x30: {  	s3 =	sld [smem:$0x3FA6]  }
0x31: {  	[smem:$0x3FAF] =	sst s10  }
0x32: {  	s10 =	sld [smem:$0x3FAD];
	_ =	sdelay $0x3  }
0x33: {  	p0 =	seq.s32 s10, $0x1;
	s10 =	sld [smem:$0x3FAF];
	_ =	sdelay $0x3  }
0x34: {  	[smem:$0x3FAF] =	sst s10  }
0x35: {  	s10 =	sld [smem:$0x3FAE];
	_ =	sdelay $0x3  }
0x36: {  	p1 =	seq.s32 s10, $0x1;
	s10 =	sld [smem:$0x3FAF];
	_ =	sdelay $0x3  }
0x37: {  	[smem:$0x3FAF] =	sst s10  }
0x38: {  	s10 =	sld [smem:$0x3FB0]  }
0x39: {  	_ = 	snop;
	(pc) =	sbr.ind lr, $3  }
0x3a: {  	_ = 	snop  }
0x3b: {  	_ = 	snop  }
0x3c: {  	p2 =	seq.s32 s10, $0x1;
	s10 =	sld [smem:$0x3FAF]  }
0x3d: {  	_ =	shalt  }
0x3e: {  	_ =	shalt  }
0x3f: {  	_ =	shalt  }
0x40: {  	_ =	shalt  }
0x41: {  	_ =	shalt  }
0x42: {  	_ =	shalt  }
0x43: {  	_ =	shalt  }
0x44: {  	_ =	shalt  }
0x45: {  	_ =	shalt  }
0x46: {  	_ =	shalt  }
0x47: {  	_ =	shalt  }
0x48: {  	_ =	shalt  }
0x49: {  	_ =	shalt  }
0x4a: {  	_ =	shalt  }
0x4b: {  	_ =	shalt  }
0x4c: {  	_ =	shalt  }
0x4d: {  	_ =	shalt  }
0x4e: {  	_ =	shalt  }
0x4f: {  	_ =	shalt  }
0x50: {  	_ =	shalt  }
0x51: {  	_ =	shalt  }
0x52: {  	_ =	shalt  }
0x53: {  	_ =	shalt  }
0x54: {  	_ =	shalt  }
0x55: {  	_ =	shalt  }
0x56: {  	_ =	shalt  }
0x57: {  	_ =	shalt  }
0x58: {  	_ =	shalt  }
0x59: {  	_ =	shalt  }
0x5a: {  	_ =	shalt  }
0x5b: {  	_ =	shalt  }
0x5c: {  	_ =	shalt  }
0x5d: {  	_ =	shalt  }
0x5e: {  	_ =	shalt  }
0x5f: {  	_ =	shalt  }
0x60: {  	_ =	shalt  }
0x61: {  	_ =	shalt  }
0x62: {  	_ =	shalt  }
0x63: {  	_ =	shalt  }
0x64: {  	_ =	shalt  }
0x65: {  	_ =	shalt  }
0x66: {  	_ =	shalt  }
0x67: {  	_ =	shalt  }
0x68: {  	_ =	shalt  }
0x69: {  	_ =	shalt  }
0x6a: {  	_ =	shalt  }
0x6b: {  	_ =	shalt  }
0x6c: {  	_ =	shalt  }
0x6d: {  	_ =	shalt  }
0x6e: {  	_ =	shalt  }
0x6f: {  	_ =	shalt  }
0x70: {  	_ =	shalt  }
0x71: {  	_ =	shalt  }
0x72: {  	_ =	shalt  }
0x73: {  	_ =	shalt  }
0x74: {  	_ =	shalt  }
0x75: {  	_ =	shalt  }
0x76: {  	_ =	shalt  }
0x77: {  	_ =	shalt  }
0x78: {  	_ =	shalt  }
0x79: {  	_ =	shalt  }
0x7a: {  	_ =	shalt  }
0x7b: {  	_ =	shalt  }
0x7c: {  	_ =	shalt  }
0x7d: {  	_ =	shalt  }
0x7e: {  	_ =	shalt  }
0x7f: {  	_ =	shalt  }
0x80: {  	_ =	shalt  }
0x81: {  	_ =	shalt  }
0x82: {  	_ =	shalt  }
0x83: {  	_ =	shalt  }
0x84: {  	_ =	shalt  }
0x85: {  	_ =	shalt  }
0x86: {  	_ =	shalt  }
0x87: {  	_ =	shalt  }
.Lfunc_end0:
.L_simem_size_0:
called_computation.1_lowered:
.L_overlay_start_0:
0x88: {  	s2 =	sld [smem:$0x3FD9]  }
0x89: {  	s3 =	sld [smem:$0x3FFE];
	_ =	sdelay $0x1  }
0x8a: {  	s1 =	srdreg.scid  }
0x8b: {  	s0 =	sand.u32 $0x1, s1  }
0x8c: {  	s16 =	sshll.u32 s0, $0xA;
	s2 =	sadd.s32 s3, s2  }
0x8d: {  	s2 =	sadd.s32 s2, s16  }
0x8e: {  	[smem:$0x3FBB] =	sst s2  }
0x8f: {  	_ = 	snop  }
0x90: {  	(tm) =	ssettm $0x1  }
0x91: {  	s17 =	sld [smem:$0x3FFB];
	_ =	sdelay $0x3  }
0x92: {  	_ =	strace s17  }
0x93: {  	s2 =	sld [smem:$0x3FFC];
	_ =	sdelay $0x3  }
0x94: {  	_ =	strace s2  }
0x95: {  	s2 =	sld [smem:$0x3FFD];
	_ =	sdelay $0x3  }
0x96: {  	_ =	strace s2  }
0x97: {  	_ =	strace $0x8FFFFFFF  }
0x98: {  	s18 =	sld [smem:$0x3FDB];
	_ =	sdelay $0x1  }
0x99: {  	s19 =	simm.s32 $_scs_section_size  }
0x9a: {  	s4 =	simm.s32 $_size__tile_overlayer_lowered;
	s5 =	simm.s32 $_tile_overlayer_lowered  }
0x9b: {  	s22 =	simm.s32 $0x1BFF;
	s21 =	sshll.u32 s5, $0x1;
	s2 =	sadd.s32 s19, s18  }
0x9c: {  	s6 =	simm.s32 $0x0;
	s20 =	sshll.u32 s4, $0x1;
	s4 =	sadd.s32 s21, s2  }
0x9d: {  	[timem:s6], [sflag:s22] =	dma.local [hbm:s4], s20  }
0x9e: {  	_ =	swait.ge [sflag:s22], s20  }
0x9f: {  	s3 =	ssub.s32 $0x0, s20;
	[sflag:s22] =	ssyncset.done $0x0  }
0xa0: {  	[sflag:s22] =	ssyncadd.s32 s3;
	_ =	sdelay $0x1  }
0xa1: {  	s23 =	simm.s32 $0x1B8B  }
0xa2: {  	_ =	swait.ge [sflag:s23], $0x1  }
0xa3: {  	[sflag:s23] =	ssyncset.done $0x0  }
0xa4: {  	s25 =	simm.s32 $0x1B8E;
	s24 =	sld [smem:$0x3FFE];
	[sflag:s23] =	ssyncadd.s32 $0xFFFFFFFF  }
0xa5: {  	s26 =	simm.s32 $execute0_lowered;
	[smem:$0x3FD2] =	sst s25  }
0xa6: {  	s4 =	sshll.u32 s26, $0x1;
	_ =	strace $0x80000046;
	[dreg:$0x1] =	wrdreg $0xFFFFFFFF  }
0xa7: {  	s28 =	simm.s32 $_size_execute0_lowered;
	s2 =	sadd.s32 s2, s4;
	[dreg:$0x0] =	wrdreg $0x0  }
0xa8: {  	s4 =	sshll.u32 s28, $0x1;
	[dreg:$0x2] =	wrdreg s2  }
0xa9: {  	[dreg:$0x3] =	wrdreg s4  }
0xaa: {  	[dreg:$0x4] =	wrdreg $0xC0  }
0xab: {  	_ =	task [dreg:s6], $0x5FFFF  }
0xac: {  	[dreg:$0x1] =	wrdreg $0xFFFFFFFF  }
0xad: {  	[dreg:$0x0] =	wrdreg $0x60  }
0xae: {  	[dreg:$0x2] =	wrdreg s24  }
0xaf: {  	[dreg:$0x3] =	wrdreg $0x22800  }
0xb0: {  	[dreg:$0x4] =	wrdreg $0x15E800  }
0xb1: {  	[dreg:$0x5] =	wrdreg $0xA  }
0xb2: {  	_ =	task.clear_ibuf [dreg:s6], $0x6FFFF;
	_ =	strace $0x90000046  }
0xb3: {  	s29 =	simm.s32 $0xA;
	_ =	strace $0x80000048  }
0xb4: {  	_ =	swait.ge [sflag:s29], $0x1  }
0xb5: {  	[sflag:s29] =	ssyncadd.s32 $0xFFFFFFFF  }
0xb6: {  	_ =	strace $0x90000048  }
0xb7: {  	_ =	sfence  }
0xb8: {  	s30 =	sld [smem:$0x0];
	_ =	sdelay $0x2  }
0xb9: {  	s31 =	sshll.u32 s1, $0xD;
	s1 =	sshrl.u32 s1, $0x2  }
0xba: {  	s3 =	sand.u32 $0x4000, s31;
	s1 =	sadd.s32 s1, s30  }
0xbb: {  	s0 =	sor.u32 s3, s0;
	s1 =	sshll.u32 s1, $0x11  }
0xbc: {  	s0 =	sor.u32 s1, s0  }
0xbd: {  	s0 =	sadd.s32 $0x8F2B, s0  }
0xbe: {  	[sflag:s0] =	ssyncadd.remote.s32 $0x1  }
0xbf: {  	_ =	sfence.sel $0xFFFF  }
0xc0: {  	[dreg:$0x0] =	wrdreg $0xFFFFFFFF;
	(pc) =	sbr.abs _section_cstart, $3  }
0xc1: {  	[dreg:$0x1] =	wrdreg $0xFFFFFFFF  }
0xc2: {  	_ =	task.clear_ibuf [dreg:s6], $0x2FFFF;
	_ =	strace $0x9FFFFFFF  }
0xc3: {  	(tm) =	ssettm $0x7FFFFFFF  }
tec
execute0_lowered:
.L_overlay_start_1:
0x0: {  	(tag) =	ssettag $0x1  }
0x1: {  	s6 =	rddreg [dreg:$0x0]  }
0x2: {  	s0 =	stileid.u32;
	s2 =	rddreg [dreg:$0x1]  }
0x3: {  	s1 =	srdreg.scid;
	s3 =	rddreg [dreg:$0x2];
	s4 =	simm.s32 $0x0  }
0x4: {  	s17 =	simm.s32 $0x280;
	s18 =	simm.s32 $0x3;
	s5 =	smul.u32 $0x2780, s0  }
0x5: {  	s19 =	simm.s32 $0x200;
	s20 =	simm.s32 $0x2;
	s8 =	smul.u32 $0xA000, s0  }
0x6: {  	s9 =	sand.u32 $0x1, s1;
	s1 =	rddreg [dreg:$0x3];
	s11 =	smul.u32 $0x4F000, s0  }
0x7: {  	s21 =	simm.s32 $0x0;
	[smem:$0x7FF] =	sst s4;
	s29 =	smul.u32 $0x28000, s0  }
0x8: {  	s30 =	sshll.u32 s0, $0x6;
	s7 =	smul.u32 $0xA0000, s9;
	_ =	strace $0x80000047  }
0x9: {  	s25 =	ssub.s32 $0x2, s9;
	s16 =	smul.u32 $0x13C0, s9;
	s10 =	sadd.s32 s5, s6  }
0xa: {  	s5 =	sadd.s32 $0x56A00, s6;
	s26 =	sshrl.u32 s25, $0x1;
	s28 =	sshrl.u32 s11, $0x2  }
0xb: {  	s31 =	sshrl.u32 s29, $0x2;
	s24 =	sadd.s32 s8, s7;
	s13 =	ssub.s32 s25, s26  }
0xc: {  	s14 =	sadd.s32 s28, s2;
	s8 =	sor.u32 $0x1C04, s30;
	s15 =	sadd.s32 s31, s3  }
0xd: {  	v0 =	vmov s16;
	s16 =	simm.s32 $0x40;
	s7 =	sshrl.u32 s24, $0x3;
	s11 =	sshrl.u32 s14, $0x3  }
0xe: {  	v4 =	vlaneseq.u32;
	s14 =	simm.s32 $0x1;
	s12 =	sadd.s32 s7, s6;
	s6 =	sadd.s32 $0x7800, s10  }
0xf: {  	v1 =	vor.u32 $0x13C0, v4;
	s7 =	sadd.s32 $0x2F200, s10;
	s10 =	smax.u32 s13, $0x1;
	s13 =	sshrl.u32 s15, $0x3  }
0x10: {  	v2 =	vor.u32 $0x13D0, v4;
	v3 =	vor.u32 $0x13E0, v4;
	v4 =	vor.u32 $0x13F0, v4;
	s15 =	simm.s32 $0x100;
	s9 =	sadd.s32 $0x59200, s12;
	s12 =	simm.s32 $0x4  }
.LBB2_1:
0x11: {  	[tilespmem:s4], [sflag:$0x1] =	stream.linear.gather [hbm4b:s6+s4], $0x100, $0x38;
	[tilespmem:$0x1FE80] =	vst v63  }
0x12: {  	[spmem:s11], [sflag:s8] =	dma.local [hbm:s7], $0x2780  }
0x13: {  	_ =	swait.ge [sflag:s12], $0x2780  }
0x14: {  	[sflag:s12] =	ssyncset.done $0x0  }
0x15: {  	[sflag:s12] =	ssyncadd.s32 $0xFFFFD880  }
0x16: {  	[spmem:s13], [sflag:s8] =	dma.local [hbm:s5], $0x1400  }
0x17: {  	_ =	swait.ge [sflag:s12], $0x1400  }
0x18: {  	[sflag:s12] =	ssyncset.done $0x0  }
0x19: {  	[sflag:s12] =	ssyncadd.s32 $0xFFFFEC00  }
0x1a: {  	_ =	swait.ge [sflag:s14], $0x100  }
0x1b: {  	[sflag:s14] =	ssyncset.done $0x0  }
0x1c: {  	s22 =	sadd.s32 $0xFFFFD880, s6;
	[sflag:s14] =	ssyncadd.s32 $0xFFFFFF00  }
0x1d: {  	s23 =	sadd.s32 $0x27A0, s22;
	[bflag:$0x0] =	sbarrier.arrive $0xFFFF  }
0x1e: {  	[tilespmem:s15], [sflag:$0x2] =	stream.linear.gather [hbm4b:s23+s4], $0x100, $0x38;
	[tilespmem:$0x1FE80] =	vst v63  }
0x1f: {  	v5 =	vld [tilespmem:$0xB0]  }
0x20: {  	v6 =	vld [tilespmem:$0xA0]  }
0x21: {  	v7 =	vld [tilespmem:$0x90]  }
0x22: {  	v8 =	vld [tilespmem:$0x80];
	_ =	sdelay $0x1  }
0x23: {  	v5 =	vsub.s32 v5, v0  }
0x24: {  	v6 =	vsub.s32 v6, v0;
	vm0 =	vlt.u32 v5, $0x13C0  }
0x25: {  	v7 =	vsub.s32 v7, v0;
	vm1 =	vlt.u32 v6, $0x13C0;
	v5 =	vsel vm0, v5, v4  }
0x26: {  	v8 =	vsub.s32 v8, v0;
	vm10 =	vlt.u32 v7, $0x13C0;
	v6 =	vsel vm1, v6, v3;
	[tilespmem:$0x230] =	vst v5  }
0x27: {  	vm11 =	vlt.u32 v8, $0x13C0;
	v5 =	vsel vm10, v7, v2;
	[tilespmem:$0x220] =	vst v6  }
0x28: {  	v6 =	vsel vm11, v8, v1;
	[tilespmem:$0x210] =	vst v5  }
0x29: {  	[tilespmem:$0x200] =	vst v6  }
0x2a: {  	[tilespmem:s17], [sflag:$0x3] =	stream.indirect.gather [spmem:s2], $0x80, s4, s16, $0xb8;
	[tilespmem:$0x1FE80] =	vst v63  }
0x2b: {  	_ =	swait.ge [sflag:s18], $0x2000  }
0x2c: {  	[sflag:s18] =	ssyncset.done $0x0  }
0x2d: {  	[sflag:s18] =	ssyncadd.s32 $0xFFFFE000  }
0x2e: {  	[spmem:s3] =	stream.indirect.scatter.add.f32 [tilespmem:s17], [sflag:$0x4], $0x80, s19, s16, $0xb8;
	[tilespmem:$0x1FE80] =	vst v63  }
0x2f: {  	_ =	swait.ge [sflag:s12], $0x2000  }
0x30: {  	[sflag:s12] =	ssyncset.done $0x0  }
0x31: {  	[sflag:s12] =	ssyncadd.s32 $0xFFFFE000  }
0x32: {  	_ =	swait.ge [sflag:s20], $0x100  }
0x33: {  	[sflag:s20] =	ssyncset.done $0x0  }
0x34: {  	s22 =	sadd.s32 $0x27C0, s22;
	[sflag:s20] =	ssyncadd.s32 $0xFFFFFF00  }
0x35: {  	[tilespmem:s4], [sflag:$0x1] =	stream.linear.gather [hbm4b:s22+s4], $0x100, $0x38;
	[tilespmem:$0x1FE80] =	vst v63  }
0x36: {  	v5 =	vld [tilespmem:$0x1B0]  }
0x37: {  	v6 =	vld [tilespmem:$0x180]  }
0x38: {  	v7 =	vld [tilespmem:$0x190]  }
0x39: {  	v63 =	vld [tilespmem:$0x1A0];
	_ =	sdelay $0x1  }
0x3a: {  	v5 =	vsub.s32 v5, v0  }
0x3b: {  	v6 =	vsub.s32 v6, v0;
	vm12 =	vlt.u32 v5, $0x13C0  }
0x3c: {  	v7 =	vsub.s32 v7, v0;
	vm13 =	vlt.u32 v6, $0x13C0;
	v5 =	vsel vm12, v5, v4  }
0x3d: {  	v8 =	vsub.s32 v63, v0;
	vm14 =	vlt.u32 v7, $0x13C0;
	v6 =	vsel vm13, v6, v1;
	[tilespmem:$0x230] =	vst v5  }
0x3e: {  	vm15 =	vlt.u32 v8, $0x13C0;
	[tilespmem:$0x200] =	vst v6;
	v5 =	vsel vm14, v7, v2  }
0x3f: {  	[tilespmem:$0x210] =	vst v5;
	v5 =	vsel vm15, v8, v3  }
0x40: {  	[tilespmem:$0x220] =	vst v5  }
0x41: {  	[tilespmem:s17], [sflag:$0x3] =	stream.indirect.gather [spmem:s2], $0x80, s15, s16, $0xb8;
	[tilespmem:$0x1FE80] =	vst v63  }
0x42: {  	_ =	swait.ge [sflag:s18], $0x2000  }
0x43: {  	[sflag:s18] =	ssyncset.done $0x0  }
0x44: {  	s22 =	simm.s32 $0xFFFFD8C0;
	[sflag:s18] =	ssyncadd.s32 $0xFFFFE000  }
.LBB2_2:
0x45: {  	[spmem:s3] =	stream.indirect.scatter.add.f32 [tilespmem:s17], [sflag:$0x4], $0x80, s19, s16, $0xb8;
	[tilespmem:$0x1FE80] =	vst v63  }
0x46: {  	s23 =	smov.u32 s22  }
0x47: {  	p0 =	sne.s32 s22, $0xFFFFFFC0;
	s22 =	sadd.s32 $0x40, s22;
	_ =	swait.ge [sflag:s12], $0x2000  }
0x48: {  	[sflag:s12] =	ssyncset.done $0x0  }
0x49: {  	[sflag:s12] =	ssyncadd.s32 $0xFFFFE000  }
0x4a: {  	_ =	swait.ge [sflag:s14], $0x100  }
0x4b: {  	s23 =	sadd.s32 s23, s6;
	[sflag:s14] =	ssyncset.done $0x0  }
0x4c: {  	s24 =	sadd.s32 $0x27A0, s23;
	[sflag:s14] =	ssyncadd.s32 $0xFFFFFF00  }
0x4d: {  	[tilespmem:s15], [sflag:$0x2] =	stream.linear.gather [hbm4b:s24+s4], $0x100, $0x38;
	[tilespmem:$0x1FE80] =	vst v63  }
0x4e: {  	v5 =	vld [tilespmem:$0xB0]  }
0x4f: {  	v6 =	vld [tilespmem:$0xA0]  }
0x50: {  	v7 =	vld [tilespmem:$0x90]  }
0x51: {  	v8 =	vld [tilespmem:$0x80];
	_ =	sdelay $0x1  }
0x52: {  	v5 =	vsub.s32 v5, v0  }
0x53: {  	v6 =	vsub.s32 v6, v0;
	vm0 =	vlt.u32 v5, $0x13C0  }
0x54: {  	v7 =	vsub.s32 v7, v0;
	vm1 =	vlt.u32 v6, $0x13C0;
	v5 =	vsel vm0, v5, v4  }
0x55: {  	v8 =	vsub.s32 v8, v0;
	vm0 =	vlt.u32 v7, $0x13C0;
	v6 =	vsel vm1, v6, v3;
	[tilespmem:$0x230] =	vst v5  }
0x56: {  	vm1 =	vlt.u32 v8, $0x13C0;
	v5 =	vsel vm0, v7, v2;
	[tilespmem:$0x220] =	vst v6  }
0x57: {  	v6 =	vsel vm1, v8, v1;
	[tilespmem:$0x210] =	vst v5  }
0x58: {  	[tilespmem:$0x200] =	vst v6  }
0x59: {  	[tilespmem:s17], [sflag:$0x3] =	stream.indirect.gather [spmem:s2], $0x80, s4, s16, $0xb8;
	[tilespmem:$0x1FE80] =	vst v63  }
0x5a: {  	_ =	swait.ge [sflag:s18], $0x2000  }
0x5b: {  	[sflag:s18] =	ssyncset.done $0x0  }
0x5c: {  	[sflag:s18] =	ssyncadd.s32 $0xFFFFE000  }
0x5d: {  	[spmem:s3] =	stream.indirect.scatter.add.f32 [tilespmem:s17], [sflag:$0x4], $0x80, s19, s16, $0xb8;
	[tilespmem:$0x1FE80] =	vst v63  }
0x5e: {  	_ =	swait.ge [sflag:s12], $0x2000  }
0x5f: {  	[sflag:s12] =	ssyncset.done $0x0  }
0x60: {  	[sflag:s12] =	ssyncadd.s32 $0xFFFFE000  }
0x61: {  	_ =	swait.ge [sflag:s20], $0x100  }
0x62: {  	[sflag:s20] =	ssyncset.done $0x0  }
0x63: {  	s23 =	sadd.s32 $0x27C0, s23;
	[sflag:s20] =	ssyncadd.s32 $0xFFFFFF00  }
0x64: {  	[tilespmem:s4], [sflag:$0x1] =	stream.linear.gather [hbm4b:s23+s4], $0x100, $0x38;
	[tilespmem:$0x1FE80] =	vst v63  }
0x65: {  	v5 =	vld [tilespmem:$0x1B0]  }
0x66: {  	v6 =	vld [tilespmem:$0x180]  }
0x67: {  	v7 =	vld [tilespmem:$0x190]  }
0x68: {  	v8 =	vld [tilespmem:$0x1A0];
	_ =	sdelay $0x1  }
0x69: {  	v5 =	vsub.s32 v5, v0  }
0x6a: {  	v6 =	vsub.s32 v6, v0;
	vm0 =	vlt.u32 v5, $0x13C0  }
0x6b: {  	vm1 =	vlt.u32 v6, $0x13C0;
	v7 =	vsub.s32 v7, v0;
	v5 =	vsel vm0, v5, v4  }
0x6c: {  	v6 =	vsel vm1, v6, v1;
	vm0 =	vlt.u32 v7, $0x13C0;
	v8 =	vsub.s32 v8, v0;
	[tilespmem:$0x230] =	vst v5  }
0x6d: {  	[tilespmem:$0x200] =	vst v6;
	v5 =	vsel vm0, v7, v2;
	vm0 =	vlt.u32 v8, $0x13C0  }
0x6e: {  	[tilespmem:$0x210] =	vst v5;
	v5 =	vsel vm0, v8, v3  }
.Ltmp0:
0x6f: {  	[tilespmem:$0x220] =	vst v5;
	(pc) =	sbr.rel @p0 .LBB2_2-.Ltmp0, $4  }
0x70: {  	[tilespmem:s17], [sflag:$0x3] =	stream.indirect.gather [spmem:s2], $0x80, s15, s16, $0xb8;
	[tilespmem:$0x1FE80] =	vst v63  }
0x71: {  	_ =	swait.ge [sflag:s18], $0x2000  }
0x72: {  	[sflag:s18] =	ssyncset.done $0x0  }
0x73: {  	[sflag:s18] =	ssyncadd.s32 $0xFFFFE000  }
0x74: {  	[spmem:s3] =	stream.indirect.scatter.add.f32 [tilespmem:s17], [sflag:$0x4], $0x80, s19, s16, $0xb8;
	[tilespmem:$0x1FE80] =	vst v63  }
0x75: {  	_ =	swait.ge [sflag:s12], $0x2000  }
0x76: {  	[sflag:s12] =	ssyncset.done $0x0  }
0x77: {  	[sflag:s12] =	ssyncadd.s32 $0xFFFFE000  }
0x78: {  	_ =	swait.ge [sflag:s14], $0x100  }
0x79: {  	s21 =	sadd.s32 $0x1, s21;
	[sflag:s14] =	ssyncset.done $0x0  }
0x7a: {  	p0 =	sne.s32 s21, s10;
	[sflag:s14] =	ssyncadd.s32 $0xFFFFFF00  }
.Ltmp1:
0x7b: {  	[bflag:$0x0] =	sbarrier.arrive $0xFFFF;
	(pc) =	sbr.rel @p0 .LBB2_1-.Ltmp1, $4  }
0x7c: {  	[hbm:s9], [sflag:s8] =	dma.local [spmem:s13], $0x1400  }
0x7d: {  	_ =	swait.ge [sflag:s12], $0x1400  }
0x7e: {  	[sflag:s12] =	ssyncset.done $0x0  }
0x7f: {  	[sflag:s12] =	ssyncadd.s32 $0xFFFFEC00  }
0x80: {  	_ =	sfence.sel $0x180000  }
0x81: {  	[bflag:$0x0] =	sbarrier.arrive $0xFFFF  }
0x82: {  	p0 =	sne.s32 s0, $0x0;
	_ =	strace $0x90000047  }
0x83: {  	s0 =	sadd.s32 @!p0 $0x100000, s1;
	[bflag:$0x2] =	sbarrier.arrive $0xFFFF  }
0x84: {  	[sflag:s0] =	ssyncadd.tile.s32 @!p0 $0x1;
	_ =	shalt  }
.Lfunc_end2:
_tile_overlayer_lowered:
.L_overlay_start_2:
0x85: {  	(tag) =	ssettag $0x2  }
0x86: {  	s0 =	rddreg [dreg:$0x0];
	s2 =	stileid.u32  }
0x87: {  	s1 =	rddreg [dreg:$0x1];
	p0 =	sne.s32 s2, $0x0  }
0x88: {  	s3 =	rddreg [dreg:$0x2];
	[bflag:$0x3] =	sbarrier.arrive $0xFFFF;
	s2 =	simm.s32 @!p0 $0x1C04  }
0x89: {  	[timem:s3], [sflag:s2] =	dma.local @!p0 [hbm:s0], s1  }
0x8a: {  	s0 =	simm.s32 @!p0 $0x4  }
0x8b: {  	_ =	swait.ge @!p0 [sflag:s0], s1  }
0x8c: {  	s1 =	ssub.s32 @!p0 $0x0, s1;
	[sflag:s0] =	ssyncset.done @!p0 $0x0  }
0x8d: {  	[sflag:s0] =	ssyncadd.s32 @!p0 s1  }
0x8e: {  	[bflag:$0x3] =	sbarrier.arrive $0xFFFF  }
0x8f: {  	_ =	shalt  }

// kernel: kernel.17.cloned.1.call-start
scs
__scs_entry_jumppad:
0x0: {  	(pc) =	sbr.rel $0x88, $3  }
0x1: {  	(tag) =	ssettag $0x0;
	lr =	simm.s32 $0x1  }
0x2: {  	[smem:$0x3F94] =	sst lr;
	_ =	strace $0xD0000000  }
0x3: {  	_ = 	snop  }
0x4: {  	_ = 	snop  }
0x5: {  	_ = 	snop  }
0x6: {  	_ = 	snop  }
0x7: {  	_ = 	snop  }
__scs_overlays_trampoline_lowered:
0x8: {  	[smem:$0x3FA3] =	sst s0  }
0x9: {  	[smem:$0x3FA4] =	sst s1  }
0xa: {  	[smem:$0x3FA5] =	sst s2  }
0xb: {  	[smem:$0x3FA6] =	sst s3  }
0xc: {  	[smem:$0x3FA7] =	sst s4  }
0xd: {  	[smem:$0x3FA8] =	sst s5  }
0xe: {  	[smem:$0x3FA9] =	sst s6  }
0xf: {  	[smem:$0x3FAA] =	sst s7  }
0x10: {  	[smem:$0x3FAB] =	sst s8  }
0x11: {  	[smem:$0x3FAC] =	sst s9;
	s0 =	simm.s32 @!p0 $0x0  }
0x12: {  	s1 =	sld [smem:$0x3F92];
	s0 =	simm.s32 @p0 $0x1  }
0x13: {  	[smem:$0x3FAD] =	sst s0;
	s0 =	simm.s32 @!p1 $0x0  }
0x14: {  	s2 =	sld [smem:$0x3F91];
	s0 =	simm.s32 @p1 $0x1  }
0x15: {  	[smem:$0x3FAE] =	sst s0;
	s0 =	simm.s32 @!p2 $0x0  }
0x16: {  	s3 =	sld [smem:$0x3FDB];
	s0 =	simm.s32 @p2 $0x1  }
0x17: {  	s4 =	simm.s32 $0x1BF5;
	[smem:$0x3FB0] =	sst s0  }
0x18: {  	s0 =	sld [smem:$0x3F93];
	_ =	swait.ge [sflag:s4], $0x0  }
0x19: {  	s7 =	sld [smem:$0x3F94]  }
0x1a: {  	s8 =	sadd.s32 $0xFFFFE003, lr  }
0x1b: {  	s9 =	sadd.s32 $0xFFFFFEF7, lr;
	s5 =	simm.s32 $0xFFFFFFFF;
	p2 =	slt.u32 s8, $0xFFFFF086  }
0x1c: {  	p1 =	slt.u32 s9, $0xF7A;
	s5 =	simm.s32 @!p2 $0x0  }
0x1d: {  	s5 =	simm.s32 @p1 $0x1;
	p0 =	seq.s32 s7, s2  }
0x1e: {  	s7 =	smul.u32 @!p0 $0xF7A, s2;
	p2 =	seq.s32 @!p0 s5, $0x0  }
0x1f: {  	s9 =	smul.u32 $0xF7A, s1;
	s8 =	simm.s32 @!p0 $0x1BF5;
	p2 =	por !p2, p0  }
0x20: {  	[sflag:s8] =	ssyncset.s32 @!p0 $0xFFFFF086;
	s6 =	sadd.s32 @!p0 s3, s7;
	s7 =	simm.s32 @!p0 $0x108  }
0x21: {  	s3 =	sadd.s32 s3, s9;
	s6 =	sadd.s32 @!p0 $0x88, s6;
	s7 =	simm.s32 @p2 $0x1082  }
0x22: {  	[simem:s7], [sflag:s8] =	dma.local @!p0 [hbm:s6], $0xF7A  }
0x23: {  	s9 =	sor.u32 $0xD0000000, s2;
	s6 =	simm.s32 $0x108;
	_ =	swait.ge @!p0 [sflag:s8], $0x0  }
0x24: {  	s3 =	sadd.s32 $0x88, s3;
	s6 =	simm.s32 @!p1 $0x1082;
	[sflag:s4] =	ssyncset.s32 $0xFFFFF086  }
0x25: {  	[simem:s6], [sflag:s4] =	dma.local [hbm:s3], $0xF7A  }
0x26: {  	[smem:$0x3F94] =	sst s1;
	(tag) =	ssettag s2;
	_ =	strace s9  }
0x27: {  	s1 =	sld [smem:$0x3FA4]  }
0x28: {  	s2 =	sld [smem:$0x3FA5]  }
0x29: {  	s4 =	sld [smem:$0x3FA7]  }
0x2a: {  	p0 =	seq.s32 s5, $0x0;
	s5 =	sld [smem:$0x3FA8]  }
0x2b: {  	s6 =	sld [smem:$0x3FA9]  }
0x2c: {  	s7 =	sld [smem:$0x3FAA]  }
0x2d: {  	s3 =	simm.s32 $0x108;
	s8 =	sld [smem:$0x3FAB]  }
0x2e: {  	s3 =	simm.s32 @!p0 $0x1082;
	s9 =	sld [smem:$0x3FAC]  }
0x2f: {  	lr =	sadd.s32 s0, s3;
	s0 =	sld [smem:$0x3FA3]  }
0x30: {  	s3 =	sld [smem:$0x3FA6]  }
0x31: {  	[smem:$0x3FAF] =	sst s10  }
0x32: {  	s10 =	sld [smem:$0x3FAD];
	_ =	sdelay $0x3  }
0x33: {  	p0 =	seq.s32 s10, $0x1;
	s10 =	sld [smem:$0x3FAF];
	_ =	sdelay $0x3  }
0x34: {  	[smem:$0x3FAF] =	sst s10  }
0x35: {  	s10 =	sld [smem:$0x3FAE];
	_ =	sdelay $0x3  }
0x36: {  	p1 =	seq.s32 s10, $0x1;
	s10 =	sld [smem:$0x3FAF];
	_ =	sdelay $0x3  }
0x37: {  	[smem:$0x3FAF] =	sst s10  }
0x38: {  	s10 =	sld [smem:$0x3FB0]  }
0x39: {  	_ = 	snop;
	(pc) =	sbr.ind lr, $3  }
0x3a: {  	_ = 	snop  }
0x3b: {  	_ = 	snop  }
0x3c: {  	p2 =	seq.s32 s10, $0x1;
	s10 =	sld [smem:$0x3FAF]  }
0x3d: {  	_ =	shalt  }
0x3e: {  	_ =	shalt  }
0x3f: {  	_ =	shalt  }
0x40: {  	_ =	shalt  }
0x41: {  	_ =	shalt  }
0x42: {  	_ =	shalt  }
0x43: {  	_ =	shalt  }
0x44: {  	_ =	shalt  }
0x45: {  	_ =	shalt  }
0x46: {  	_ =	shalt  }
0x47: {  	_ =	shalt  }
0x48: {  	_ =	shalt  }
0x49: {  	_ =	shalt  }
0x4a: {  	_ =	shalt  }
0x4b: {  	_ =	shalt  }
0x4c: {  	_ =	shalt  }
0x4d: {  	_ =	shalt  }
0x4e: {  	_ =	shalt  }
0x4f: {  	_ =	shalt  }
0x50: {  	_ =	shalt  }
0x51: {  	_ =	shalt  }
0x52: {  	_ =	shalt  }
0x53: {  	_ =	shalt  }
0x54: {  	_ =	shalt  }
0x55: {  	_ =	shalt  }
0x56: {  	_ =	shalt  }
0x57: {  	_ =	shalt  }
0x58: {  	_ =	shalt  }
0x59: {  	_ =	shalt  }
0x5a: {  	_ =	shalt  }
0x5b: {  	_ =	shalt  }
0x5c: {  	_ =	shalt  }
0x5d: {  	_ =	shalt  }
0x5e: {  	_ =	shalt  }
0x5f: {  	_ =	shalt  }
0x60: {  	_ =	shalt  }
0x61: {  	_ =	shalt  }
0x62: {  	_ =	shalt  }
0x63: {  	_ =	shalt  }
0x64: {  	_ =	shalt  }
0x65: {  	_ =	shalt  }
0x66: {  	_ =	shalt  }
0x67: {  	_ =	shalt  }
0x68: {  	_ =	shalt  }
0x69: {  	_ =	shalt  }
0x6a: {  	_ =	shalt  }
0x6b: {  	_ =	shalt  }
0x6c: {  	_ =	shalt  }
0x6d: {  	_ =	shalt  }
0x6e: {  	_ =	shalt  }
0x6f: {  	_ =	shalt  }
0x70: {  	_ =	shalt  }
0x71: {  	_ =	shalt  }
0x72: {  	_ =	shalt  }
0x73: {  	_ =	shalt  }
0x74: {  	_ =	shalt  }
0x75: {  	_ =	shalt  }
0x76: {  	_ =	shalt  }
0x77: {  	_ =	shalt  }
0x78: {  	_ =	shalt  }
0x79: {  	_ =	shalt  }
0x7a: {  	_ =	shalt  }
0x7b: {  	_ =	shalt  }
0x7c: {  	_ =	shalt  }
0x7d: {  	_ =	shalt  }
0x7e: {  	_ =	shalt  }
0x7f: {  	_ =	shalt  }
0x80: {  	_ =	shalt  }
0x81: {  	_ =	shalt  }
0x82: {  	_ =	shalt  }
0x83: {  	_ =	shalt  }
0x84: {  	_ =	shalt  }
0x85: {  	_ =	shalt  }
0x86: {  	_ =	shalt  }
0x87: {  	_ =	shalt  }
.Lfunc_end0:
.L_simem_size_0:
called_computation.2_lowered:
.L_overlay_start_0:
0x88: {  	s2 =	sld [smem:$0x3FD9]  }
0x89: {  	s3 =	sld [smem:$0x3FFE];
	_ =	sdelay $0x1  }
0x8a: {  	s1 =	srdreg.scid  }
0x8b: {  	s0 =	sand.u32 $0x1, s1  }
0x8c: {  	s16 =	sshll.u32 s0, $0xA;
	s2 =	sadd.s32 s3, s2  }
0x8d: {  	s2 =	sadd.s32 s2, s16  }
0x8e: {  	[smem:$0x3FBB] =	sst s2  }
0x8f: {  	_ = 	snop  }
0x90: {  	(tm) =	ssettm $0x1  }
0x91: {  	s17 =	sld [smem:$0x3FFB];
	_ =	sdelay $0x3  }
0x92: {  	_ =	strace s17  }
0x93: {  	s2 =	sld [smem:$0x3FFC];
	_ =	sdelay $0x3  }
0x94: {  	_ =	strace s2  }
0x95: {  	s2 =	sld [smem:$0x3FFD];
	_ =	sdelay $0x3  }
0x96: {  	_ =	strace s2  }
0x97: {  	_ =	strace $0x8FFFFFFF  }
0x98: {  	s18 =	sld [smem:$0x3FDB];
	_ =	sdelay $0x1  }
0x99: {  	s19 =	simm.s32 $_scs_section_size  }
0x9a: {  	s4 =	simm.s32 $_size__tile_overlayer_lowered;
	s5 =	simm.s32 $_tile_overlayer_lowered  }
0x9b: {  	s22 =	simm.s32 $0x1BFF;
	s21 =	sshll.u32 s5, $0x1;
	s2 =	sadd.s32 s19, s18  }
0x9c: {  	s6 =	simm.s32 $0x0;
	s20 =	sshll.u32 s4, $0x1;
	s4 =	sadd.s32 s21, s2  }
0x9d: {  	[timem:s6], [sflag:s22] =	dma.local [hbm:s4], s20  }
0x9e: {  	_ =	swait.ge [sflag:s22], s20  }
0x9f: {  	s3 =	ssub.s32 $0x0, s20;
	[sflag:s22] =	ssyncset.done $0x0  }
0xa0: {  	[sflag:s22] =	ssyncadd.s32 s3;
	_ =	sdelay $0x1  }
0xa1: {  	s23 =	simm.s32 $0x1B8B  }
0xa2: {  	_ =	swait.ge [sflag:s23], $0x1  }
0xa3: {  	[sflag:s23] =	ssyncset.done $0x0  }
0xa4: {  	s25 =	simm.s32 $0x1B8E;
	s24 =	sld [smem:$0x3FFE];
	[sflag:s23] =	ssyncadd.s32 $0xFFFFFFFF  }
0xa5: {  	s26 =	simm.s32 $execute0_lowered;
	[smem:$0x3FD2] =	sst s25  }
0xa6: {  	s4 =	sshll.u32 s26, $0x1;
	_ =	strace $0x8000004C;
	[dreg:$0x1] =	wrdreg $0xFFFFFFFF  }
0xa7: {  	s28 =	simm.s32 $_size_execute0_lowered;
	s2 =	sadd.s32 s2, s4;
	[dreg:$0x0] =	wrdreg $0x0  }
0xa8: {  	s4 =	sshll.u32 s28, $0x1;
	[dreg:$0x2] =	wrdreg s2  }
0xa9: {  	[dreg:$0x3] =	wrdreg s4  }
0xaa: {  	[dreg:$0x4] =	wrdreg $0xC0  }
0xab: {  	_ =	task [dreg:s6], $0x5FFFF  }
0xac: {  	[dreg:$0x1] =	wrdreg $0xFFFFFFFF  }
0xad: {  	[dreg:$0x0] =	wrdreg $0x60  }
0xae: {  	[dreg:$0x2] =	wrdreg s24  }
0xaf: {  	[dreg:$0x3] =	wrdreg $0x22800  }
0xb0: {  	[dreg:$0x4] =	wrdreg $0x15E800  }
0xb1: {  	[dreg:$0x5] =	wrdreg $0x9  }
0xb2: {  	_ =	task.clear_ibuf [dreg:s6], $0x6FFFF;
	_ =	strace $0x9000004C  }
0xb3: {  	s29 =	simm.s32 $0x9;
	_ =	strace $0x8000004E  }
0xb4: {  	_ =	swait.ge [sflag:s29], $0x1  }
0xb5: {  	[sflag:s29] =	ssyncadd.s32 $0xFFFFFFFF  }
0xb6: {  	_ =	strace $0x9000004E  }
0xb7: {  	_ =	sfence  }
0xb8: {  	s30 =	sld [smem:$0x0];
	_ =	sdelay $0x2  }
0xb9: {  	s31 =	sshll.u32 s1, $0xD;
	s1 =	sshrl.u32 s1, $0x2  }
0xba: {  	s3 =	sand.u32 $0x4000, s31;
	s1 =	sadd.s32 s1, s30  }
0xbb: {  	s0 =	sor.u32 s3, s0;
	s1 =	sshll.u32 s1, $0x11  }
0xbc: {  	s0 =	sor.u32 s1, s0  }
0xbd: {  	s0 =	sadd.s32 $0x8F2B, s0  }
0xbe: {  	[sflag:s0] =	ssyncadd.remote.s32 $0x1  }
0xbf: {  	_ =	sfence.sel $0xFFFF  }
0xc0: {  	[dreg:$0x0] =	wrdreg $0xFFFFFFFF;
	(pc) =	sbr.abs _section_cstart, $3  }
0xc1: {  	[dreg:$0x1] =	wrdreg $0xFFFFFFFF  }
0xc2: {  	_ =	task.clear_ibuf [dreg:s6], $0x2FFFF;
	_ =	strace $0x9FFFFFFF  }
0xc3: {  	(tm) =	ssettm $0x7FFFFFFF  }
tec
execute0_lowered:
.L_overlay_start_1:
0x0: {  	(tag) =	ssettag $0x1  }
0x1: {  	s6 =	rddreg [dreg:$0x0]  }
0x2: {  	s0 =	stileid.u32;
	s2 =	rddreg [dreg:$0x1]  }
0x3: {  	s1 =	srdreg.scid;
	s3 =	rddreg [dreg:$0x2];
	s4 =	simm.s32 $0x0  }
0x4: {  	s17 =	simm.s32 $0x280;
	s18 =	simm.s32 $0x3;
	s5 =	smul.u32 $0x2780, s0  }
0x5: {  	s19 =	simm.s32 $0x200;
	s20 =	simm.s32 $0x2;
	s8 =	smul.u32 $0xA000, s0  }
0x6: {  	s9 =	sand.u32 $0x1, s1;
	s1 =	rddreg [dreg:$0x3];
	s11 =	smul.u32 $0x4F000, s0  }
0x7: {  	s21 =	simm.s32 $0x0;
	[smem:$0x7FF] =	sst s4;
	s29 =	smul.u32 $0x28000, s0  }
0x8: {  	s30 =	sshll.u32 s0, $0x6;
	s7 =	smul.u32 $0xA0000, s9;
	_ =	strace $0x8000004D  }
0x9: {  	s25 =	ssub.s32 $0x2, s9;
	s16 =	smul.u32 $0x13C0, s9;
	s10 =	sadd.s32 s5, s6  }
0xa: {  	s5 =	sadd.s32 $0x56A00, s6;
	s26 =	sshrl.u32 s25, $0x1;
	s28 =	sshrl.u32 s11, $0x2  }
0xb: {  	s31 =	sshrl.u32 s29, $0x2;
	s24 =	sadd.s32 s8, s7;
	s13 =	ssub.s32 s25, s26  }
0xc: {  	s14 =	sadd.s32 s28, s2;
	s8 =	sor.u32 $0x1C04, s30;
	s15 =	sadd.s32 s31, s3  }
0xd: {  	v0 =	vmov s16;
	s16 =	simm.s32 $0x40;
	s7 =	sshrl.u32 s24, $0x3;
	s11 =	sshrl.u32 s14, $0x3  }
0xe: {  	v4 =	vlaneseq.u32;
	s14 =	simm.s32 $0x1;
	s12 =	sadd.s32 s7, s6;
	s6 =	sadd.s32 $0x7800, s10  }
0xf: {  	v1 =	vor.u32 $0x13C0, v4;
	s7 =	sadd.s32 $0x59200, s10;
	s10 =	smax.u32 s13, $0x1;
	s13 =	sshrl.u32 s15, $0x3  }
0x10: {  	v2 =	vor.u32 $0x13D0, v4;
	v3 =	vor.u32 $0x13E0, v4;
	v4 =	vor.u32 $0x13F0, v4;
	s15 =	simm.s32 $0x100;
	s9 =	sadd.s32 $0x80A00, s12;
	s12 =	simm.s32 $0x4  }
.LBB2_1:
0x11: {  	[tilespmem:s4], [sflag:$0x1] =	stream.linear.gather [hbm4b:s6+s4], $0x100, $0x38;
	[tilespmem:$0x1FE80] =	vst v63  }
0x12: {  	[spmem:s11], [sflag:s8] =	dma.local [hbm:s7], $0x2780  }
0x13: {  	_ =	swait.ge [sflag:s12], $0x2780  }
0x14: {  	[sflag:s12] =	ssyncset.done $0x0  }
0x15: {  	[sflag:s12] =	ssyncadd.s32 $0xFFFFD880  }
0x16: {  	[spmem:s13], [sflag:s8] =	dma.local [hbm:s5], $0x1400  }
0x17: {  	_ =	swait.ge [sflag:s12], $0x1400  }
0x18: {  	[sflag:s12] =	ssyncset.done $0x0  }
0x19: {  	[sflag:s12] =	ssyncadd.s32 $0xFFFFEC00  }
0x1a: {  	_ =	swait.ge [sflag:s14], $0x100  }
0x1b: {  	[sflag:s14] =	ssyncset.done $0x0  }
0x1c: {  	s22 =	sadd.s32 $0xFFFFD880, s6;
	[sflag:s14] =	ssyncadd.s32 $0xFFFFFF00  }
0x1d: {  	s23 =	sadd.s32 $0x27A0, s22;
	[bflag:$0x0] =	sbarrier.arrive $0xFFFF  }
0x1e: {  	[tilespmem:s15], [sflag:$0x2] =	stream.linear.gather [hbm4b:s23+s4], $0x100, $0x38;
	[tilespmem:$0x1FE80] =	vst v63  }
0x1f: {  	v5 =	vld [tilespmem:$0xB0]  }
0x20: {  	v6 =	vld [tilespmem:$0xA0]  }
0x21: {  	v7 =	vld [tilespmem:$0x90]  }
0x22: {  	v8 =	vld [tilespmem:$0x80];
	_ =	sdelay $0x1  }
0x23: {  	v5 =	vsub.s32 v5, v0  }
0x24: {  	v6 =	vsub.s32 v6, v0;
	vm0 =	vlt.u32 v5, $0x13C0  }
0x25: {  	v7 =	vsub.s32 v7, v0;
	vm1 =	vlt.u32 v6, $0x13C0;
	v5 =	vsel vm0, v5, v4  }
0x26: {  	v8 =	vsub.s32 v8, v0;
	vm10 =	vlt.u32 v7, $0x13C0;
	v6 =	vsel vm1, v6, v3;
	[tilespmem:$0x230] =	vst v5  }
0x27: {  	vm11 =	vlt.u32 v8, $0x13C0;
	v5 =	vsel vm10, v7, v2;
	[tilespmem:$0x220] =	vst v6  }
0x28: {  	v6 =	vsel vm11, v8, v1;
	[tilespmem:$0x210] =	vst v5  }
0x29: {  	[tilespmem:$0x200] =	vst v6  }
0x2a: {  	[tilespmem:s17], [sflag:$0x3] =	stream.indirect.gather [spmem:s2], $0x80, s4, s16, $0xb8;
	[tilespmem:$0x1FE80] =	vst v63  }
0x2b: {  	_ =	swait.ge [sflag:s18], $0x2000  }
0x2c: {  	[sflag:s18] =	ssyncset.done $0x0  }
0x2d: {  	[sflag:s18] =	ssyncadd.s32 $0xFFFFE000  }
0x2e: {  	[spmem:s3] =	stream.indirect.scatter.add.f32 [tilespmem:s17], [sflag:$0x4], $0x80, s19, s16, $0xb8;
	[tilespmem:$0x1FE80] =	vst v63  }
0x2f: {  	_ =	swait.ge [sflag:s12], $0x2000  }
0x30: {  	[sflag:s12] =	ssyncset.done $0x0  }
0x31: {  	[sflag:s12] =	ssyncadd.s32 $0xFFFFE000  }
0x32: {  	_ =	swait.ge [sflag:s20], $0x100  }
0x33: {  	[sflag:s20] =	ssyncset.done $0x0  }
0x34: {  	s22 =	sadd.s32 $0x27C0, s22;
	[sflag:s20] =	ssyncadd.s32 $0xFFFFFF00  }
0x35: {  	[tilespmem:s4], [sflag:$0x1] =	stream.linear.gather [hbm4b:s22+s4], $0x100, $0x38;
	[tilespmem:$0x1FE80] =	vst v63  }
0x36: {  	v5 =	vld [tilespmem:$0x1B0]  }
0x37: {  	v6 =	vld [tilespmem:$0x180]  }
0x38: {  	v7 =	vld [tilespmem:$0x190]  }
0x39: {  	v63 =	vld [tilespmem:$0x1A0];
	_ =	sdelay $0x1  }
0x3a: {  	v5 =	vsub.s32 v5, v0  }
0x3b: {  	v6 =	vsub.s32 v6, v0;
	vm12 =	vlt.u32 v5, $0x13C0  }
0x3c: {  	v7 =	vsub.s32 v7, v0;
	vm13 =	vlt.u32 v6, $0x13C0;
	v5 =	vsel vm12, v5, v4  }
0x3d: {  	v8 =	vsub.s32 v63, v0;
	vm14 =	vlt.u32 v7, $0x13C0;
	v6 =	vsel vm13, v6, v1;
	[tilespmem:$0x230] =	vst v5  }
0x3e: {  	vm15 =	vlt.u32 v8, $0x13C0;
	[tilespmem:$0x200] =	vst v6;
	v5 =	vsel vm14, v7, v2  }
0x3f: {  	[tilespmem:$0x210] =	vst v5;
	v5 =	vsel vm15, v8, v3  }
0x40: {  	[tilespmem:$0x220] =	vst v5  }
0x41: {  	[tilespmem:s17], [sflag:$0x3] =	stream.indirect.gather [spmem:s2], $0x80, s15, s16, $0xb8;
	[tilespmem:$0x1FE80] =	vst v63  }
0x42: {  	_ =	swait.ge [sflag:s18], $0x2000  }
0x43: {  	[sflag:s18] =	ssyncset.done $0x0  }
0x44: {  	s22 =	simm.s32 $0xFFFFD8C0;
	[sflag:s18] =	ssyncadd.s32 $0xFFFFE000  }
.LBB2_2:
0x45: {  	[spmem:s3] =	stream.indirect.scatter.add.f32 [tilespmem:s17], [sflag:$0x4], $0x80, s19, s16, $0xb8;
	[tilespmem:$0x1FE80] =	vst v63  }
0x46: {  	s23 =	smov.u32 s22  }
0x47: {  	p0 =	sne.s32 s22, $0xFFFFFFC0;
	s22 =	sadd.s32 $0x40, s22;
	_ =	swait.ge [sflag:s12], $0x2000  }
0x48: {  	[sflag:s12] =	ssyncset.done $0x0  }
0x49: {  	[sflag:s12] =	ssyncadd.s32 $0xFFFFE000  }
0x4a: {  	_ =	swait.ge [sflag:s14], $0x100  }
0x4b: {  	s23 =	sadd.s32 s23, s6;
	[sflag:s14] =	ssyncset.done $0x0  }
0x4c: {  	s24 =	sadd.s32 $0x27A0, s23;
	[sflag:s14] =	ssyncadd.s32 $0xFFFFFF00  }
0x4d: {  	[tilespmem:s15], [sflag:$0x2] =	stream.linear.gather [hbm4b:s24+s4], $0x100, $0x38;
	[tilespmem:$0x1FE80] =	vst v63  }
0x4e: {  	v5 =	vld [tilespmem:$0xB0]  }
0x4f: {  	v6 =	vld [tilespmem:$0xA0]  }
0x50: {  	v7 =	vld [tilespmem:$0x90]  }
0x51: {  	v8 =	vld [tilespmem:$0x80];
	_ =	sdelay $0x1  }
0x52: {  	v5 =	vsub.s32 v5, v0  }
0x53: {  	v6 =	vsub.s32 v6, v0;
	vm0 =	vlt.u32 v5, $0x13C0  }
0x54: {  	v7 =	vsub.s32 v7, v0;
	vm1 =	vlt.u32 v6, $0x13C0;
	v5 =	vsel vm0, v5, v4  }
0x55: {  	v8 =	vsub.s32 v8, v0;
	vm0 =	vlt.u32 v7, $0x13C0;
	v6 =	vsel vm1, v6, v3;
	[tilespmem:$0x230] =	vst v5  }
0x56: {  	vm1 =	vlt.u32 v8, $0x13C0;
	v5 =	vsel vm0, v7, v2;
	[tilespmem:$0x220] =	vst v6  }
0x57: {  	v6 =	vsel vm1, v8, v1;
	[tilespmem:$0x210] =	vst v5  }
0x58: {  	[tilespmem:$0x200] =	vst v6  }
0x59: {  	[tilespmem:s17], [sflag:$0x3] =	stream.indirect.gather [spmem:s2], $0x80, s4, s16, $0xb8;
	[tilespmem:$0x1FE80] =	vst v63  }
0x5a: {  	_ =	swait.ge [sflag:s18], $0x2000  }
0x5b: {  	[sflag:s18] =	ssyncset.done $0x0  }
0x5c: {  	[sflag:s18] =	ssyncadd.s32 $0xFFFFE000  }
0x5d: {  	[spmem:s3] =	stream.indirect.scatter.add.f32 [tilespmem:s17], [sflag:$0x4], $0x80, s19, s16, $0xb8;
	[tilespmem:$0x1FE80] =	vst v63  }
0x5e: {  	_ =	swait.ge [sflag:s12], $0x2000  }
0x5f: {  	[sflag:s12] =	ssyncset.done $0x0  }
0x60: {  	[sflag:s12] =	ssyncadd.s32 $0xFFFFE000  }
0x61: {  	_ =	swait.ge [sflag:s20], $0x100  }
0x62: {  	[sflag:s20] =	ssyncset.done $0x0  }
0x63: {  	s23 =	sadd.s32 $0x27C0, s23;
	[sflag:s20] =	ssyncadd.s32 $0xFFFFFF00  }
0x64: {  	[tilespmem:s4], [sflag:$0x1] =	stream.linear.gather [hbm4b:s23+s4], $0x100, $0x38;
	[tilespmem:$0x1FE80] =	vst v63  }
0x65: {  	v5 =	vld [tilespmem:$0x1B0]  }
0x66: {  	v6 =	vld [tilespmem:$0x180]  }
0x67: {  	v7 =	vld [tilespmem:$0x190]  }
0x68: {  	v8 =	vld [tilespmem:$0x1A0];
	_ =	sdelay $0x1  }
0x69: {  	v5 =	vsub.s32 v5, v0  }
0x6a: {  	v6 =	vsub.s32 v6, v0;
	vm0 =	vlt.u32 v5, $0x13C0  }
0x6b: {  	vm1 =	vlt.u32 v6, $0x13C0;
	v7 =	vsub.s32 v7, v0;
	v5 =	vsel vm0, v5, v4  }
0x6c: {  	v6 =	vsel vm1, v6, v1;
	vm0 =	vlt.u32 v7, $0x13C0;
	v8 =	vsub.s32 v8, v0;
	[tilespmem:$0x230] =	vst v5  }
0x6d: {  	[tilespmem:$0x200] =	vst v6;
	v5 =	vsel vm0, v7, v2;
	vm0 =	vlt.u32 v8, $0x13C0  }
0x6e: {  	[tilespmem:$0x210] =	vst v5;
	v5 =	vsel vm0, v8, v3  }
.Ltmp0:
0x6f: {  	[tilespmem:$0x220] =	vst v5;
	(pc) =	sbr.rel @p0 .LBB2_2-.Ltmp0, $4  }
0x70: {  	[tilespmem:s17], [sflag:$0x3] =	stream.indirect.gather [spmem:s2], $0x80, s15, s16, $0xb8;
	[tilespmem:$0x1FE80] =	vst v63  }
0x71: {  	_ =	swait.ge [sflag:s18], $0x2000  }
0x72: {  	[sflag:s18] =	ssyncset.done $0x0  }
0x73: {  	[sflag:s18] =	ssyncadd.s32 $0xFFFFE000  }
0x74: {  	[spmem:s3] =	stream.indirect.scatter.add.f32 [tilespmem:s17], [sflag:$0x4], $0x80, s19, s16, $0xb8;
	[tilespmem:$0x1FE80] =	vst v63  }
0x75: {  	_ =	swait.ge [sflag:s12], $0x2000  }
0x76: {  	[sflag:s12] =	ssyncset.done $0x0  }
0x77: {  	[sflag:s12] =	ssyncadd.s32 $0xFFFFE000  }
0x78: {  	_ =	swait.ge [sflag:s14], $0x100  }
0x79: {  	s21 =	sadd.s32 $0x1, s21;
	[sflag:s14] =	ssyncset.done $0x0  }
0x7a: {  	p0 =	sne.s32 s21, s10;
	[sflag:s14] =	ssyncadd.s32 $0xFFFFFF00  }
.Ltmp1:
0x7b: {  	[bflag:$0x0] =	sbarrier.arrive $0xFFFF;
	(pc) =	sbr.rel @p0 .LBB2_1-.Ltmp1, $4  }
0x7c: {  	[hbm:s9], [sflag:s8] =	dma.local [spmem:s13], $0x1400  }
0x7d: {  	_ =	swait.ge [sflag:s12], $0x1400  }
0x7e: {  	[sflag:s12] =	ssyncset.done $0x0  }
0x7f: {  	[sflag:s12] =	ssyncadd.s32 $0xFFFFEC00  }
0x80: {  	_ =	sfence.sel $0x180000  }
0x81: {  	[bflag:$0x0] =	sbarrier.arrive $0xFFFF  }
0x82: {  	p0 =	sne.s32 s0, $0x0;
	_ =	strace $0x9000004D  }
0x83: {  	s0 =	sadd.s32 @!p0 $0x100000, s1;
	[bflag:$0x2] =	sbarrier.arrive $0xFFFF  }
0x84: {  	[sflag:s0] =	ssyncadd.tile.s32 @!p0 $0x1;
	_ =	shalt  }
.Lfunc_end2:
_tile_overlayer_lowered:
.L_overlay_start_2:
0x85: {  	(tag) =	ssettag $0x2  }
0x86: {  	s0 =	rddreg [dreg:$0x0];
	s2 =	stileid.u32  }
0x87: {  	s1 =	rddreg [dreg:$0x1];
	p0 =	sne.s32 s2, $0x0  }
0x88: {  	s3 =	rddreg [dreg:$0x2];
	[bflag:$0x3] =	sbarrier.arrive $0xFFFF;
	s2 =	simm.s32 @!p0 $0x1C04  }
0x89: {  	[timem:s3], [sflag:s2] =	dma.local @!p0 [hbm:s0], s1  }
0x8a: {  	s0 =	simm.s32 @!p0 $0x4  }
0x8b: {  	_ =	swait.ge @!p0 [sflag:s0], s1  }
0x8c: {  	s1 =	ssub.s32 @!p0 $0x0, s1;
	[sflag:s0] =	ssyncset.done @!p0 $0x0  }
0x8d: {  	[sflag:s0] =	ssyncadd.s32 @!p0 s1  }
0x8e: {  	[bflag:$0x3] =	sbarrier.arrive $0xFFFF  }
0x8f: {  	_ =	shalt  }

// kernel: kernel.20.cloned.1.call-start
scs
__scs_entry_jumppad:
0x0: {  	(pc) =	sbr.rel $0x88, $3  }
0x1: {  	(tag) =	ssettag $0x0;
	lr =	simm.s32 $0x1  }
0x2: {  	[smem:$0x3F94] =	sst lr;
	_ =	strace $0xD0000000  }
0x3: {  	_ = 	snop  }
0x4: {  	_ = 	snop  }
0x5: {  	_ = 	snop  }
0x6: {  	_ = 	snop  }
0x7: {  	_ = 	snop  }
__scs_overlays_trampoline_lowered:
0x8: {  	[smem:$0x3FA3] =	sst s0  }
0x9: {  	[smem:$0x3FA4] =	sst s1  }
0xa: {  	[smem:$0x3FA5] =	sst s2  }
0xb: {  	[smem:$0x3FA6] =	sst s3  }
0xc: {  	[smem:$0x3FA7] =	sst s4  }
0xd: {  	[smem:$0x3FA8] =	sst s5  }
0xe: {  	[smem:$0x3FA9] =	sst s6  }
0xf: {  	[smem:$0x3FAA] =	sst s7  }
0x10: {  	[smem:$0x3FAB] =	sst s8  }
0x11: {  	[smem:$0x3FAC] =	sst s9;
	s0 =	simm.s32 @!p0 $0x0  }
0x12: {  	s1 =	sld [smem:$0x3F92];
	s0 =	simm.s32 @p0 $0x1  }
0x13: {  	[smem:$0x3FAD] =	sst s0;
	s0 =	simm.s32 @!p1 $0x0  }
0x14: {  	s2 =	sld [smem:$0x3F91];
	s0 =	simm.s32 @p1 $0x1  }
0x15: {  	[smem:$0x3FAE] =	sst s0;
	s0 =	simm.s32 @!p2 $0x0  }
0x16: {  	s3 =	sld [smem:$0x3FDB];
	s0 =	simm.s32 @p2 $0x1  }
0x17: {  	s4 =	simm.s32 $0x1BF5;
	[smem:$0x3FB0] =	sst s0  }
0x18: {  	s0 =	sld [smem:$0x3F93];
	_ =	swait.ge [sflag:s4], $0x0  }
0x19: {  	s7 =	sld [smem:$0x3F94]  }
0x1a: {  	s8 =	sadd.s32 $0xFFFFE003, lr  }
0x1b: {  	s9 =	sadd.s32 $0xFFFFFEF7, lr;
	s5 =	simm.s32 $0xFFFFFFFF;
	p2 =	slt.u32 s8, $0xFFFFF086  }
0x1c: {  	p1 =	slt.u32 s9, $0xF7A;
	s5 =	simm.s32 @!p2 $0x0  }
0x1d: {  	s5 =	simm.s32 @p1 $0x1;
	p0 =	seq.s32 s7, s2  }
0x1e: {  	s7 =	smul.u32 @!p0 $0xF7A, s2;
	p2 =	seq.s32 @!p0 s5, $0x0  }
0x1f: {  	s9 =	smul.u32 $0xF7A, s1;
	s8 =	simm.s32 @!p0 $0x1BF5;
	p2 =	por !p2, p0  }
0x20: {  	[sflag:s8] =	ssyncset.s32 @!p0 $0xFFFFF086;
	s6 =	sadd.s32 @!p0 s3, s7;
	s7 =	simm.s32 @!p0 $0x108  }
0x21: {  	s3 =	sadd.s32 s3, s9;
	s6 =	sadd.s32 @!p0 $0x88, s6;
	s7 =	simm.s32 @p2 $0x1082  }
0x22: {  	[simem:s7], [sflag:s8] =	dma.local @!p0 [hbm:s6], $0xF7A  }
0x23: {  	s9 =	sor.u32 $0xD0000000, s2;
	s6 =	simm.s32 $0x108;
	_ =	swait.ge @!p0 [sflag:s8], $0x0  }
0x24: {  	s3 =	sadd.s32 $0x88, s3;
	s6 =	simm.s32 @!p1 $0x1082;
	[sflag:s4] =	ssyncset.s32 $0xFFFFF086  }
0x25: {  	[simem:s6], [sflag:s4] =	dma.local [hbm:s3], $0xF7A  }
0x26: {  	[smem:$0x3F94] =	sst s1;
	(tag) =	ssettag s2;
	_ =	strace s9  }
0x27: {  	s1 =	sld [smem:$0x3FA4]  }
0x28: {  	s2 =	sld [smem:$0x3FA5]  }
0x29: {  	s4 =	sld [smem:$0x3FA7]  }
0x2a: {  	p0 =	seq.s32 s5, $0x0;
	s5 =	sld [smem:$0x3FA8]  }
0x2b: {  	s6 =	sld [smem:$0x3FA9]  }
0x2c: {  	s7 =	sld [smem:$0x3FAA]  }
0x2d: {  	s3 =	simm.s32 $0x108;
	s8 =	sld [smem:$0x3FAB]  }
0x2e: {  	s3 =	simm.s32 @!p0 $0x1082;
	s9 =	sld [smem:$0x3FAC]  }
0x2f: {  	lr =	sadd.s32 s0, s3;
	s0 =	sld [smem:$0x3FA3]  }
0x30: {  	s3 =	sld [smem:$0x3FA6]  }
0x31: {  	[smem:$0x3FAF] =	sst s10  }
0x32: {  	s10 =	sld [smem:$0x3FAD];
	_ =	sdelay $0x3  }
0x33: {  	p0 =	seq.s32 s10, $0x1;
	s10 =	sld [smem:$0x3FAF];
	_ =	sdelay $0x3  }
0x34: {  	[smem:$0x3FAF] =	sst s10  }
0x35: {  	s10 =	sld [smem:$0x3FAE];
	_ =	sdelay $0x3  }
0x36: {  	p1 =	seq.s32 s10, $0x1;
	s10 =	sld [smem:$0x3FAF];
	_ =	sdelay $0x3  }
0x37: {  	[smem:$0x3FAF] =	sst s10  }
0x38: {  	s10 =	sld [smem:$0x3FB0]  }
0x39: {  	_ = 	snop;
	(pc) =	sbr.ind lr, $3  }
0x3a: {  	_ = 	snop  }
0x3b: {  	_ = 	snop  }
0x3c: {  	p2 =	seq.s32 s10, $0x1;
	s10 =	sld [smem:$0x3FAF]  }
0x3d: {  	_ =	shalt  }
0x3e: {  	_ =	shalt  }
0x3f: {  	_ =	shalt  }
0x40: {  	_ =	shalt  }
0x41: {  	_ =	shalt  }
0x42: {  	_ =	shalt  }
0x43: {  	_ =	shalt  }
0x44: {  	_ =	shalt  }
0x45: {  	_ =	shalt  }
0x46: {  	_ =	shalt  }
0x47: {  	_ =	shalt  }
0x48: {  	_ =	shalt  }
0x49: {  	_ =	shalt  }
0x4a: {  	_ =	shalt  }
0x4b: {  	_ =	shalt  }
0x4c: {  	_ =	shalt  }
0x4d: {  	_ =	shalt  }
0x4e: {  	_ =	shalt  }
0x4f: {  	_ =	shalt  }
0x50: {  	_ =	shalt  }
0x51: {  	_ =	shalt  }
0x52: {  	_ =	shalt  }
0x53: {  	_ =	shalt  }
0x54: {  	_ =	shalt  }
0x55: {  	_ =	shalt  }
0x56: {  	_ =	shalt  }
0x57: {  	_ =	shalt  }
0x58: {  	_ =	shalt  }
0x59: {  	_ =	shalt  }
0x5a: {  	_ =	shalt  }
0x5b: {  	_ =	shalt  }
0x5c: {  	_ =	shalt  }
0x5d: {  	_ =	shalt  }
0x5e: {  	_ =	shalt  }
0x5f: {  	_ =	shalt  }
0x60: {  	_ =	shalt  }
0x61: {  	_ =	shalt  }
0x62: {  	_ =	shalt  }
0x63: {  	_ =	shalt  }
0x64: {  	_ =	shalt  }
0x65: {  	_ =	shalt  }
0x66: {  	_ =	shalt  }
0x67: {  	_ =	shalt  }
0x68: {  	_ =	shalt  }
0x69: {  	_ =	shalt  }
0x6a: {  	_ =	shalt  }
0x6b: {  	_ =	shalt  }
0x6c: {  	_ =	shalt  }
0x6d: {  	_ =	shalt  }
0x6e: {  	_ =	shalt  }
0x6f: {  	_ =	shalt  }
0x70: {  	_ =	shalt  }
0x71: {  	_ =	shalt  }
0x72: {  	_ =	shalt  }
0x73: {  	_ =	shalt  }
0x74: {  	_ =	shalt  }
0x75: {  	_ =	shalt  }
0x76: {  	_ =	shalt  }
0x77: {  	_ =	shalt  }
0x78: {  	_ =	shalt  }
0x79: {  	_ =	shalt  }
0x7a: {  	_ =	shalt  }
0x7b: {  	_ =	shalt  }
0x7c: {  	_ =	shalt  }
0x7d: {  	_ =	shalt  }
0x7e: {  	_ =	shalt  }
0x7f: {  	_ =	shalt  }
0x80: {  	_ =	shalt  }
0x81: {  	_ =	shalt  }
0x82: {  	_ =	shalt  }
0x83: {  	_ =	shalt  }
0x84: {  	_ =	shalt  }
0x85: {  	_ =	shalt  }
0x86: {  	_ =	shalt  }
0x87: {  	_ =	shalt  }
.Lfunc_end0:
.L_simem_size_0:
called_computation.3_lowered:
.L_overlay_start_0:
0x88: {  	s2 =	sld [smem:$0x3FD9]  }
0x89: {  	s3 =	sld [smem:$0x3FFE];
	_ =	sdelay $0x1  }
0x8a: {  	s1 =	srdreg.scid  }
0x8b: {  	s0 =	sand.u32 $0x1, s1  }
0x8c: {  	s16 =	sshll.u32 s0, $0xA;
	s2 =	sadd.s32 s3, s2  }
0x8d: {  	s2 =	sadd.s32 s2, s16  }
0x8e: {  	[smem:$0x3FBB] =	sst s2  }
0x8f: {  	_ = 	snop  }
0x90: {  	(tm) =	ssettm $0x1  }
0x91: {  	s17 =	sld [smem:$0x3FFB];
	_ =	sdelay $0x3  }
0x92: {  	_ =	strace s17  }
0x93: {  	s2 =	sld [smem:$0x3FFC];
	_ =	sdelay $0x3  }
0x94: {  	_ =	strace s2  }
0x95: {  	s2 =	sld [smem:$0x3FFD];
	_ =	sdelay $0x3  }
0x96: {  	_ =	strace s2  }
0x97: {  	_ =	strace $0x8FFFFFFF  }
0x98: {  	s18 =	sld [smem:$0x3FDB];
	_ =	sdelay $0x1  }
0x99: {  	s19 =	simm.s32 $_scs_section_size  }
0x9a: {  	s4 =	simm.s32 $_size__tile_overlayer_lowered;
	s5 =	simm.s32 $_tile_overlayer_lowered  }
0x9b: {  	s22 =	simm.s32 $0x1BFF;
	s21 =	sshll.u32 s5, $0x1;
	s2 =	sadd.s32 s19, s18  }
0x9c: {  	s6 =	simm.s32 $0x0;
	s20 =	sshll.u32 s4, $0x1;
	s4 =	sadd.s32 s21, s2  }
0x9d: {  	[timem:s6], [sflag:s22] =	dma.local [hbm:s4], s20  }
0x9e: {  	_ =	swait.ge [sflag:s22], s20  }
0x9f: {  	s3 =	ssub.s32 $0x0, s20;
	[sflag:s22] =	ssyncset.done $0x0  }
0xa0: {  	[sflag:s22] =	ssyncadd.s32 s3;
	_ =	sdelay $0x1  }
0xa1: {  	s23 =	simm.s32 $0x1B8B  }
0xa2: {  	_ =	swait.ge [sflag:s23], $0x1  }
0xa3: {  	[sflag:s23] =	ssyncset.done $0x0  }
0xa4: {  	s25 =	simm.s32 $0x1B8E;
	s24 =	sld [smem:$0x3FFE];
	[sflag:s23] =	ssyncadd.s32 $0xFFFFFFFF  }
0xa5: {  	s26 =	simm.s32 $execute0_lowered;
	[smem:$0x3FD2] =	sst s25  }
0xa6: {  	s4 =	sshll.u32 s26, $0x1;
	_ =	strace $0x8000004F;
	[dreg:$0x1] =	wrdreg $0xFFFFFFFF  }
0xa7: {  	s28 =	simm.s32 $_size_execute0_lowered;
	s2 =	sadd.s32 s2, s4;
	[dreg:$0x0] =	wrdreg $0x0  }
0xa8: {  	s4 =	sshll.u32 s28, $0x1;
	[dreg:$0x2] =	wrdreg s2  }
0xa9: {  	[dreg:$0x3] =	wrdreg s4  }
0xaa: {  	[dreg:$0x4] =	wrdreg $0xC0  }
0xab: {  	_ =	task [dreg:s6], $0x5FFFF  }
0xac: {  	[dreg:$0x1] =	wrdreg $0xFFFFFFFF  }
0xad: {  	[dreg:$0x0] =	wrdreg $0x60  }
0xae: {  	[dreg:$0x2] =	wrdreg s24  }
0xaf: {  	[dreg:$0x3] =	wrdreg $0x22800  }
0xb0: {  	[dreg:$0x4] =	wrdreg $0x15E800  }
0xb1: {  	[dreg:$0x5] =	wrdreg $0x9  }
0xb2: {  	_ =	task.clear_ibuf [dreg:s6], $0x6FFFF;
	_ =	strace $0x9000004F  }
0xb3: {  	s29 =	simm.s32 $0x9;
	_ =	strace $0x80000051  }
0xb4: {  	_ =	swait.ge [sflag:s29], $0x1  }
0xb5: {  	[sflag:s29] =	ssyncadd.s32 $0xFFFFFFFF  }
0xb6: {  	_ =	strace $0x90000051  }
0xb7: {  	_ =	sfence  }
0xb8: {  	s30 =	sld [smem:$0x0];
	_ =	sdelay $0x2  }
0xb9: {  	s31 =	sshll.u32 s1, $0xD;
	s1 =	sshrl.u32 s1, $0x2  }
0xba: {  	s3 =	sand.u32 $0x4000, s31;
	s1 =	sadd.s32 s1, s30  }
0xbb: {  	s0 =	sor.u32 s3, s0;
	s1 =	sshll.u32 s1, $0x11  }
0xbc: {  	s0 =	sor.u32 s1, s0  }
0xbd: {  	s0 =	sadd.s32 $0x8F2B, s0  }
0xbe: {  	[sflag:s0] =	ssyncadd.remote.s32 $0x1  }
0xbf: {  	_ =	sfence.sel $0xFFFF  }
0xc0: {  	[dreg:$0x0] =	wrdreg $0xFFFFFFFF;
	(pc) =	sbr.abs _section_cstart, $3  }
0xc1: {  	[dreg:$0x1] =	wrdreg $0xFFFFFFFF  }
0xc2: {  	_ =	task.clear_ibuf [dreg:s6], $0x2FFFF;
	_ =	strace $0x9FFFFFFF  }
0xc3: {  	(tm) =	ssettm $0x7FFFFFFF  }
tec
execute0_lowered:
.L_overlay_start_1:
0x0: {  	(tag) =	ssettag $0x1  }
0x1: {  	s6 =	rddreg [dreg:$0x0]  }
0x2: {  	s0 =	stileid.u32;
	s2 =	rddreg [dreg:$0x1]  }
0x3: {  	s1 =	srdreg.scid;
	s3 =	rddreg [dreg:$0x2];
	s4 =	simm.s32 $0x0  }
0x4: {  	s17 =	simm.s32 $0x280;
	s18 =	simm.s32 $0x3;
	s5 =	smul.u32 $0x2780, s0  }
0x5: {  	s19 =	simm.s32 $0x200;
	s20 =	simm.s32 $0x2;
	s8 =	smul.u32 $0xA000, s0  }
0x6: {  	s9 =	sand.u32 $0x1, s1;
	s1 =	rddreg [dreg:$0x3];
	s11 =	smul.u32 $0x4F000, s0  }
0x7: {  	s21 =	simm.s32 $0x0;
	[smem:$0x7FF] =	sst s4;
	s29 =	smul.u32 $0x28000, s0  }
0x8: {  	s30 =	sshll.u32 s0, $0x6;
	s7 =	smul.u32 $0xA0000, s9;
	_ =	strace $0x80000050  }
0x9: {  	s25 =	ssub.s32 $0x2, s9;
	s16 =	smul.u32 $0x13C0, s9;
	s10 =	sadd.s32 s5, s6  }
0xa: {  	s5 =	sadd.s32 $0x56A00, s6;
	s26 =	sshrl.u32 s25, $0x1;
	s28 =	sshrl.u32 s11, $0x2  }
0xb: {  	s31 =	sshrl.u32 s29, $0x2;
	s24 =	sadd.s32 s8, s7;
	s13 =	ssub.s32 s25, s26  }
0xc: {  	s14 =	sadd.s32 s28, s2;
	s8 =	sor.u32 $0x1C04, s30;
	s15 =	sadd.s32 s31, s3  }
0xd: {  	v0 =	vmov s16;
	s16 =	simm.s32 $0x40;
	s7 =	sshrl.u32 s24, $0x3;
	s11 =	sshrl.u32 s14, $0x3  }
0xe: {  	v4 =	vlaneseq.u32;
	s14 =	simm.s32 $0x1;
	s12 =	sadd.s32 s7, s6;
	s6 =	sadd.s32 $0x7800, s10  }
0xf: {  	v1 =	vor.u32 $0x13C0, v4;
	s7 =	sadd.s32 $0x59200, s10;
	s10 =	smax.u32 s13, $0x1;
	s13 =	sshrl.u32 s15, $0x3  }
0x10: {  	v2 =	vor.u32 $0x13D0, v4;
	v3 =	vor.u32 $0x13E0, v4;
	v4 =	vor.u32 $0x13F0, v4;
	s15 =	simm.s32 $0x100;
	s9 =	sadd.s32 $0x80A00, s12;
	s12 =	simm.s32 $0x4  }
.LBB2_1:
0x11: {  	[tilespmem:s4], [sflag:$0x1] =	stream.linear.gather [hbm4b:s6+s4], $0x100, $0x38;
	[tilespmem:$0x1FE80] =	vst v63  }
0x12: {  	[spmem:s11], [sflag:s8] =	dma.local [hbm:s7], $0x2780  }
0x13: {  	_ =	swait.ge [sflag:s12], $0x2780  }
0x14: {  	[sflag:s12] =	ssyncset.done $0x0  }
0x15: {  	[sflag:s12] =	ssyncadd.s32 $0xFFFFD880  }
0x16: {  	[spmem:s13], [sflag:s8] =	dma.local [hbm:s5], $0x1400  }
0x17: {  	_ =	swait.ge [sflag:s12], $0x1400  }
0x18: {  	[sflag:s12] =	ssyncset.done $0x0  }
0x19: {  	[sflag:s12] =	ssyncadd.s32 $0xFFFFEC00  }
0x1a: {  	_ =	swait.ge [sflag:s14], $0x100  }
0x1b: {  	[sflag:s14] =	ssyncset.done $0x0  }
0x1c: {  	s22 =	sadd.s32 $0xFFFFD880, s6;
	[sflag:s14] =	ssyncadd.s32 $0xFFFFFF00  }
0x1d: {  	s23 =	sadd.s32 $0x27A0, s22;
	[bflag:$0x0] =	sbarrier.arrive $0xFFFF  }
0x1e: {  	[tilespmem:s15], [sflag:$0x2] =	stream.linear.gather [hbm4b:s23+s4], $0x100, $0x38;
	[tilespmem:$0x1FE80] =	vst v63  }
0x1f: {  	v5 =	vld [tilespmem:$0xB0]  }
0x20: {  	v6 =	vld [tilespmem:$0xA0]  }
0x21: {  	v7 =	vld [tilespmem:$0x90]  }
0x22: {  	v8 =	vld [tilespmem:$0x80];
	_ =	sdelay $0x1  }
0x23: {  	v5 =	vsub.s32 v5, v0  }
0x24: {  	v6 =	vsub.s32 v6, v0;
	vm0 =	vlt.u32 v5, $0x13C0  }
0x25: {  	v7 =	vsub.s32 v7, v0;
	vm1 =	vlt.u32 v6, $0x13C0;
	v5 =	vsel vm0, v5, v4  }
0x26: {  	v8 =	vsub.s32 v8, v0;
	vm10 =	vlt.u32 v7, $0x13C0;
	v6 =	vsel vm1, v6, v3;
	[tilespmem:$0x230] =	vst v5  }
0x27: {  	vm11 =	vlt.u32 v8, $0x13C0;
	v5 =	vsel vm10, v7, v2;
	[tilespmem:$0x220] =	vst v6  }
0x28: {  	v6 =	vsel vm11, v8, v1;
	[tilespmem:$0x210] =	vst v5  }
0x29: {  	[tilespmem:$0x200] =	vst v6  }
0x2a: {  	[tilespmem:s17], [sflag:$0x3] =	stream.indirect.gather [spmem:s2], $0x80, s4, s16, $0xb8;
	[tilespmem:$0x1FE80] =	vst v63  }
0x2b: {  	_ =	swait.ge [sflag:s18], $0x2000  }
0x2c: {  	[sflag:s18] =	ssyncset.done $0x0  }
0x2d: {  	[sflag:s18] =	ssyncadd.s32 $0xFFFFE000  }
0x2e: {  	[spmem:s3] =	stream.indirect.scatter.add.f32 [tilespmem:s17], [sflag:$0x4], $0x80, s19, s16, $0xb8;
	[tilespmem:$0x1FE80] =	vst v63  }
0x2f: {  	_ =	swait.ge [sflag:s12], $0x2000  }
0x30: {  	[sflag:s12] =	ssyncset.done $0x0  }
0x31: {  	[sflag:s12] =	ssyncadd.s32 $0xFFFFE000  }
0x32: {  	_ =	swait.ge [sflag:s20], $0x100  }
0x33: {  	[sflag:s20] =	ssyncset.done $0x0  }
0x34: {  	s22 =	sadd.s32 $0x27C0, s22;
	[sflag:s20] =	ssyncadd.s32 $0xFFFFFF00  }
0x35: {  	[tilespmem:s4], [sflag:$0x1] =	stream.linear.gather [hbm4b:s22+s4], $0x100, $0x38;
	[tilespmem:$0x1FE80] =	vst v63  }
0x36: {  	v5 =	vld [tilespmem:$0x1B0]  }
0x37: {  	v6 =	vld [tilespmem:$0x180]  }
0x38: {  	v7 =	vld [tilespmem:$0x190]  }
0x39: {  	v63 =	vld [tilespmem:$0x1A0];
	_ =	sdelay $0x1  }
0x3a: {  	v5 =	vsub.s32 v5, v0  }
0x3b: {  	v6 =	vsub.s32 v6, v0;
	vm12 =	vlt.u32 v5, $0x13C0  }
0x3c: {  	v7 =	vsub.s32 v7, v0;
	vm13 =	vlt.u32 v6, $0x13C0;
	v5 =	vsel vm12, v5, v4  }
0x3d: {  	v8 =	vsub.s32 v63, v0;
	vm14 =	vlt.u32 v7, $0x13C0;
	v6 =	vsel vm13, v6, v1;
	[tilespmem:$0x230] =	vst v5  }
0x3e: {  	vm15 =	vlt.u32 v8, $0x13C0;
	[tilespmem:$0x200] =	vst v6;
	v5 =	vsel vm14, v7, v2  }
0x3f: {  	[tilespmem:$0x210] =	vst v5;
	v5 =	vsel vm15, v8, v3  }
0x40: {  	[tilespmem:$0x220] =	vst v5  }
0x41: {  	[tilespmem:s17], [sflag:$0x3] =	stream.indirect.gather [spmem:s2], $0x80, s15, s16, $0xb8;
	[tilespmem:$0x1FE80] =	vst v63  }
0x42: {  	_ =	swait.ge [sflag:s18], $0x2000  }
0x43: {  	[sflag:s18] =	ssyncset.done $0x0  }
0x44: {  	s22 =	simm.s32 $0xFFFFD8C0;
	[sflag:s18] =	ssyncadd.s32 $0xFFFFE000  }
.LBB2_2:
0x45: {  	[spmem:s3] =	stream.indirect.scatter.add.f32 [tilespmem:s17], [sflag:$0x4], $0x80, s19, s16, $0xb8;
	[tilespmem:$0x1FE80] =	vst v63  }
0x46: {  	s23 =	smov.u32 s22  }
0x47: {  	p0 =	sne.s32 s22, $0xFFFFFFC0;
	s22 =	sadd.s32 $0x40, s22;
	_ =	swait.ge [sflag:s12], $0x2000  }
0x48: {  	[sflag:s12] =	ssyncset.done $0x0  }
0x49: {  	[sflag:s12] =	ssyncadd.s32 $0xFFFFE000  }
0x4a: {  	_ =	swait.ge [sflag:s14], $0x100  }
0x4b: {  	s23 =	sadd.s32 s23, s6;
	[sflag:s14] =	ssyncset.done $0x0  }
0x4c: {  	s24 =	sadd.s32 $0x27A0, s23;
	[sflag:s14] =	ssyncadd.s32 $0xFFFFFF00  }
0x4d: {  	[tilespmem:s15], [sflag:$0x2] =	stream.linear.gather [hbm4b:s24+s4], $0x100, $0x38;
	[tilespmem:$0x1FE80] =	vst v63  }
0x4e: {  	v5 =	vld [tilespmem:$0xB0]  }
0x4f: {  	v6 =	vld [tilespmem:$0xA0]  }
0x50: {  	v7 =	vld [tilespmem:$0x90]  }
0x51: {  	v8 =	vld [tilespmem:$0x80];
	_ =	sdelay $0x1  }
0x52: {  	v5 =	vsub.s32 v5, v0  }
0x53: {  	v6 =	vsub.s32 v6, v0;
	vm0 =	vlt.u32 v5, $0x13C0  }
0x54: {  	v7 =	vsub.s32 v7, v0;
	vm1 =	vlt.u32 v6, $0x13C0;
	v5 =	vsel vm0, v5, v4  }
0x55: {  	v8 =	vsub.s32 v8, v0;
	vm0 =	vlt.u32 v7, $0x13C0;
	v6 =	vsel vm1, v6, v3;
	[tilespmem:$0x230] =	vst v5  }
0x56: {  	vm1 =	vlt.u32 v8, $0x13C0;
	v5 =	vsel vm0, v7, v2;
	[tilespmem:$0x220] =	vst v6  }
0x57: {  	v6 =	vsel vm1, v8, v1;
	[tilespmem:$0x210] =	vst v5  }
0x58: {  	[tilespmem:$0x200] =	vst v6  }
0x59: {  	[tilespmem:s17], [sflag:$0x3] =	stream.indirect.gather [spmem:s2], $0x80, s4, s16, $0xb8;
	[tilespmem:$0x1FE80] =	vst v63  }
0x5a: {  	_ =	swait.ge [sflag:s18], $0x2000  }
0x5b: {  	[sflag:s18] =	ssyncset.done $0x0  }
0x5c: {  	[sflag:s18] =	ssyncadd.s32 $0xFFFFE000  }
0x5d: {  	[spmem:s3] =	stream.indirect.scatter.add.f32 [tilespmem:s17], [sflag:$0x4], $0x80, s19, s16, $0xb8;
	[tilespmem:$0x1FE80] =	vst v63  }
0x5e: {  	_ =	swait.ge [sflag:s12], $0x2000  }
0x5f: {  	[sflag:s12] =	ssyncset.done $0x0  }
0x60: {  	[sflag:s12] =	ssyncadd.s32 $0xFFFFE000  }
0x61: {  	_ =	swait.ge [sflag:s20], $0x100  }
0x62: {  	[sflag:s20] =	ssyncset.done $0x0  }
0x63: {  	s23 =	sadd.s32 $0x27C0, s23;
	[sflag:s20] =	ssyncadd.s32 $0xFFFFFF00  }
0x64: {  	[tilespmem:s4], [sflag:$0x1] =	stream.linear.gather [hbm4b:s23+s4], $0x100, $0x38;
	[tilespmem:$0x1FE80] =	vst v63  }
0x65: {  	v5 =	vld [tilespmem:$0x1B0]  }
0x66: {  	v6 =	vld [tilespmem:$0x180]  }
0x67: {  	v7 =	vld [tilespmem:$0x190]  }
0x68: {  	v8 =	vld [tilespmem:$0x1A0];
	_ =	sdelay $0x1  }
0x69: {  	v5 =	vsub.s32 v5, v0  }
0x6a: {  	v6 =	vsub.s32 v6, v0;
	vm0 =	vlt.u32 v5, $0x13C0  }
0x6b: {  	vm1 =	vlt.u32 v6, $0x13C0;
	v7 =	vsub.s32 v7, v0;
	v5 =	vsel vm0, v5, v4  }
0x6c: {  	v6 =	vsel vm1, v6, v1;
	vm0 =	vlt.u32 v7, $0x13C0;
	v8 =	vsub.s32 v8, v0;
	[tilespmem:$0x230] =	vst v5  }
0x6d: {  	[tilespmem:$0x200] =	vst v6;
	v5 =	vsel vm0, v7, v2;
	vm0 =	vlt.u32 v8, $0x13C0  }
0x6e: {  	[tilespmem:$0x210] =	vst v5;
	v5 =	vsel vm0, v8, v3  }
.Ltmp0:
0x6f: {  	[tilespmem:$0x220] =	vst v5;
	(pc) =	sbr.rel @p0 .LBB2_2-.Ltmp0, $4  }
0x70: {  	[tilespmem:s17], [sflag:$0x3] =	stream.indirect.gather [spmem:s2], $0x80, s15, s16, $0xb8;
	[tilespmem:$0x1FE80] =	vst v63  }
0x71: {  	_ =	swait.ge [sflag:s18], $0x2000  }
0x72: {  	[sflag:s18] =	ssyncset.done $0x0  }
0x73: {  	[sflag:s18] =	ssyncadd.s32 $0xFFFFE000  }
0x74: {  	[spmem:s3] =	stream.indirect.scatter.add.f32 [tilespmem:s17], [sflag:$0x4], $0x80, s19, s16, $0xb8;
	[tilespmem:$0x1FE80] =	vst v63  }
0x75: {  	_ =	swait.ge [sflag:s12], $0x2000  }
0x76: {  	[sflag:s12] =	ssyncset.done $0x0  }
0x77: {  	[sflag:s12] =	ssyncadd.s32 $0xFFFFE000  }
0x78: {  	_ =	swait.ge [sflag:s14], $0x100  }
0x79: {  	s21 =	sadd.s32 $0x1, s21;
	[sflag:s14] =	ssyncset.done $0x0  }
0x7a: {  	p0 =	sne.s32 s21, s10;
	[sflag:s14] =	ssyncadd.s32 $0xFFFFFF00  }
.Ltmp1:
0x7b: {  	[bflag:$0x0] =	sbarrier.arrive $0xFFFF;
	(pc) =	sbr.rel @p0 .LBB2_1-.Ltmp1, $4  }
0x7c: {  	[hbm:s9], [sflag:s8] =	dma.local [spmem:s13], $0x1400  }
0x7d: {  	_ =	swait.ge [sflag:s12], $0x1400  }
0x7e: {  	[sflag:s12] =	ssyncset.done $0x0  }
0x7f: {  	[sflag:s12] =	ssyncadd.s32 $0xFFFFEC00  }
0x80: {  	_ =	sfence.sel $0x180000  }
0x81: {  	[bflag:$0x0] =	sbarrier.arrive $0xFFFF  }
0x82: {  	p0 =	sne.s32 s0, $0x0;
	_ =	strace $0x90000050  }
0x83: {  	s0 =	sadd.s32 @!p0 $0x100000, s1;
	[bflag:$0x2] =	sbarrier.arrive $0xFFFF  }
0x84: {  	[sflag:s0] =	ssyncadd.tile.s32 @!p0 $0x1;
	_ =	shalt  }
.Lfunc_end2:
_tile_overlayer_lowered:
.L_overlay_start_2:
0x85: {  	(tag) =	ssettag $0x2  }
0x86: {  	s0 =	rddreg [dreg:$0x0];
	s2 =	stileid.u32  }
0x87: {  	s1 =	rddreg [dreg:$0x1];
	p0 =	sne.s32 s2, $0x0  }
0x88: {  	s3 =	rddreg [dreg:$0x2];
	[bflag:$0x3] =	sbarrier.arrive $0xFFFF;
	s2 =	simm.s32 @!p0 $0x1C04  }
0x89: {  	[timem:s3], [sflag:s2] =	dma.local @!p0 [hbm:s0], s1  }
0x8a: {  	s0 =	simm.s32 @!p0 $0x4  }
0x8b: {  	_ =	swait.ge @!p0 [sflag:s0], s1  }
0x8c: {  	s1 =	ssub.s32 @!p0 $0x0, s1;
	[sflag:s0] =	ssyncset.done @!p0 $0x0  }
0x8d: {  	[sflag:s0] =	ssyncadd.s32 @!p0 s1  }
0x8e: {  	[bflag:$0x3] =	sbarrier.arrive $0xFFFF  }
0x8f: {  	_ =	shalt  }

</sc_bundles>
